<compile_context>
chip_gen: v7x
topology: tpu7x:2x2x1
jax: 0.10.2.dev20260603
libtpu: 0.0.44.dev20260713+nightly
codegen_flags: <defaults>
</compile_context>

<pallas_src>
import functools

import jax
import jax.numpy as jnp
from jax import lax
from jax.experimental import pallas as pl
from jax.experimental.pallas import tpu as pltpu
from jax.experimental.pallas import tpu_sc as plsc

N = 10000
E = 320000
F = 128
C = 64

NPAD = 10240
ROWS_PER_TILE = NPAD // 16
CHUNK = 128
NCHK = ((E + CHUNK - 1) // CHUNK + 255) // 256 * 256
EPAD = NCHK * CHUNK
CHUNKS_PER_TILE = NCHK // 32
CHUNKS_PER_SUBCORE = NCHK // 16
FH = F // 2
IDXB = 16
DEGW = 16


def _sc_agg_body(compute_deg, h_hbm, src_hbm, dst_hbm, *refs):
    if compute_deg:
        (agg_out, deg_out, src_v, dst_v, rows_v0, rows_v1, ones_v,
         table_sp, acc_sp, deg_sp, sem0, sem1) = refs
    else:
        (agg_out, src_v, dst_v, rows_v0, rows_v1,
         table_sp, acc_sp, sem0, sem1) = refs
    cid = lax.axis_index("c")
    tid = lax.axis_index("s")

    def fill(i, _):
        for g in range(FH // 16):
            rows_v0[i, pl.ds(g * 16, 16)] = jnp.zeros((16,), jnp.float32)
        if compute_deg:
            ones_v[i, :] = jnp.ones((DEGW,), jnp.float32)
        return 0
    lax.fori_loop(0, CHUNK, fill, 0)

    my0 = tid * ROWS_PER_TILE
    for k in range(ROWS_PER_TILE // CHUNK):
        pltpu.sync_copy(rows_v0, acc_sp.at[pl.ds(my0 + k * CHUNK, CHUNK)])
        if compute_deg:
            pltpu.sync_copy(rows_v0.at[pl.ds(0, CHUNK), pl.ds(0, DEGW)],
                            deg_sp.at[pl.ds(my0 + k * CHUNK, CHUNK)])

    @pl.when(cid == 0)
    def _():
        pltpu.sync_copy(h_hbm.at[pl.ds(my0, ROWS_PER_TILE), pl.ds(0, FH)],
                        table_sp.at[pl.ds(my0, ROWS_PER_TILE)])

    @pl.when(cid == 1)
    def _():
        pltpu.sync_copy(h_hbm.at[pl.ds(my0, ROWS_PER_TILE), pl.ds(FH, FH)],
                        table_sp.at[pl.ds(my0, ROWS_PER_TILE)])
    plsc.subcore_barrier()

    def outer(g, _):
        base = tid * CHUNKS_PER_SUBCORE + g * IDXB
        pltpu.sync_copy(src_hbm.at[pl.ds(base, IDXB)], src_v)
        pltpu.sync_copy(dst_hbm.at[pl.ds(base, IDXB)], dst_v)
        pltpu.async_copy(table_sp.at[src_v.at[0]], rows_v0, sem0)

        def inner(jj, _):
            j = jj * 2
            pltpu.make_async_copy(table_sp.at[src_v.at[0]], rows_v0, sem0).wait()
            pltpu.async_copy(table_sp.at[src_v.at[j + 1]], rows_v1, sem1)
            pltpu.sync_copy(rows_v0, acc_sp.at[dst_v.at[j]], add=True)
            if compute_deg:
                @pl.when((g + jj) % 2 == cid)
                def _():
                    pltpu.sync_copy(ones_v, deg_sp.at[dst_v.at[j]], add=True)

            pltpu.make_async_copy(table_sp.at[src_v.at[0]], rows_v1, sem1).wait()

            @pl.when(jj + 1 < IDXB // 2)
            def _():
                pltpu.async_copy(table_sp.at[src_v.at[j + 2]], rows_v0, sem0)
            pltpu.sync_copy(rows_v1, acc_sp.at[dst_v.at[j + 1]], add=True)
            if compute_deg:
                @pl.when((g + jj) % 2 != cid)
                def _():
                    pltpu.sync_copy(ones_v, deg_sp.at[dst_v.at[j + 1]], add=True)
            return 0
        lax.fori_loop(0, IDXB // 2, inner, 0)
        return 0
    lax.fori_loop(0, CHUNKS_PER_SUBCORE // IDXB, outer, 0)

    plsc.subcore_barrier()

    @pl.when(cid == 0)
    def _():
        pltpu.sync_copy(acc_sp.at[pl.ds(my0, ROWS_PER_TILE)],
                        agg_out.at[pl.ds(my0, ROWS_PER_TILE), pl.ds(0, FH)])

    @pl.when(cid == 1)
    def _():
        pltpu.sync_copy(acc_sp.at[pl.ds(my0, ROWS_PER_TILE)],
                        agg_out.at[pl.ds(my0, ROWS_PER_TILE), pl.ds(FH, FH)])
    if compute_deg:
        pltpu.sync_copy(deg_sp.at[pl.ds(my0, ROWS_PER_TILE)],
                        deg_out.at[pl.ds(cid * NPAD + my0, ROWS_PER_TILE)])


_SC_PARAMS = pltpu.CompilerParams(use_tc_tiling_on_sc=False)
_SC_MESH = dict(core_axis_name="c", subcore_axis_name="s")

def _make_sc_agg(compute_deg):
    out_type = [jax.ShapeDtypeStruct((NPAD, F), jnp.float32)]
    scratch = [
        pltpu.VMEM((IDXB, CHUNK), jnp.int32),
        pltpu.VMEM((IDXB, CHUNK), jnp.int32),
        pltpu.VMEM((CHUNK, FH), jnp.float32),
        pltpu.VMEM((CHUNK, FH), jnp.float32),
    ]
    if compute_deg:
        out_type.append(jax.ShapeDtypeStruct((2 * NPAD, DEGW), jnp.float32))
        scratch.append(pltpu.VMEM((CHUNK, DEGW), jnp.float32))
    scratch.append(pltpu.VMEM_SHARED((NPAD, FH), jnp.float32))
    scratch.append(pltpu.VMEM_SHARED((NPAD, FH), jnp.float32))
    if compute_deg:
        scratch.append(pltpu.VMEM_SHARED((NPAD, DEGW), jnp.float32))
    scratch += [pltpu.SemaphoreType.DMA, pltpu.SemaphoreType.DMA]
    return pl.kernel(
        functools.partial(_sc_agg_body, compute_deg),
        out_type=out_type if compute_deg else out_type[0],
        mesh=plsc.VectorSubcoreMesh(**_SC_MESH),
        scratch_types=scratch,
        compiler_params=_SC_PARAMS,
    )


_sc_agg_deg = _make_sc_agg(True)
_sc_agg = _make_sc_agg(False)


def _sc_deg_body(dst_hbm, deg_out, dst_v, ones_v, zbuf_v, deg_sp):
    cid = lax.axis_index("c")
    tid = lax.axis_index("s")
    wid = cid * 16 + tid

    def fill(i, _):
        ones_v[i, :] = jnp.ones((DEGW,), jnp.float32)
        zbuf_v[i, :] = jnp.zeros((DEGW,), jnp.float32)
        return 0
    lax.fori_loop(0, CHUNK, fill, 0)

    my0 = tid * ROWS_PER_TILE
    for k in range(ROWS_PER_TILE // CHUNK):
        pltpu.sync_copy(zbuf_v, deg_sp.at[pl.ds(my0 + k * CHUNK, CHUNK)])
    plsc.subcore_barrier()

    pltpu.sync_copy(dst_hbm.at[pl.ds(wid * CHUNKS_PER_TILE, CHUNKS_PER_TILE)], dst_v)

    def edge_body(j, _):
        pltpu.sync_copy(ones_v, deg_sp.at[dst_v.at[j]], add=True)
        return 0
    lax.fori_loop(0, CHUNKS_PER_TILE, edge_body, 0)

    plsc.subcore_barrier()

    out0 = cid * NPAD + my0
    pltpu.sync_copy(deg_sp.at[pl.ds(my0, ROWS_PER_TILE), pl.ds(0, 8)],
                    deg_out.at[pl.ds(out0, ROWS_PER_TILE)])


_sc_deg = pl.kernel(
    _sc_deg_body,
    out_type=jax.ShapeDtypeStruct((2 * NPAD, 8), jnp.float32),
    mesh=plsc.VectorSubcoreMesh(**_SC_MESH),
    scratch_types=[
        pltpu.VMEM((CHUNKS_PER_TILE, CHUNK), jnp.int32),
        pltpu.VMEM((CHUNK, DEGW), jnp.float32),
        pltpu.VMEM((CHUNK, DEGW), jnp.float32),
        pltpu.VMEM_SHARED((NPAD, DEGW), jnp.float32),
    ],
    compiler_params=_SC_PARAMS,
)

_BLK = 1280
_NB = NPAD // _BLK


def _tc_layer1_body(x, a, d0, d1, wl, wr, b, o):
    inv = 1.0 / jnp.clip(d0[..., :1] + d1[..., :1], 1.0, None)
    h = (jnp.dot(x[...], wl[...], preferred_element_type=jnp.float32)
         + jnp.dot(a[...] * inv, wr[...], preferred_element_type=jnp.float32)
         + b[...])
    o[...] = jnp.maximum(h, 0.0)


def _tc_layer2_body(x, a, d0, d1, wl, wr, b, wm, bm, o):
    inv = 1.0 / jnp.clip(d0[..., :1] + d1[..., :1], 1.0, None)
    h = (jnp.dot(x[...], wl[...], preferred_element_type=jnp.float32)
         + jnp.dot(a[...] * inv, wr[...], preferred_element_type=jnp.float32)
         + b[...])
    h = jnp.maximum(h, 0.0)
    logits = jnp.dot(h, wm[...], preferred_element_type=jnp.float32) + bm[...]
    m = jnp.max(logits, axis=1, keepdims=True)
    s = logits - m
    lse = jnp.log(jnp.sum(jnp.exp(s), axis=1, keepdims=True))
    o[...] = s - lse


def _row_spec(w):
    return pl.BlockSpec((_BLK, w), lambda i: (i, 0))


def _hi_spec(w):
    return pl.BlockSpec((_BLK, w), lambda i: (i + _NB, 0))


def _full_spec(h, w):
    return pl.BlockSpec((h, w), lambda i: (0, 0))


def _tc_layer1(x, a, deg, wl, wr, b):
    return pl.pallas_call(
        _tc_layer1_body,
        grid=(_NB,),
        in_specs=[_row_spec(F), _row_spec(F),
                  _row_spec(8), _hi_spec(8),
                  _full_spec(F, F), _full_spec(F, F), _full_spec(1, F)],
        out_specs=_row_spec(F),
        out_shape=jax.ShapeDtypeStruct((NPAD, F), jnp.float32),
    )(x, a, deg, deg, wl, wr, b)


def _tc_layer2(x, a, deg, wl, wr, b, wm, bm):
    return pl.pallas_call(
        _tc_layer2_body,
        grid=(_NB,),
        in_specs=[_row_spec(F), _row_spec(F),
                  _row_spec(8), _hi_spec(8),
                  _full_spec(F, F), _full_spec(F, F), _full_spec(1, F),
                  _full_spec(F, C), _full_spec(1, C)],
        out_specs=_row_spec(C),
        out_shape=jax.ShapeDtypeStruct((NPAD, C), jnp.float32),
    )(x, a, deg, deg, wl, wr, b, wm, bm)


def kernel(x, edge_index, W1l, W1r, b1, W2l, W2r, b2, Wm, bm):
    src = edge_index[0]
    dst = edge_index[1]
    pad = EPAD - E
    src_p = jnp.concatenate([src, jnp.zeros((pad,), jnp.int32)]).reshape(NCHK, CHUNK)
    dst_p = jnp.concatenate([dst, jnp.full((pad,), N, jnp.int32)]).reshape(NCHK, CHUNK)

    xp = jnp.concatenate([x, jnp.zeros((NPAD - N, F), jnp.float32)])

    agg1 = _sc_agg(xp, src_p, dst_p)
    deg = _sc_deg(dst_p)

    h1 = _tc_layer1(xp, agg1, deg, W1l, W1r, b1.reshape(1, F))

    agg2 = _sc_agg(h1, src_p, dst_p)

    out = _tc_layer2(h1, agg2, deg, W2l, W2r, b2.reshape(1, F),
                     Wm, bm.reshape(1, C))
    return out[:N]

# --- scband reference (transcript-rebuilt; emitter-appended) ---
"""Pipeline reference for scband-sage-78580721648122 (READ-ONLY COPY).

The authoritative reference and input builder live on the scoring server;
editing this copy changes nothing except your own understanding.
"""

import jax, jax.numpy as jnp
import numpy as np

N = 10000
E = 320000
F_IN = 128
H = 128
C = 64


def setup_inputs(seed: int = 0) -> dict:
    key = jax.random.key(seed)
    ks = jax.random.split(key, 12)
    x = jax.random.normal(ks[0], (N, F_IN), dtype=jnp.float32)
    edge_index = jax.random.randint(ks[1], (2, E), 0, N, dtype=jnp.int32)
    s_in = 1.0 / np.sqrt(F_IN)
    s_h = 1.0 / np.sqrt(H)
    W1l = jax.random.uniform(ks[2], (F_IN, H), jnp.float32, -s_in, s_in)
    W1r = jax.random.uniform(ks[3], (F_IN, H), jnp.float32, -s_in, s_in)
    b1 = jnp.zeros((H,), jnp.float32)
    W2l = jax.random.uniform(ks[4], (H, H), jnp.float32, -s_h, s_h)
    W2r = jax.random.uniform(ks[5], (H, H), jnp.float32, -s_h, s_h)
    b2 = jnp.zeros((H,), jnp.float32)
    Wm = jax.random.normal(ks[6], (H, C), dtype=jnp.float32) * 0.05
    bm = jnp.zeros((C,), jnp.float32)
    return {"x": x, "edge_index": edge_index, "W1l": W1l, "W1r": W1r, "b1": b1,
            "W2l": W2l, "W2r": W2r, "b2": b2, "Wm": Wm, "bm": bm}


def _sage_conv(h, edge_index, Wl, Wr, b):
    # GraphSAGE conv with mean aggregation: W_self @ h + W_neigh @ mean(h[neighbors])
    src = edge_index[0]
    dst = edge_index[1]
    msgs = h[src]  # gather
    agg = jax.ops.segment_sum(msgs, dst, num_segments=N)
    deg = jax.ops.segment_sum(jnp.ones((edge_index.shape[1],), jnp.float32), dst, num_segments=N)
    mean = agg / jnp.clip(deg, 1.0)[:, None]
    return h @ Wl + mean @ Wr + b


def reference(x, edge_index, W1l, W1r, b1, W2l, W2r, b2, Wm, bm):
    # dataset != 'aminer' -> no FeatureProjection branch
    h = jax.nn.relu(_sage_conv(x, edge_index, W1l, W1r, b1))
    # dropout treated as identity (eval-mode deterministic reference)
    h = jax.nn.relu(_sage_conv(h, edge_index, W2l, W2r, b2))
    logits = h @ Wm + bm
    return jax.nn.log_softmax(logits, axis=1)

if __name__ == "__main__":
    import jax
    _d = setup_inputs()
    print(jax.jit(kernel)(*tuple(_d.values())))

</pallas_src>

<mosaic_0001>
#map = affine_map<(d0, d1) -> (0, 0)>
module attributes {stable_mosaic.version = 14 : i64} {
  func.func @_sc_deg_body(%arg0: i32, %arg1: i32, %arg2: memref<2560x128xi32, #tpu.memory_space<hbm>>, %arg3: memref<20480x8xf32, #tpu.memory_space<hbm>>, %arg4: memref<80x128xi32, #tpu.memory_space<vmem>>, %arg5: memref<128x16xf32, #tpu.memory_space<vmem>>, %arg6: memref<128x16xf32, #tpu.memory_space<vmem>>, %arg7: memref<10240x16xf32, #tpu.memory_space<vmem_shared>>) attributes {dimension_semantics = [#tpu.dimension_semantics<core_parallel>, #tpu.dimension_semantics<subcore_parallel>], iteration_bounds = array<i64: 2, 16>, scalar_prefetch = 0 : i64, scratch_operands = 4 : i64, tpu.core_type = #tpu.core_type<sc_vector_subcore>, window_params = [{transform_indices = #map}, {transform_indices = #map}]} {
    %mul3A = arith.constant 16 : i32
    %mul3A_0 = arith.muli %arg0, %mul3A : i32
    %add3A = arith.addi %mul3A_0, %arg1 : i32
    %scan3A = arith.constant 0 : i32
    %scan3A_1 = arith.constant 0 : i32
    %scan3A_2 = arith.constant 128 : i32
    %scan3A_3 = arith.addi %scan3A_1, %scan3A_2 : i32
    %scan3A_4 = arith.constant 1 : i32
    %scan3A_5 = scf.for %scan3A_32 = %scan3A_1 to %scan3A_3 step %scan3A_4 iter_args(%scan3A_33 = %scan3A) -> (i32)  : i32 {
      %broadcast_in_dim3A = arith.constant 1.000000e+00 : f32
      %broadcast_in_dim3A_34 = vector.broadcast %broadcast_in_dim3A : f32 to vector<16xf32>
      %swap3A = arith.index_cast %scan3A_32 : i32 to index
      %swap3A_35 = arith.constant 0 : index
      %swap3A_36 = tpu.vector_load %arg5[%swap3A, %swap3A_35] {strides = array<i32>} : memref<128x16xf32, #tpu.memory_space<vmem>>, vector<1x16xf32>,
      %swap3A_37 = vector.shape_cast %swap3A_36 : vector<1x16xf32> to vector<16xf32>
      %swap3A_38 = vector.shape_cast %broadcast_in_dim3A_34 : vector<16xf32> to vector<1x16xf32>
      tpu.vector_store %arg5[%swap3A, %swap3A_35], %swap3A_38 {strides = array<i32>} : memref<128x16xf32, #tpu.memory_space<vmem>>, vector<1x16xf32>,
      %broadcast_in_dim3A_39 = arith.constant 0.000000e+00 : f32
      %broadcast_in_dim3A_40 = vector.broadcast %broadcast_in_dim3A_39 : f32 to vector<16xf32>
      %swap3A_41 = arith.index_cast %scan3A_32 : i32 to index
      %swap3A_42 = arith.constant 0 : index
      %swap3A_43 = tpu.vector_load %arg6[%swap3A_41, %swap3A_42] {strides = array<i32>} : memref<128x16xf32, #tpu.memory_space<vmem>>, vector<1x16xf32>,
      %swap3A_44 = vector.shape_cast %swap3A_43 : vector<1x16xf32> to vector<16xf32>
      %swap3A_45 = vector.shape_cast %broadcast_in_dim3A_40 : vector<16xf32> to vector<1x16xf32>
      tpu.vector_store %arg6[%swap3A_41, %swap3A_42], %swap3A_45 {strides = array<i32>} : memref<128x16xf32, #tpu.memory_space<vmem>>, vector<1x16xf32>,
      %scan3A_46 = arith.constant 0 : i32
      scf.yield %scan3A_46 : i32
    }
    %scan3A_6 = arith.constant 128 : i32
    %mul3A_7 = arith.constant 640 : i32
    %mul3A_8 = arith.muli %arg1, %mul3A_7 : i32
    %add3A_9 = arith.constant 0 : i32
    %add3A_10 = arith.addi %mul3A_8, %add3A_9 : i32
    "tpu.region"() ({
      %run_scoped3A = tpu.sem_alloc : memref<!tpu.dma_semaphore, #tpu.memory_space<semaphore_mem>>
      %dma_start3A = arith.constant 0 : i32
      %dma_start3A_32 = tpu.memref_slice %arg7[%add3A_10, %dma_start3A] : memref<10240x16xf32, #tpu.memory_space<vmem_shared>> -> memref<128x16xf32, #tpu.memory_space<vmem_shared>>
      %dma_start3A_33 = arith.constant 0 : i32
      %dma_start3A_34 = tpu.memref_slice %arg7[%add3A_10, %dma_start3A_33] : memref<10240x16xf32, #tpu.memory_space<vmem_shared>> -> memref<128x16xf32, #tpu.memory_space<vmem_shared>>
      tpu.enqueue_dma source(%arg6 : memref<128x16xf32, #tpu.memory_space<vmem>>) target(%dma_start3A_34 : memref<128x16xf32, #tpu.memory_space<vmem_shared>>) target_semaphore(%run_scoped3A : memref<!tpu.dma_semaphore, #tpu.memory_space<semaphore_mem>>)
      %dma_wait3A = arith.constant 0 : i32
      %dma_wait3A_35 = tpu.memref_slice %arg7[%add3A_10, %dma_wait3A] : memref<10240x16xf32, #tpu.memory_space<vmem_shared>> -> memref<128x16xf32, #tpu.memory_space<vmem_shared>>
      %dma_wait3A_36 = arith.constant 0 : i32
      %dma_wait3A_37 = tpu.memref_slice %arg7[%add3A_10, %dma_wait3A_36] : memref<10240x16xf32, #tpu.memory_space<vmem_shared>> -> memref<128x16xf32, #tpu.memory_space<vmem_shared>>
      tpu.wait_dma2 semaphore(%run_scoped3A : memref<!tpu.dma_semaphore, #tpu.memory_space<semaphore_mem>>) src(%arg6 : memref<128x16xf32, #tpu.memory_space<vmem>>) dst(%dma_wait3A_37 : memref<128x16xf32, #tpu.memory_space<vmem_shared>>)
      tpu.yield
    }) : () -> ()
    %add3A_11 = arith.constant 128 : i32
    %add3A_12 = arith.addi %mul3A_8, %add3A_11 : i32
    "tpu.region"() ({
      %run_scoped3A = tpu.sem_alloc : memref<!tpu.dma_semaphore, #tpu.memory_space<semaphore_mem>>
      %dma_start3A = arith.constant 0 : i32
      %dma_start3A_32 = tpu.memref_slice %arg7[%add3A_12, %dma_start3A] : memref<10240x16xf32, #tpu.memory_space<vmem_shared>> -> memref<128x16xf32, #tpu.memory_space<vmem_shared>>
      %dma_start3A_33 = arith.constant 0 : i32
      %dma_start3A_34 = tpu.memref_slice %arg7[%add3A_12, %dma_start3A_33] : memref<10240x16xf32, #tpu.memory_space<vmem_shared>> -> memref<128x16xf32, #tpu.memory_space<vmem_shared>>
      tpu.enqueue_dma source(%arg6 : memref<128x16xf32, #tpu.memory_space<vmem>>) target(%dma_start3A_34 : memref<128x16xf32, #tpu.memory_space<vmem_shared>>) target_semaphore(%run_scoped3A : memref<!tpu.dma_semaphore, #tpu.memory_space<semaphore_mem>>)
      %dma_wait3A = arith.constant 0 : i32
      %dma_wait3A_35 = tpu.memref_slice %arg7[%add3A_12, %dma_wait3A] : memref<10240x16xf32, #tpu.memory_space<vmem_shared>> -> memref<128x16xf32, #tpu.memory_space<vmem_shared>>
      %dma_wait3A_36 = arith.constant 0 : i32
      %dma_wait3A_37 = tpu.memref_slice %arg7[%add3A_12, %dma_wait3A_36] : memref<10240x16xf32, #tpu.memory_space<vmem_shared>> -> memref<128x16xf32, #tpu.memory_space<vmem_shared>>
      tpu.wait_dma2 semaphore(%run_scoped3A : memref<!tpu.dma_semaphore, #tpu.memory_space<semaphore_mem>>) src(%arg6 : memref<128x16xf32, #tpu.memory_space<vmem>>) dst(%dma_wait3A_37 : memref<128x16xf32, #tpu.memory_space<vmem_shared>>)
      tpu.yield
    }) : () -> ()
    %add3A_13 = arith.constant 256 : i32
    %add3A_14 = arith.addi %mul3A_8, %add3A_13 : i32
    "tpu.region"() ({
      %run_scoped3A = tpu.sem_alloc : memref<!tpu.dma_semaphore, #tpu.memory_space<semaphore_mem>>
      %dma_start3A = arith.constant 0 : i32
      %dma_start3A_32 = tpu.memref_slice %arg7[%add3A_14, %dma_start3A] : memref<10240x16xf32, #tpu.memory_space<vmem_shared>> -> memref<128x16xf32, #tpu.memory_space<vmem_shared>>
      %dma_start3A_33 = arith.constant 0 : i32
      %dma_start3A_34 = tpu.memref_slice %arg7[%add3A_14, %dma_start3A_33] : memref<10240x16xf32, #tpu.memory_space<vmem_shared>> -> memref<128x16xf32, #tpu.memory_space<vmem_shared>>
      tpu.enqueue_dma source(%arg6 : memref<128x16xf32, #tpu.memory_space<vmem>>) target(%dma_start3A_34 : memref<128x16xf32, #tpu.memory_space<vmem_shared>>) target_semaphore(%run_scoped3A : memref<!tpu.dma_semaphore, #tpu.memory_space<semaphore_mem>>)
      %dma_wait3A = arith.constant 0 : i32
      %dma_wait3A_35 = tpu.memref_slice %arg7[%add3A_14, %dma_wait3A] : memref<10240x16xf32, #tpu.memory_space<vmem_shared>> -> memref<128x16xf32, #tpu.memory_space<vmem_shared>>
      %dma_wait3A_36 = arith.constant 0 : i32
      %dma_wait3A_37 = tpu.memref_slice %arg7[%add3A_14, %dma_wait3A_36] : memref<10240x16xf32, #tpu.memory_space<vmem_shared>> -> memref<128x16xf32, #tpu.memory_space<vmem_shared>>
      tpu.wait_dma2 semaphore(%run_scoped3A : memref<!tpu.dma_semaphore, #tpu.memory_space<semaphore_mem>>) src(%arg6 : memref<128x16xf32, #tpu.memory_space<vmem>>) dst(%dma_wait3A_37 : memref<128x16xf32, #tpu.memory_space<vmem_shared>>)
      tpu.yield
    }) : () -> ()
    %add3A_15 = arith.constant 384 : i32
    %add3A_16 = arith.addi %mul3A_8, %add3A_15 : i32
    "tpu.region"() ({
      %run_scoped3A = tpu.sem_alloc : memref<!tpu.dma_semaphore, #tpu.memory_space<semaphore_mem>>
      %dma_start3A = arith.constant 0 : i32
      %dma_start3A_32 = tpu.memref_slice %arg7[%add3A_16, %dma_start3A] : memref<10240x16xf32, #tpu.memory_space<vmem_shared>> -> memref<128x16xf32, #tpu.memory_space<vmem_shared>>
      %dma_start3A_33 = arith.constant 0 : i32
      %dma_start3A_34 = tpu.memref_slice %arg7[%add3A_16, %dma_start3A_33] : memref<10240x16xf32, #tpu.memory_space<vmem_shared>> -> memref<128x16xf32, #tpu.memory_space<vmem_shared>>
      tpu.enqueue_dma source(%arg6 : memref<128x16xf32, #tpu.memory_space<vmem>>) target(%dma_start3A_34 : memref<128x16xf32, #tpu.memory_space<vmem_shared>>) target_semaphore(%run_scoped3A : memref<!tpu.dma_semaphore, #tpu.memory_space<semaphore_mem>>)
      %dma_wait3A = arith.constant 0 : i32
      %dma_wait3A_35 = tpu.memref_slice %arg7[%add3A_16, %dma_wait3A] : memref<10240x16xf32, #tpu.memory_space<vmem_shared>> -> memref<128x16xf32, #tpu.memory_space<vmem_shared>>
      %dma_wait3A_36 = arith.constant 0 : i32
      %dma_wait3A_37 = tpu.memref_slice %arg7[%add3A_16, %dma_wait3A_36] : memref<10240x16xf32, #tpu.memory_space<vmem_shared>> -> memref<128x16xf32, #tpu.memory_space<vmem_shared>>
      tpu.wait_dma2 semaphore(%run_scoped3A : memref<!tpu.dma_semaphore, #tpu.memory_space<semaphore_mem>>) src(%arg6 : memref<128x16xf32, #tpu.memory_space<vmem>>) dst(%dma_wait3A_37 : memref<128x16xf32, #tpu.memory_space<vmem_shared>>)
      tpu.yield
    }) : () -> ()
    %add3A_17 = arith.constant 512 : i32
    %add3A_18 = arith.addi %mul3A_8, %add3A_17 : i32
    "tpu.region"() ({
      %run_scoped3A = tpu.sem_alloc : memref<!tpu.dma_semaphore, #tpu.memory_space<semaphore_mem>>
      %dma_start3A = arith.constant 0 : i32
      %dma_start3A_32 = tpu.memref_slice %arg7[%add3A_18, %dma_start3A] : memref<10240x16xf32, #tpu.memory_space<vmem_shared>> -> memref<128x16xf32, #tpu.memory_space<vmem_shared>>
      %dma_start3A_33 = arith.constant 0 : i32
      %dma_start3A_34 = tpu.memref_slice %arg7[%add3A_18, %dma_start3A_33] : memref<10240x16xf32, #tpu.memory_space<vmem_shared>> -> memref<128x16xf32, #tpu.memory_space<vmem_shared>>
      tpu.enqueue_dma source(%arg6 : memref<128x16xf32, #tpu.memory_space<vmem>>) target(%dma_start3A_34 : memref<128x16xf32, #tpu.memory_space<vmem_shared>>) target_semaphore(%run_scoped3A : memref<!tpu.dma_semaphore, #tpu.memory_space<semaphore_mem>>)
      %dma_wait3A = arith.constant 0 : i32
      %dma_wait3A_35 = tpu.memref_slice %arg7[%add3A_18, %dma_wait3A] : memref<10240x16xf32, #tpu.memory_space<vmem_shared>> -> memref<128x16xf32, #tpu.memory_space<vmem_shared>>
      %dma_wait3A_36 = arith.constant 0 : i32
      %dma_wait3A_37 = tpu.memref_slice %arg7[%add3A_18, %dma_wait3A_36] : memref<10240x16xf32, #tpu.memory_space<vmem_shared>> -> memref<128x16xf32, #tpu.memory_space<vmem_shared>>
      tpu.wait_dma2 semaphore(%run_scoped3A : memref<!tpu.dma_semaphore, #tpu.memory_space<semaphore_mem>>) src(%arg6 : memref<128x16xf32, #tpu.memory_space<vmem>>) dst(%dma_wait3A_37 : memref<128x16xf32, #tpu.memory_space<vmem_shared>>)
      tpu.yield
    }) : () -> ()
    %barrier3A = arith.constant 0 : index
    tpu.barrier barrier_id(%barrier3A)
    %mul3A_19 = arith.constant 80 : i32
    %mul3A_20 = arith.muli %add3A, %mul3A_19 : i32
    "tpu.region"() ({
      %run_scoped3A = tpu.sem_alloc : memref<!tpu.dma_semaphore, #tpu.memory_space<semaphore_mem>>
      %dma_start3A = arith.constant 0 : i32
      %dma_start3A_32 = tpu.memref_slice %arg2[%mul3A_20, %dma_start3A] : memref<2560x128xi32, #tpu.memory_space<hbm>> -> memref<80x128xi32, #tpu.memory_space<hbm>>
      %dma_start3A_33 = arith.constant 0 : i32
      %dma_start3A_34 = tpu.memref_slice %arg2[%mul3A_20, %dma_start3A_33] : memref<2560x128xi32, #tpu.memory_space<hbm>> -> memref<80x128xi32, #tpu.memory_space<hbm>>
      tpu.enqueue_dma source(%dma_start3A_34 : memref<80x128xi32, #tpu.memory_space<hbm>>) target(%arg4 : memref<80x128xi32, #tpu.memory_space<vmem>>) target_semaphore(%run_scoped3A : memref<!tpu.dma_semaphore, #tpu.memory_space<semaphore_mem>>)
      %dma_wait3A = arith.constant 0 : i32
      %dma_wait3A_35 = tpu.memref_slice %arg2[%mul3A_20, %dma_wait3A] : memref<2560x128xi32, #tpu.memory_space<hbm>> -> memref<80x128xi32, #tpu.memory_space<hbm>>
      %dma_wait3A_36 = arith.constant 0 : i32
      %dma_wait3A_37 = tpu.memref_slice %arg2[%mul3A_20, %dma_wait3A_36] : memref<2560x128xi32, #tpu.memory_space<hbm>> -> memref<80x128xi32, #tpu.memory_space<hbm>>
      tpu.wait_dma2 semaphore(%run_scoped3A : memref<!tpu.dma_semaphore, #tpu.memory_space<semaphore_mem>>) src(%dma_wait3A_37 : memref<80x128xi32, #tpu.memory_space<hbm>>) dst(%arg4 : memref<80x128xi32, #tpu.memory_space<vmem>>)
      tpu.yield
    }) : () -> ()
    %scan3A_21 = arith.constant 0 : i32
    %scan3A_22 = arith.constant 0 : i32
    %scan3A_23 = arith.constant 80 : i32
    %scan3A_24 = arith.addi %scan3A_22, %scan3A_23 : i32
    %scan3A_25 = arith.constant 1 : i32
    %scan3A_26 = scf.for %scan3A_32 = %scan3A_22 to %scan3A_24 step %scan3A_25 iter_args(%scan3A_33 = %scan3A_21) -> (i32)  : i32 {
      "tpu.region"() ({
        %run_scoped3A = tpu.sem_alloc : memref<!tpu.dma_semaphore, #tpu.memory_space<semaphore_mem>>
        %dma_start3A = arith.constant 0 : i32
        %dma_start3A_35 = tpu.memref_slice %arg4[%scan3A_32, %dma_start3A] : memref<80x128xi32, #tpu.memory_space<vmem>> -> memref<1x128xi32, #tpu.memory_space<vmem>>
        %dma_start3A_36 = tpu.memref_squeeze %dma_start3A_35 : memref<1x128xi32, #tpu.memory_space<vmem>> -> memref<128xi32, #tpu.memory_space<vmem>>
        %dma_start3A_37 = arith.constant 0 : i32
        %dma_start3A_38 = arith.constant 0 : i32
        %dma_start3A_39 = tpu.memref_slice %arg7[%dma_start3A_37, %dma_start3A_38] : memref<10240x16xf32, #tpu.memory_space<vmem_shared>> -> memref<10240x16xf32, #tpu.memory_space<vmem_shared>>
        tpu.enqueue_indirect_dma source(%arg5 : memref<128x16xf32, #tpu.memory_space<vmem>>) target(%dma_start3A_39 : memref<10240x16xf32, #tpu.memory_space<vmem_shared>>) offsets(%dma_start3A_36 : memref<128xi32, #tpu.memory_space<vmem>>) semaphore(%run_scoped3A : memref<!tpu.dma_semaphore, #tpu.memory_space<semaphore_mem>>) {add = true}
        %dma_wait3A = arith.constant 0 : i32
        %dma_wait3A_40 = tpu.memref_slice %arg4[%scan3A_32, %dma_wait3A] : memref<80x128xi32, #tpu.memory_space<vmem>> -> memref<1x128xi32, #tpu.memory_space<vmem>>
        %dma_wait3A_41 = tpu.memref_squeeze %dma_wait3A_40 : memref<1x128xi32, #tpu.memory_space<vmem>> -> memref<128xi32, #tpu.memory_space<vmem>>
        %dma_wait3A_42 = arith.constant 0 : i32
        %dma_wait3A_43 = arith.constant 0 : i32
        %dma_wait3A_44 = tpu.memref_slice %arg7[%dma_wait3A_42, %dma_wait3A_43] : memref<10240x16xf32, #tpu.memory_space<vmem_shared>> -> memref<10240x16xf32, #tpu.memory_space<vmem_shared>>
        tpu.wait_indirect_dma semaphore(%run_scoped3A : memref<!tpu.dma_semaphore, #tpu.memory_space<semaphore_mem>>) src(%arg5 : memref<128x16xf32, #tpu.memory_space<vmem>>) dst(%dma_wait3A_44 : memref<10240x16xf32, #tpu.memory_space<vmem_shared>>)
        tpu.yield
      }) : () -> ()
      %scan3A_34 = arith.constant 0 : i32
      scf.yield %scan3A_34 : i32
    }
    %scan3A_27 = arith.constant 80 : i32
    %barrier3A_28 = arith.constant 0 : index
    tpu.barrier barrier_id(%barrier3A_28)
    %mul3A_29 = arith.constant 10240 : i32
    %mul3A_30 = arith.muli %arg0, %mul3A_29 : i32
    %add3A_31 = arith.addi %mul3A_30, %mul3A_8 : i32
    "tpu.region"() ({
      %run_scoped3A = tpu.sem_alloc : memref<!tpu.dma_semaphore, #tpu.memory_space<semaphore_mem>>
      %dma_start3A = arith.constant 0 : i32
      %dma_start3A_32 = tpu.memref_slice %arg3[%add3A_31, %dma_start3A] : memref<20480x8xf32, #tpu.memory_space<hbm>> -> memref<640x8xf32, #tpu.memory_space<hbm>>
      %dma_start3A_33 = arith.constant 0 : i32
      %dma_start3A_34 = tpu.memref_slice %arg7[%mul3A_8, %dma_start3A_33] : memref<10240x16xf32, #tpu.memory_space<vmem_shared>> -> memref<640x8xf32, #tpu.memory_space<vmem_shared>>
      tpu.enqueue_dma source(%dma_start3A_34 : memref<640x8xf32, #tpu.memory_space<vmem_shared>>) target(%dma_start3A_32 : memref<640x8xf32, #tpu.memory_space<hbm>>) target_semaphore(%run_scoped3A : memref<!tpu.dma_semaphore, #tpu.memory_space<semaphore_mem>>)
      %dma_wait3A = arith.constant 0 : i32
      %dma_wait3A_35 = tpu.memref_slice %arg3[%add3A_31, %dma_wait3A] : memref<20480x8xf32, #tpu.memory_space<hbm>> -> memref<640x8xf32, #tpu.memory_space<hbm>>
      %dma_wait3A_36 = arith.constant 0 : i32
      %dma_wait3A_37 = tpu.memref_slice %arg7[%mul3A_8, %dma_wait3A_36] : memref<10240x16xf32, #tpu.memory_space<vmem_shared>> -> memref<640x8xf32, #tpu.memory_space<vmem_shared>>
      tpu.wait_dma2 semaphore(%run_scoped3A : memref<!tpu.dma_semaphore, #tpu.memory_space<semaphore_mem>>) src(%dma_wait3A_37 : memref<640x8xf32, #tpu.memory_space<vmem_shared>>) dst(%dma_wait3A_35 : memref<640x8xf32, #tpu.memory_space<hbm>>)
      tpu.yield
    }) : () -> ()
    return
  }
}

#map = affine_map<(d0, d1) -> (0, 0)>
module attributes {stable_mosaic.version = 14 : i64} {
  func.func @_sc_agg_body(%arg0: i32, %arg1: i32, %arg2: memref<10240x128xf32, #tpu.memory_space<hbm>>, %arg3: memref<2560x128xi32, #tpu.memory_space<hbm>>, %arg4: memref<2560x128xi32, #tpu.memory_space<hbm>>, %arg5: memref<10240x128xf32, #tpu.memory_space<hbm>>, %arg6: memref<16x128xi32, #tpu.memory_space<vmem>>, %arg7: memref<16x128xi32, #tpu.memory_space<vmem>>, %arg8: memref<128x64xf32, #tpu.memory_space<vmem>>, %arg9: memref<128x64xf32, #tpu.memory_space<vmem>>, %arg10: memref<10240x64xf32, #tpu.memory_space<vmem_shared>>, %arg11: memref<10240x64xf32, #tpu.memory_space<vmem_shared>>, %arg12: memref<!tpu.dma_semaphore, #tpu.memory_space<semaphore_mem>>, %arg13: memref<!tpu.dma_semaphore, #tpu.memory_space<semaphore_mem>>) attributes {dimension_semantics = [#tpu.dimension_semantics<core_parallel>, #tpu.dimension_semantics<subcore_parallel>], iteration_bounds = array<i64: 2, 16>, scalar_prefetch = 0 : i64, scratch_operands = 8 : i64, tpu.core_type = #tpu.core_type<sc_vector_subcore>, window_params = [{transform_indices = #map}, {transform_indices = #map}, {transform_indices = #map}, {transform_indices = #map}]} {
    %scan3A = arith.constant 0 : i32
    %scan3A_0 = arith.constant 0 : i32
    %scan3A_1 = arith.constant 128 : i32
    %scan3A_2 = arith.addi %scan3A_0, %scan3A_1 : i32
    %scan3A_3 = arith.constant 1 : i32
    %scan3A_4 = scf.for %scan3A_41 = %scan3A_0 to %scan3A_2 step %scan3A_3 iter_args(%scan3A_42 = %scan3A) -> (i32)  : i32 {
      %broadcast_in_dim3A = arith.constant 0.000000e+00 : f32
      %broadcast_in_dim3A_43 = vector.broadcast %broadcast_in_dim3A : f32 to vector<16xf32>
      %swap3A = arith.index_cast %scan3A_41 : i32 to index
      %swap3A_44 = arith.constant 0 : index
      %swap3A_45 = tpu.vector_load %arg8[%swap3A, %swap3A_44] {strides = array<i32>} : memref<128x64xf32, #tpu.memory_space<vmem>>, vector<1x16xf32>,
      %swap3A_46 = vector.shape_cast %swap3A_45 : vector<1x16xf32> to vector<16xf32>
      %swap3A_47 = vector.shape_cast %broadcast_in_dim3A_43 : vector<16xf32> to vector<1x16xf32>
      tpu.vector_store %arg8[%swap3A, %swap3A_44], %swap3A_47 {strides = array<i32>} : memref<128x64xf32, #tpu.memory_space<vmem>>, vector<1x16xf32>,
      %broadcast_in_dim3A_48 = arith.constant 0.000000e+00 : f32
      %broadcast_in_dim3A_49 = vector.broadcast %broadcast_in_dim3A_48 : f32 to vector<16xf32>
      %swap3A_50 = arith.index_cast %scan3A_41 : i32 to index
      %swap3A_51 = arith.constant 16 : index
      %swap3A_52 = tpu.vector_load %arg8[%swap3A_50, %swap3A_51] {strides = array<i32>} : memref<128x64xf32, #tpu.memory_space<vmem>>, vector<1x16xf32>,
      %swap3A_53 = vector.shape_cast %swap3A_52 : vector<1x16xf32> to vector<16xf32>
      %swap3A_54 = vector.shape_cast %broadcast_in_dim3A_49 : vector<16xf32> to vector<1x16xf32>
      tpu.vector_store %arg8[%swap3A_50, %swap3A_51], %swap3A_54 {strides = array<i32>} : memref<128x64xf32, #tpu.memory_space<vmem>>, vector<1x16xf32>,
      %broadcast_in_dim3A_55 = arith.constant 0.000000e+00 : f32
      %broadcast_in_dim3A_56 = vector.broadcast %broadcast_in_dim3A_55 : f32 to vector<16xf32>
      %swap3A_57 = arith.index_cast %scan3A_41 : i32 to index
      %swap3A_58 = arith.constant 32 : index
      %swap3A_59 = tpu.vector_load %arg8[%swap3A_57, %swap3A_58] {strides = array<i32>} : memref<128x64xf32, #tpu.memory_space<vmem>>, vector<1x16xf32>,
      %swap3A_60 = vector.shape_cast %swap3A_59 : vector<1x16xf32> to vector<16xf32>
      %swap3A_61 = vector.shape_cast %broadcast_in_dim3A_56 : vector<16xf32> to vector<1x16xf32>
      tpu.vector_store %arg8[%swap3A_57, %swap3A_58], %swap3A_61 {strides = array<i32>} : memref<128x64xf32, #tpu.memory_space<vmem>>, vector<1x16xf32>,
      %broadcast_in_dim3A_62 = arith.constant 0.000000e+00 : f32
      %broadcast_in_dim3A_63 = vector.broadcast %broadcast_in_dim3A_62 : f32 to vector<16xf32>
      %swap3A_64 = arith.index_cast %scan3A_41 : i32 to index
      %swap3A_65 = arith.constant 48 : index
      %swap3A_66 = tpu.vector_load %arg8[%swap3A_64, %swap3A_65] {strides = array<i32>} : memref<128x64xf32, #tpu.memory_space<vmem>>, vector<1x16xf32>,
      %swap3A_67 = vector.shape_cast %swap3A_66 : vector<1x16xf32> to vector<16xf32>
      %swap3A_68 = vector.shape_cast %broadcast_in_dim3A_63 : vector<16xf32> to vector<1x16xf32>
      tpu.vector_store %arg8[%swap3A_64, %swap3A_65], %swap3A_68 {strides = array<i32>} : memref<128x64xf32, #tpu.memory_space<vmem>>, vector<1x16xf32>,
      %scan3A_69 = arith.constant 0 : i32
      scf.yield %scan3A_69 : i32
    }
    %scan3A_5 = arith.constant 128 : i32
    %mul3A = arith.constant 640 : i32
    %mul3A_6 = arith.muli %arg1, %mul3A : i32
    %add3A = arith.constant 0 : i32
    %add3A_7 = arith.addi %mul3A_6, %add3A : i32
    "tpu.region"() ({
      %run_scoped3A = tpu.sem_alloc : memref<!tpu.dma_semaphore, #tpu.memory_space<semaphore_mem>>
      %dma_start3A = arith.constant 0 : i32
      %dma_start3A_41 = tpu.memref_slice %arg11[%add3A_7, %dma_start3A] : memref<10240x64xf32, #tpu.memory_space<vmem_shared>> -> memref<128x64xf32, #tpu.memory_space<vmem_shared>>
      %dma_start3A_42 = arith.constant 0 : i32
      %dma_start3A_43 = tpu.memref_slice %arg11[%add3A_7, %dma_start3A_42] : memref<10240x64xf32, #tpu.memory_space<vmem_shared>> -> memref<128x64xf32, #tpu.memory_space<vmem_shared>>
      tpu.enqueue_dma source(%arg8 : memref<128x64xf32, #tpu.memory_space<vmem>>) target(%dma_start3A_43 : memref<128x64xf32, #tpu.memory_space<vmem_shared>>) target_semaphore(%run_scoped3A : memref<!tpu.dma_semaphore, #tpu.memory_space<semaphore_mem>>)
      %dma_wait3A = arith.constant 0 : i32
      %dma_wait3A_44 = tpu.memref_slice %arg11[%add3A_7, %dma_wait3A] : memref<10240x64xf32, #tpu.memory_space<vmem_shared>> -> memref<128x64xf32, #tpu.memory_space<vmem_shared>>
      %dma_wait3A_45 = arith.constant 0 : i32
      %dma_wait3A_46 = tpu.memref_slice %arg11[%add3A_7, %dma_wait3A_45] : memref<10240x64xf32, #tpu.memory_space<vmem_shared>> -> memref<128x64xf32, #tpu.memory_space<vmem_shared>>
      tpu.wait_dma2 semaphore(%run_scoped3A : memref<!tpu.dma_semaphore, #tpu.memory_space<semaphore_mem>>) src(%arg8 : memref<128x64xf32, #tpu.memory_space<vmem>>) dst(%dma_wait3A_46 : memref<128x64xf32, #tpu.memory_space<vmem_shared>>)
      tpu.yield
    }) : () -> ()
    %add3A_8 = arith.constant 128 : i32
    %add3A_9 = arith.addi %mul3A_6, %add3A_8 : i32
    "tpu.region"() ({
      %run_scoped3A = tpu.sem_alloc : memref<!tpu.dma_semaphore, #tpu.memory_space<semaphore_mem>>
      %dma_start3A = arith.constant 0 : i32
      %dma_start3A_41 = tpu.memref_slice %arg11[%add3A_9, %dma_start3A] : memref<10240x64xf32, #tpu.memory_space<vmem_shared>> -> memref<128x64xf32, #tpu.memory_space<vmem_shared>>
      %dma_start3A_42 = arith.constant 0 : i32
      %dma_start3A_43 = tpu.memref_slice %arg11[%add3A_9, %dma_start3A_42] : memref<10240x64xf32, #tpu.memory_space<vmem_shared>> -> memref<128x64xf32, #tpu.memory_space<vmem_shared>>
      tpu.enqueue_dma source(%arg8 : memref<128x64xf32, #tpu.memory_space<vmem>>) target(%dma_start3A_43 : memref<128x64xf32, #tpu.memory_space<vmem_shared>>) target_semaphore(%run_scoped3A : memref<!tpu.dma_semaphore, #tpu.memory_space<semaphore_mem>>)
      %dma_wait3A = arith.constant 0 : i32
      %dma_wait3A_44 = tpu.memref_slice %arg11[%add3A_9, %dma_wait3A] : memref<10240x64xf32, #tpu.memory_space<vmem_shared>> -> memref<128x64xf32, #tpu.memory_space<vmem_shared>>
      %dma_wait3A_45 = arith.constant 0 : i32
      %dma_wait3A_46 = tpu.memref_slice %arg11[%add3A_9, %dma_wait3A_45] : memref<10240x64xf32, #tpu.memory_space<vmem_shared>> -> memref<128x64xf32, #tpu.memory_space<vmem_shared>>
      tpu.wait_dma2 semaphore(%run_scoped3A : memref<!tpu.dma_semaphore, #tpu.memory_space<semaphore_mem>>) src(%arg8 : memref<128x64xf32, #tpu.memory_space<vmem>>) dst(%dma_wait3A_46 : memref<128x64xf32, #tpu.memory_space<vmem_shared>>)
      tpu.yield
    }) : () -> ()
    %add3A_10 = arith.constant 256 : i32
    %add3A_11 = arith.addi %mul3A_6, %add3A_10 : i32
    "tpu.region"() ({
      %run_scoped3A = tpu.sem_alloc : memref<!tpu.dma_semaphore, #tpu.memory_space<semaphore_mem>>
      %dma_start3A = arith.constant 0 : i32
      %dma_start3A_41 = tpu.memref_slice %arg11[%add3A_11, %dma_start3A] : memref<10240x64xf32, #tpu.memory_space<vmem_shared>> -> memref<128x64xf32, #tpu.memory_space<vmem_shared>>
      %dma_start3A_42 = arith.constant 0 : i32
      %dma_start3A_43 = tpu.memref_slice %arg11[%add3A_11, %dma_start3A_42] : memref<10240x64xf32, #tpu.memory_space<vmem_shared>> -> memref<128x64xf32, #tpu.memory_space<vmem_shared>>
      tpu.enqueue_dma source(%arg8 : memref<128x64xf32, #tpu.memory_space<vmem>>) target(%dma_start3A_43 : memref<128x64xf32, #tpu.memory_space<vmem_shared>>) target_semaphore(%run_scoped3A : memref<!tpu.dma_semaphore, #tpu.memory_space<semaphore_mem>>)
      %dma_wait3A = arith.constant 0 : i32
      %dma_wait3A_44 = tpu.memref_slice %arg11[%add3A_11, %dma_wait3A] : memref<10240x64xf32, #tpu.memory_space<vmem_shared>> -> memref<128x64xf32, #tpu.memory_space<vmem_shared>>
      %dma_wait3A_45 = arith.constant 0 : i32
      %dma_wait3A_46 = tpu.memref_slice %arg11[%add3A_11, %dma_wait3A_45] : memref<10240x64xf32, #tpu.memory_space<vmem_shared>> -> memref<128x64xf32, #tpu.memory_space<vmem_shared>>
      tpu.wait_dma2 semaphore(%run_scoped3A : memref<!tpu.dma_semaphore, #tpu.memory_space<semaphore_mem>>) src(%arg8 : memref<128x64xf32, #tpu.memory_space<vmem>>) dst(%dma_wait3A_46 : memref<128x64xf32, #tpu.memory_space<vmem_shared>>)
      tpu.yield
    }) : () -> ()
    %add3A_12 = arith.constant 384 : i32
    %add3A_13 = arith.addi %mul3A_6, %add3A_12 : i32
    "tpu.region"() ({
      %run_scoped3A = tpu.sem_alloc : memref<!tpu.dma_semaphore, #tpu.memory_space<semaphore_mem>>
      %dma_start3A = arith.constant 0 : i32
      %dma_start3A_41 = tpu.memref_slice %arg11[%add3A_13, %dma_start3A] : memref<10240x64xf32, #tpu.memory_space<vmem_shared>> -> memref<128x64xf32, #tpu.memory_space<vmem_shared>>
      %dma_start3A_42 = arith.constant 0 : i32
      %dma_start3A_43 = tpu.memref_slice %arg11[%add3A_13, %dma_start3A_42] : memref<10240x64xf32, #tpu.memory_space<vmem_shared>> -> memref<128x64xf32, #tpu.memory_space<vmem_shared>>
      tpu.enqueue_dma source(%arg8 : memref<128x64xf32, #tpu.memory_space<vmem>>) target(%dma_start3A_43 : memref<128x64xf32, #tpu.memory_space<vmem_shared>>) target_semaphore(%run_scoped3A : memref<!tpu.dma_semaphore, #tpu.memory_space<semaphore_mem>>)
      %dma_wait3A = arith.constant 0 : i32
      %dma_wait3A_44 = tpu.memref_slice %arg11[%add3A_13, %dma_wait3A] : memref<10240x64xf32, #tpu.memory_space<vmem_shared>> -> memref<128x64xf32, #tpu.memory_space<vmem_shared>>
      %dma_wait3A_45 = arith.constant 0 : i32
      %dma_wait3A_46 = tpu.memref_slice %arg11[%add3A_13, %dma_wait3A_45] : memref<10240x64xf32, #tpu.memory_space<vmem_shared>> -> memref<128x64xf32, #tpu.memory_space<vmem_shared>>
      tpu.wait_dma2 semaphore(%run_scoped3A : memref<!tpu.dma_semaphore, #tpu.memory_space<semaphore_mem>>) src(%arg8 : memref<128x64xf32, #tpu.memory_space<vmem>>) dst(%dma_wait3A_46 : memref<128x64xf32, #tpu.memory_space<vmem_shared>>)
      tpu.yield
    }) : () -> ()
    %add3A_14 = arith.constant 512 : i32
    %add3A_15 = arith.addi %mul3A_6, %add3A_14 : i32
    "tpu.region"() ({
      %run_scoped3A = tpu.sem_alloc : memref<!tpu.dma_semaphore, #tpu.memory_space<semaphore_mem>>
      %dma_start3A = arith.constant 0 : i32
      %dma_start3A_41 = tpu.memref_slice %arg11[%add3A_15, %dma_start3A] : memref<10240x64xf32, #tpu.memory_space<vmem_shared>> -> memref<128x64xf32, #tpu.memory_space<vmem_shared>>
      %dma_start3A_42 = arith.constant 0 : i32
      %dma_start3A_43 = tpu.memref_slice %arg11[%add3A_15, %dma_start3A_42] : memref<10240x64xf32, #tpu.memory_space<vmem_shared>> -> memref<128x64xf32, #tpu.memory_space<vmem_shared>>
      tpu.enqueue_dma source(%arg8 : memref<128x64xf32, #tpu.memory_space<vmem>>) target(%dma_start3A_43 : memref<128x64xf32, #tpu.memory_space<vmem_shared>>) target_semaphore(%run_scoped3A : memref<!tpu.dma_semaphore, #tpu.memory_space<semaphore_mem>>)
      %dma_wait3A = arith.constant 0 : i32
      %dma_wait3A_44 = tpu.memref_slice %arg11[%add3A_15, %dma_wait3A] : memref<10240x64xf32, #tpu.memory_space<vmem_shared>> -> memref<128x64xf32, #tpu.memory_space<vmem_shared>>
      %dma_wait3A_45 = arith.constant 0 : i32
      %dma_wait3A_46 = tpu.memref_slice %arg11[%add3A_15, %dma_wait3A_45] : memref<10240x64xf32, #tpu.memory_space<vmem_shared>> -> memref<128x64xf32, #tpu.memory_space<vmem_shared>>
      tpu.wait_dma2 semaphore(%run_scoped3A : memref<!tpu.dma_semaphore, #tpu.memory_space<semaphore_mem>>) src(%arg8 : memref<128x64xf32, #tpu.memory_space<vmem>>) dst(%dma_wait3A_46 : memref<128x64xf32, #tpu.memory_space<vmem_shared>>)
      tpu.yield
    }) : () -> ()
    %eq3A = arith.constant 0 : i32
    %eq3A_16 = arith.cmpi eq, %arg0, %eq3A : i32
    %convert_element_type3A = arith.extui %eq3A_16 : i1 to i32
    %cond3A = arith.constant 0 : i32
    %cond3A_17 = arith.cmpi ne, %convert_element_type3A, %cond3A : i32
    scf.if %cond3A_17 {
      "tpu.region"() ({
        %run_scoped3A = tpu.sem_alloc : memref<!tpu.dma_semaphore, #tpu.memory_space<semaphore_mem>>
        %dma_start3A = arith.constant 0 : i32
        %dma_start3A_41 = tpu.memref_slice %arg10[%mul3A_6, %dma_start3A] : memref<10240x64xf32, #tpu.memory_space<vmem_shared>> -> memref<640x64xf32, #tpu.memory_space<vmem_shared>>
        %dma_start3A_42 = arith.constant 0 : i32
        %dma_start3A_43 = tpu.memref_slice %arg2[%mul3A_6, %dma_start3A_42] : memref<10240x128xf32, #tpu.memory_space<hbm>> -> memref<640x64xf32, #tpu.memory_space<hbm>>
        tpu.enqueue_dma source(%dma_start3A_43 : memref<640x64xf32, #tpu.memory_space<hbm>>) target(%dma_start3A_41 : memref<640x64xf32, #tpu.memory_space<vmem_shared>>) target_semaphore(%run_scoped3A : memref<!tpu.dma_semaphore, #tpu.memory_space<semaphore_mem>>)
        %dma_wait3A = arith.constant 0 : i32
        %dma_wait3A_44 = tpu.memref_slice %arg10[%mul3A_6, %dma_wait3A] : memref<10240x64xf32, #tpu.memory_space<vmem_shared>> -> memref<640x64xf32, #tpu.memory_space<vmem_shared>>
        %dma_wait3A_45 = arith.constant 0 : i32
        %dma_wait3A_46 = tpu.memref_slice %arg2[%mul3A_6, %dma_wait3A_45] : memref<10240x128xf32, #tpu.memory_space<hbm>> -> memref<640x64xf32, #tpu.memory_space<hbm>>
        tpu.wait_dma2 semaphore(%run_scoped3A : memref<!tpu.dma_semaphore, #tpu.memory_space<semaphore_mem>>) src(%dma_wait3A_46 : memref<640x64xf32, #tpu.memory_space<hbm>>) dst(%dma_wait3A_44 : memref<640x64xf32, #tpu.memory_space<vmem_shared>>)
        tpu.yield
      }) : () -> ()
    } else {
    }
    %eq3A_18 = arith.constant 1 : i32
    %eq3A_19 = arith.cmpi eq, %arg0, %eq3A_18 : i32
    %convert_element_type3A_20 = arith.extui %eq3A_19 : i1 to i32
    %cond3A_21 = arith.constant 0 : i32
    %cond3A_22 = arith.cmpi ne, %convert_element_type3A_20, %cond3A_21 : i32
    scf.if %cond3A_22 {
      "tpu.region"() ({
        %run_scoped3A = tpu.sem_alloc : memref<!tpu.dma_semaphore, #tpu.memory_space<semaphore_mem>>
        %dma_start3A = arith.constant 0 : i32
        %dma_start3A_41 = tpu.memref_slice %arg10[%mul3A_6, %dma_start3A] : memref<10240x64xf32, #tpu.memory_space<vmem_shared>> -> memref<640x64xf32, #tpu.memory_space<vmem_shared>>
        %dma_start3A_42 = arith.constant 64 : i32
        %dma_start3A_43 = tpu.memref_slice %arg2[%mul3A_6, %dma_start3A_42] : memref<10240x128xf32, #tpu.memory_space<hbm>> -> memref<640x64xf32, #tpu.memory_space<hbm>>
        tpu.enqueue_dma source(%dma_start3A_43 : memref<640x64xf32, #tpu.memory_space<hbm>>) target(%dma_start3A_41 : memref<640x64xf32, #tpu.memory_space<vmem_shared>>) target_semaphore(%run_scoped3A : memref<!tpu.dma_semaphore, #tpu.memory_space<semaphore_mem>>)
        %dma_wait3A = arith.constant 0 : i32
        %dma_wait3A_44 = tpu.memref_slice %arg10[%mul3A_6, %dma_wait3A] : memref<10240x64xf32, #tpu.memory_space<vmem_shared>> -> memref<640x64xf32, #tpu.memory_space<vmem_shared>>
        %dma_wait3A_45 = arith.constant 64 : i32
        %dma_wait3A_46 = tpu.memref_slice %arg2[%mul3A_6, %dma_wait3A_45] : memref<10240x128xf32, #tpu.memory_space<hbm>> -> memref<640x64xf32, #tpu.memory_space<hbm>>
        tpu.wait_dma2 semaphore(%run_scoped3A : memref<!tpu.dma_semaphore, #tpu.memory_space<semaphore_mem>>) src(%dma_wait3A_46 : memref<640x64xf32, #tpu.memory_space<hbm>>) dst(%dma_wait3A_44 : memref<640x64xf32, #tpu.memory_space<vmem_shared>>)
        tpu.yield
      }) : () -> ()
    } else {
    }
    %barrier3A = arith.constant 0 : index
    tpu.barrier barrier_id(%barrier3A)
    %scan3A_23 = arith.constant 0 : i32
    %scan3A_24 = arith.constant 0 : i32
    %scan3A_25 = arith.constant 10 : i32
    %scan3A_26 = arith.addi %scan3A_24, %scan3A_25 : i32
    %scan3A_27 = arith.constant 1 : i32
    %scan3A_28 = scf.for %scan3A_41 = %scan3A_24 to %scan3A_26 step %scan3A_27 iter_args(%scan3A_42 = %scan3A_23) -> (i32)  : i32 {
      %mul3A_43 = arith.constant 160 : i32
      %mul3A_44 = arith.muli %arg1, %mul3A_43 : i32
      %mul3A_45 = arith.constant 16 : i32
      %mul3A_46 = arith.muli %scan3A_41, %mul3A_45 : i32
      %add3A_47 = arith.addi %mul3A_44, %mul3A_46 : i32
      "tpu.region"() ({
        %run_scoped3A = tpu.sem_alloc : memref<!tpu.dma_semaphore, #tpu.memory_space<semaphore_mem>>
        %dma_start3A_62 = arith.constant 0 : i32
        %dma_start3A_63 = tpu.memref_slice %arg3[%add3A_47, %dma_start3A_62] : memref<2560x128xi32, #tpu.memory_space<hbm>> -> memref<16x128xi32, #tpu.memory_space<hbm>>
        %dma_start3A_64 = arith.constant 0 : i32
        %dma_start3A_65 = tpu.memref_slice %arg3[%add3A_47, %dma_start3A_64] : memref<2560x128xi32, #tpu.memory_space<hbm>> -> memref<16x128xi32, #tpu.memory_space<hbm>>
        tpu.enqueue_dma source(%dma_start3A_65 : memref<16x128xi32, #tpu.memory_space<hbm>>) target(%arg6 : memref<16x128xi32, #tpu.memory_space<vmem>>) target_semaphore(%run_scoped3A : memref<!tpu.dma_semaphore, #tpu.memory_space<semaphore_mem>>)
        %dma_wait3A = arith.constant 0 : i32
        %dma_wait3A_66 = tpu.memref_slice %arg3[%add3A_47, %dma_wait3A] : memref<2560x128xi32, #tpu.memory_space<hbm>> -> memref<16x128xi32, #tpu.memory_space<hbm>>
        %dma_wait3A_67 = arith.constant 0 : i32
        %dma_wait3A_68 = tpu.memref_slice %arg3[%add3A_47, %dma_wait3A_67] : memref<2560x128xi32, #tpu.memory_space<hbm>> -> memref<16x128xi32, #tpu.memory_space<hbm>>
        tpu.wait_dma2 semaphore(%run_scoped3A : memref<!tpu.dma_semaphore, #tpu.memory_space<semaphore_mem>>) src(%dma_wait3A_68 : memref<16x128xi32, #tpu.memory_space<hbm>>) dst(%arg6 : memref<16x128xi32, #tpu.memory_space<vmem>>)
        tpu.yield
      }) : () -> ()
      "tpu.region"() ({
        %run_scoped3A = tpu.sem_alloc : memref<!tpu.dma_semaphore, #tpu.memory_space<semaphore_mem>>
        %dma_start3A_62 = arith.constant 0 : i32
        %dma_start3A_63 = tpu.memref_slice %arg4[%add3A_47, %dma_start3A_62] : memref<2560x128xi32, #tpu.memory_space<hbm>> -> memref<16x128xi32, #tpu.memory_space<hbm>>
        %dma_start3A_64 = arith.constant 0 : i32
        %dma_start3A_65 = tpu.memref_slice %arg4[%add3A_47, %dma_start3A_64] : memref<2560x128xi32, #tpu.memory_space<hbm>> -> memref<16x128xi32, #tpu.memory_space<hbm>>
        tpu.enqueue_dma source(%dma_start3A_65 : memref<16x128xi32, #tpu.memory_space<hbm>>) target(%arg7 : memref<16x128xi32, #tpu.memory_space<vmem>>) target_semaphore(%run_scoped3A : memref<!tpu.dma_semaphore, #tpu.memory_space<semaphore_mem>>)
        %dma_wait3A = arith.constant 0 : i32
        %dma_wait3A_66 = tpu.memref_slice %arg4[%add3A_47, %dma_wait3A] : memref<2560x128xi32, #tpu.memory_space<hbm>> -> memref<16x128xi32, #tpu.memory_space<hbm>>
        %dma_wait3A_67 = arith.constant 0 : i32
        %dma_wait3A_68 = tpu.memref_slice %arg4[%add3A_47, %dma_wait3A_67] : memref<2560x128xi32, #tpu.memory_space<hbm>> -> memref<16x128xi32, #tpu.memory_space<hbm>>
        tpu.wait_dma2 semaphore(%run_scoped3A : memref<!tpu.dma_semaphore, #tpu.memory_space<semaphore_mem>>) src(%dma_wait3A_68 : memref<16x128xi32, #tpu.memory_space<hbm>>) dst(%arg7 : memref<16x128xi32, #tpu.memory_space<vmem>>)
        tpu.yield
      }) : () -> ()
      %dma_start3A = arith.constant 0 : i32
      %dma_start3A_48 = arith.constant 0 : i32
      %dma_start3A_49 = tpu.memref_slice %arg6[%dma_start3A, %dma_start3A_48] : memref<16x128xi32, #tpu.memory_space<vmem>> -> memref<1x128xi32, #tpu.memory_space<vmem>>
      %dma_start3A_50 = tpu.memref_squeeze %dma_start3A_49 : memref<1x128xi32, #tpu.memory_space<vmem>> -> memref<128xi32, #tpu.memory_space<vmem>>
      %dma_start3A_51 = arith.constant 0 : i32
      %dma_start3A_52 = arith.constant 0 : i32
      %dma_start3A_53 = tpu.memref_slice %arg10[%dma_start3A_51, %dma_start3A_52] : memref<10240x64xf32, #tpu.memory_space<vmem_shared>> -> memref<10240x64xf32, #tpu.memory_space<vmem_shared>>
      tpu.enqueue_indirect_dma source(%dma_start3A_53 : memref<10240x64xf32, #tpu.memory_space<vmem_shared>>) target(%arg8 : memref<128x64xf32, #tpu.memory_space<vmem>>) offsets(%dma_start3A_50 : memref<128xi32, #tpu.memory_space<vmem>>) semaphore(%arg12 : memref<!tpu.dma_semaphore, #tpu.memory_space<semaphore_mem>>)
      %scan3A_54 = arith.constant 0 : i32
      %scan3A_55 = arith.constant 0 : i32
      %scan3A_56 = arith.constant 8 : i32
      %scan3A_57 = arith.addi %scan3A_55, %scan3A_56 : i32
      %scan3A_58 = arith.constant 1 : i32
      %scan3A_59 = scf.for %scan3A_62 = %scan3A_55 to %scan3A_57 step %scan3A_58 iter_args(%scan3A_63 = %scan3A_54) -> (i32)  : i32 {
        %mul3A_64 = arith.constant 2 : i32
        %mul3A_65 = arith.muli %scan3A_62, %mul3A_64 : i32
        %dma_wait3A = arith.constant 0 : i32
        %dma_wait3A_66 = arith.constant 0 : i32
        %dma_wait3A_67 = tpu.memref_slice %arg6[%dma_wait3A, %dma_wait3A_66] : memref<16x128xi32, #tpu.memory_space<vmem>> -> memref<1x128xi32, #tpu.memory_space<vmem>>
        %dma_wait3A_68 = tpu.memref_squeeze %dma_wait3A_67 : memref<1x128xi32, #tpu.memory_space<vmem>> -> memref<128xi32, #tpu.memory_space<vmem>>
        %dma_wait3A_69 = arith.constant 0 : i32
        %dma_wait3A_70 = arith.constant 0 : i32
        %dma_wait3A_71 = tpu.memref_slice %arg10[%dma_wait3A_69, %dma_wait3A_70] : memref<10240x64xf32, #tpu.memory_space<vmem_shared>> -> memref<10240x64xf32, #tpu.memory_space<vmem_shared>>
        tpu.wait_indirect_dma semaphore(%arg12 : memref<!tpu.dma_semaphore, #tpu.memory_space<semaphore_mem>>) src(%dma_wait3A_71 : memref<10240x64xf32, #tpu.memory_space<vmem_shared>>) dst(%arg8 : memref<128x64xf32, #tpu.memory_space<vmem>>)
        %add3A_72 = arith.constant 1 : i32
        %add3A_73 = arith.addi %mul3A_65, %add3A_72 : i32
        %dma_start3A_74 = arith.constant 0 : i32
        %dma_start3A_75 = tpu.memref_slice %arg6[%add3A_73, %dma_start3A_74] : memref<16x128xi32, #tpu.memory_space<vmem>> -> memref<1x128xi32, #tpu.memory_space<vmem>>
        %dma_start3A_76 = tpu.memref_squeeze %dma_start3A_75 : memref<1x128xi32, #tpu.memory_space<vmem>> -> memref<128xi32, #tpu.memory_space<vmem>>
        %dma_start3A_77 = arith.constant 0 : i32
        %dma_start3A_78 = arith.constant 0 : i32
        %dma_start3A_79 = tpu.memref_slice %arg10[%dma_start3A_77, %dma_start3A_78] : memref<10240x64xf32, #tpu.memory_space<vmem_shared>> -> memref<10240x64xf32, #tpu.memory_space<vmem_shared>>
        tpu.enqueue_indirect_dma source(%dma_start3A_79 : memref<10240x64xf32, #tpu.memory_space<vmem_shared>>) target(%arg9 : memref<128x64xf32, #tpu.memory_space<vmem>>) offsets(%dma_start3A_76 : memref<128xi32, #tpu.memory_space<vmem>>) semaphore(%arg13 : memref<!tpu.dma_semaphore, #tpu.memory_space<semaphore_mem>>)
        "tpu.region"() ({
          %run_scoped3A = tpu.sem_alloc : memref<!tpu.dma_semaphore, #tpu.memory_space<semaphore_mem>>
          %dma_start3A_96 = arith.constant 0 : i32
          %dma_start3A_97 = tpu.memref_slice %arg7[%mul3A_65, %dma_start3A_96] : memref<16x128xi32, #tpu.memory_space<vmem>> -> memref<1x128xi32, #tpu.memory_space<vmem>>
          %dma_start3A_98 = tpu.memref_squeeze %dma_start3A_97 : memref<1x128xi32, #tpu.memory_space<vmem>> -> memref<128xi32, #tpu.memory_space<vmem>>
          %dma_start3A_99 = arith.constant 0 : i32
          %dma_start3A_100 = arith.constant 0 : i32
          %dma_start3A_101 = tpu.memref_slice %arg11[%dma_start3A_99, %dma_start3A_100] : memref<10240x64xf32, #tpu.memory_space<vmem_shared>> -> memref<10240x64xf32, #tpu.memory_space<vmem_shared>>
          tpu.enqueue_indirect_dma source(%arg8 : memref<128x64xf32, #tpu.memory_space<vmem>>) target(%dma_start3A_101 : memref<10240x64xf32, #tpu.memory_space<vmem_shared>>) offsets(%dma_start3A_98 : memref<128xi32, #tpu.memory_space<vmem>>) semaphore(%run_scoped3A : memref<!tpu.dma_semaphore, #tpu.memory_space<semaphore_mem>>) {add = true}
          %dma_wait3A_102 = arith.constant 0 : i32
          %dma_wait3A_103 = tpu.memref_slice %arg7[%mul3A_65, %dma_wait3A_102] : memref<16x128xi32, #tpu.memory_space<vmem>> -> memref<1x128xi32, #tpu.memory_space<vmem>>
          %dma_wait3A_104 = tpu.memref_squeeze %dma_wait3A_103 : memref<1x128xi32, #tpu.memory_space<vmem>> -> memref<128xi32, #tpu.memory_space<vmem>>
          %dma_wait3A_105 = arith.constant 0 : i32
          %dma_wait3A_106 = arith.constant 0 : i32
          %dma_wait3A_107 = tpu.memref_slice %arg11[%dma_wait3A_105, %dma_wait3A_106] : memref<10240x64xf32, #tpu.memory_space<vmem_shared>> -> memref<10240x64xf32, #tpu.memory_space<vmem_shared>>
          tpu.wait_indirect_dma semaphore(%run_scoped3A : memref<!tpu.dma_semaphore, #tpu.memory_space<semaphore_mem>>) src(%arg8 : memref<128x64xf32, #tpu.memory_space<vmem>>) dst(%dma_wait3A_107 : memref<10240x64xf32, #tpu.memory_space<vmem_shared>>)
          tpu.yield
        }) : () -> ()
        %dma_wait3A_80 = arith.constant 0 : i32
        %dma_wait3A_81 = arith.constant 0 : i32
        %dma_wait3A_82 = tpu.memref_slice %arg6[%dma_wait3A_80, %dma_wait3A_81] : memref<16x128xi32, #tpu.memory_space<vmem>> -> memref<1x128xi32, #tpu.memory_space<vmem>>
        %dma_wait3A_83 = tpu.memref_squeeze %dma_wait3A_82 : memref<1x128xi32, #tpu.memory_space<vmem>> -> memref<128xi32, #tpu.memory_space<vmem>>
        %dma_wait3A_84 = arith.constant 0 : i32
        %dma_wait3A_85 = arith.constant 0 : i32
        %dma_wait3A_86 = tpu.memref_slice %arg10[%dma_wait3A_84, %dma_wait3A_85] : memref<10240x64xf32, #tpu.memory_space<vmem_shared>> -> memref<10240x64xf32, #tpu.memory_space<vmem_shared>>
        tpu.wait_indirect_dma semaphore(%arg13 : memref<!tpu.dma_semaphore, #tpu.memory_space<semaphore_mem>>) src(%dma_wait3A_86 : memref<10240x64xf32, #tpu.memory_space<vmem_shared>>) dst(%arg9 : memref<128x64xf32, #tpu.memory_space<vmem>>)
        %add3A_87 = arith.constant 1 : i32
        %add3A_88 = arith.addi %scan3A_62, %add3A_87 : i32
        %lt3A = arith.constant 8 : i32
        %lt3A_89 = arith.cmpi slt, %add3A_88, %lt3A : i32
        %convert_element_type3A_90 = arith.extui %lt3A_89 : i1 to i32
        %cond3A_91 = arith.constant 0 : i32
        %cond3A_92 = arith.cmpi ne, %convert_element_type3A_90, %cond3A_91 : i32
        scf.if %cond3A_92 {
          %add3A_96 = arith.constant 2 : i32
          %add3A_97 = arith.addi %mul3A_65, %add3A_96 : i32
          %dma_start3A_98 = arith.constant 0 : i32
          %dma_start3A_99 = tpu.memref_slice %arg6[%add3A_97, %dma_start3A_98] : memref<16x128xi32, #tpu.memory_space<vmem>> -> memref<1x128xi32, #tpu.memory_space<vmem>>
          %dma_start3A_100 = tpu.memref_squeeze %dma_start3A_99 : memref<1x128xi32, #tpu.memory_space<vmem>> -> memref<128xi32, #tpu.memory_space<vmem>>
          %dma_start3A_101 = arith.constant 0 : i32
          %dma_start3A_102 = arith.constant 0 : i32
          %dma_start3A_103 = tpu.memref_slice %arg10[%dma_start3A_101, %dma_start3A_102] : memref<10240x64xf32, #tpu.memory_space<vmem_shared>> -> memref<10240x64xf32, #tpu.memory_space<vmem_shared>>
          tpu.enqueue_indirect_dma source(%dma_start3A_103 : memref<10240x64xf32, #tpu.memory_space<vmem_shared>>) target(%arg8 : memref<128x64xf32, #tpu.memory_space<vmem>>) offsets(%dma_start3A_100 : memref<128xi32, #tpu.memory_space<vmem>>) semaphore(%arg12 : memref<!tpu.dma_semaphore, #tpu.memory_space<semaphore_mem>>)
        } else {
        }
        %add3A_93 = arith.constant 1 : i32
        %add3A_94 = arith.addi %mul3A_65, %add3A_93 : i32
        "tpu.region"() ({
          %run_scoped3A = tpu.sem_alloc : memref<!tpu.dma_semaphore, #tpu.memory_space<semaphore_mem>>
          %dma_start3A_96 = arith.constant 0 : i32
          %dma_start3A_97 = tpu.memref_slice %arg7[%add3A_94, %dma_start3A_96] : memref<16x128xi32, #tpu.memory_space<vmem>> -> memref<1x128xi32, #tpu.memory_space<vmem>>
          %dma_start3A_98 = tpu.memref_squeeze %dma_start3A_97 : memref<1x128xi32, #tpu.memory_space<vmem>> -> memref<128xi32, #tpu.memory_space<vmem>>
          %dma_start3A_99 = arith.constant 0 : i32
          %dma_start3A_100 = arith.constant 0 : i32
          %dma_start3A_101 = tpu.memref_slice %arg11[%dma_start3A_99, %dma_start3A_100] : memref<10240x64xf32, #tpu.memory_space<vmem_shared>> -> memref<10240x64xf32, #tpu.memory_space<vmem_shared>>
          tpu.enqueue_indirect_dma source(%arg9 : memref<128x64xf32, #tpu.memory_space<vmem>>) target(%dma_start3A_101 : memref<10240x64xf32, #tpu.memory_space<vmem_shared>>) offsets(%dma_start3A_98 : memref<128xi32, #tpu.memory_space<vmem>>) semaphore(%run_scoped3A : memref<!tpu.dma_semaphore, #tpu.memory_space<semaphore_mem>>) {add = true}
          %dma_wait3A_102 = arith.constant 0 : i32
          %dma_wait3A_103 = tpu.memref_slice %arg7[%add3A_94, %dma_wait3A_102] : memref<16x128xi32, #tpu.memory_space<vmem>> -> memref<1x128xi32, #tpu.memory_space<vmem>>
          %dma_wait3A_104 = tpu.memref_squeeze %dma_wait3A_103 : memref<1x128xi32, #tpu.memory_space<vmem>> -> memref<128xi32, #tpu.memory_space<vmem>>
          %dma_wait3A_105 = arith.constant 0 : i32
          %dma_wait3A_106 = arith.constant 0 : i32
          %dma_wait3A_107 = tpu.memref_slice %arg11[%dma_wait3A_105, %dma_wait3A_106] : memref<10240x64xf32, #tpu.memory_space<vmem_shared>> -> memref<10240x64xf32, #tpu.memory_space<vmem_shared>>
          tpu.wait_indirect_dma semaphore(%run_scoped3A : memref<!tpu.dma_semaphore, #tpu.memory_space<semaphore_mem>>) src(%arg9 : memref<128x64xf32, #tpu.memory_space<vmem>>) dst(%dma_wait3A_107 : memref<10240x64xf32, #tpu.memory_space<vmem_shared>>)
          tpu.yield
        }) : () -> ()
        %scan3A_95 = arith.constant 0 : i32
        scf.yield %scan3A_95 : i32
      }
      %scan3A_60 = arith.constant 8 : i32
      %scan3A_61 = arith.constant 0 : i32
      scf.yield %scan3A_61 : i32
    }
    %scan3A_29 = arith.constant 10 : i32
    %barrier3A_30 = arith.constant 0 : index
    tpu.barrier barrier_id(%barrier3A_30)
    %eq3A_31 = arith.constant 0 : i32
    %eq3A_32 = arith.cmpi eq, %arg0, %eq3A_31 : i32
    %convert_element_type3A_33 = arith.extui %eq3A_32 : i1 to i32
    %cond3A_34 = arith.constant 0 : i32
    %cond3A_35 = arith.cmpi ne, %convert_element_type3A_33, %cond3A_34 : i32
    scf.if %cond3A_35 {
      "tpu.region"() ({
        %run_scoped3A = tpu.sem_alloc : memref<!tpu.dma_semaphore, #tpu.memory_space<semaphore_mem>>
        %dma_start3A = arith.constant 0 : i32
        %dma_start3A_41 = tpu.memref_slice %arg5[%mul3A_6, %dma_start3A] : memref<10240x128xf32, #tpu.memory_space<hbm>> -> memref<640x64xf32, #tpu.memory_space<hbm>>
        %dma_start3A_42 = arith.constant 0 : i32
        %dma_start3A_43 = tpu.memref_slice %arg11[%mul3A_6, %dma_start3A_42] : memref<10240x64xf32, #tpu.memory_space<vmem_shared>> -> memref<640x64xf32, #tpu.memory_space<vmem_shared>>
        tpu.enqueue_dma source(%dma_start3A_43 : memref<640x64xf32, #tpu.memory_space<vmem_shared>>) target(%dma_start3A_41 : memref<640x64xf32, #tpu.memory_space<hbm>>) target_semaphore(%run_scoped3A : memref<!tpu.dma_semaphore, #tpu.memory_space<semaphore_mem>>)
        %dma_wait3A = arith.constant 0 : i32
        %dma_wait3A_44 = tpu.memref_slice %arg5[%mul3A_6, %dma_wait3A] : memref<10240x128xf32, #tpu.memory_space<hbm>> -> memref<640x64xf32, #tpu.memory_space<hbm>>
        %dma_wait3A_45 = arith.constant 0 : i32
        %dma_wait3A_46 = tpu.memref_slice %arg11[%mul3A_6, %dma_wait3A_45] : memref<10240x64xf32, #tpu.memory_space<vmem_shared>> -> memref<640x64xf32, #tpu.memory_space<vmem_shared>>
        tpu.wait_dma2 semaphore(%run_scoped3A : memref<!tpu.dma_semaphore, #tpu.memory_space<semaphore_mem>>) src(%dma_wait3A_46 : memref<640x64xf32, #tpu.memory_space<vmem_shared>>) dst(%dma_wait3A_44 : memref<640x64xf32, #tpu.memory_space<hbm>>)
        tpu.yield
      }) : () -> ()
    } else {
    }
    %eq3A_36 = arith.constant 1 : i32
    %eq3A_37 = arith.cmpi eq, %arg0, %eq3A_36 : i32
    %convert_element_type3A_38 = arith.extui %eq3A_37 : i1 to i32
    %cond3A_39 = arith.constant 0 : i32
    %cond3A_40 = arith.cmpi ne, %convert_element_type3A_38, %cond3A_39 : i32
    scf.if %cond3A_40 {
      "tpu.region"() ({
        %run_scoped3A = tpu.sem_alloc : memref<!tpu.dma_semaphore, #tpu.memory_space<semaphore_mem>>
        %dma_start3A = arith.constant 64 : i32
        %dma_start3A_41 = tpu.memref_slice %arg5[%mul3A_6, %dma_start3A] : memref<10240x128xf32, #tpu.memory_space<hbm>> -> memref<640x64xf32, #tpu.memory_space<hbm>>
        %dma_start3A_42 = arith.constant 0 : i32
        %dma_start3A_43 = tpu.memref_slice %arg11[%mul3A_6, %dma_start3A_42] : memref<10240x64xf32, #tpu.memory_space<vmem_shared>> -> memref<640x64xf32, #tpu.memory_space<vmem_shared>>
        tpu.enqueue_dma source(%dma_start3A_43 : memref<640x64xf32, #tpu.memory_space<vmem_shared>>) target(%dma_start3A_41 : memref<640x64xf32, #tpu.memory_space<hbm>>) target_semaphore(%run_scoped3A : memref<!tpu.dma_semaphore, #tpu.memory_space<semaphore_mem>>)
        %dma_wait3A = arith.constant 64 : i32
        %dma_wait3A_44 = tpu.memref_slice %arg5[%mul3A_6, %dma_wait3A] : memref<10240x128xf32, #tpu.memory_space<hbm>> -> memref<640x64xf32, #tpu.memory_space<hbm>>
        %dma_wait3A_45 = arith.constant 0 : i32
        %dma_wait3A_46 = tpu.memref_slice %arg11[%mul3A_6, %dma_wait3A_45] : memref<10240x64xf32, #tpu.memory_space<vmem_shared>> -> memref<640x64xf32, #tpu.memory_space<vmem_shared>>
        tpu.wait_dma2 semaphore(%run_scoped3A : memref<!tpu.dma_semaphore, #tpu.memory_space<semaphore_mem>>) src(%dma_wait3A_46 : memref<640x64xf32, #tpu.memory_space<vmem_shared>>) dst(%dma_wait3A_44 : memref<640x64xf32, #tpu.memory_space<hbm>>)
        tpu.yield
      }) : () -> ()
    } else {
    }
    return
  }
}

#map = affine_map<(d0, d1) -> (0, 0)>
module attributes {stable_mosaic.version = 14 : i64} {
  func.func @_sc_agg_body(%arg0: i32, %arg1: i32, %arg2: memref<10240x128xf32, #tpu.memory_space<hbm>>, %arg3: memref<2560x128xi32, #tpu.memory_space<hbm>>, %arg4: memref<2560x128xi32, #tpu.memory_space<hbm>>, %arg5: memref<10240x128xf32, #tpu.memory_space<hbm>>, %arg6: memref<16x128xi32, #tpu.memory_space<vmem>>, %arg7: memref<16x128xi32, #tpu.memory_space<vmem>>, %arg8: memref<128x64xf32, #tpu.memory_space<vmem>>, %arg9: memref<128x64xf32, #tpu.memory_space<vmem>>, %arg10: memref<10240x64xf32, #tpu.memory_space<vmem_shared>>, %arg11: memref<10240x64xf32, #tpu.memory_space<vmem_shared>>, %arg12: memref<!tpu.dma_semaphore, #tpu.memory_space<semaphore_mem>>, %arg13: memref<!tpu.dma_semaphore, #tpu.memory_space<semaphore_mem>>) attributes {dimension_semantics = [#tpu.dimension_semantics<core_parallel>, #tpu.dimension_semantics<subcore_parallel>], iteration_bounds = array<i64: 2, 16>, scalar_prefetch = 0 : i64, scratch_operands = 8 : i64, tpu.core_type = #tpu.core_type<sc_vector_subcore>, window_params = [{transform_indices = #map}, {transform_indices = #map}, {transform_indices = #map}, {transform_indices = #map}]} {
    %scan3A = arith.constant 0 : i32
    %scan3A_0 = arith.constant 0 : i32
    %scan3A_1 = arith.constant 128 : i32
    %scan3A_2 = arith.addi %scan3A_0, %scan3A_1 : i32
    %scan3A_3 = arith.constant 1 : i32
    %scan3A_4 = scf.for %scan3A_41 = %scan3A_0 to %scan3A_2 step %scan3A_3 iter_args(%scan3A_42 = %scan3A) -> (i32)  : i32 {
      %broadcast_in_dim3A = arith.constant 0.000000e+00 : f32
      %broadcast_in_dim3A_43 = vector.broadcast %broadcast_in_dim3A : f32 to vector<16xf32>
      %swap3A = arith.index_cast %scan3A_41 : i32 to index
      %swap3A_44 = arith.constant 0 : index
      %swap3A_45 = tpu.vector_load %arg8[%swap3A, %swap3A_44] {strides = array<i32>} : memref<128x64xf32, #tpu.memory_space<vmem>>, vector<1x16xf32>,
      %swap3A_46 = vector.shape_cast %swap3A_45 : vector<1x16xf32> to vector<16xf32>
      %swap3A_47 = vector.shape_cast %broadcast_in_dim3A_43 : vector<16xf32> to vector<1x16xf32>
      tpu.vector_store %arg8[%swap3A, %swap3A_44], %swap3A_47 {strides = array<i32>} : memref<128x64xf32, #tpu.memory_space<vmem>>, vector<1x16xf32>,
      %broadcast_in_dim3A_48 = arith.constant 0.000000e+00 : f32
      %broadcast_in_dim3A_49 = vector.broadcast %broadcast_in_dim3A_48 : f32 to vector<16xf32>
      %swap3A_50 = arith.index_cast %scan3A_41 : i32 to index
      %swap3A_51 = arith.constant 16 : index
      %swap3A_52 = tpu.vector_load %arg8[%swap3A_50, %swap3A_51] {strides = array<i32>} : memref<128x64xf32, #tpu.memory_space<vmem>>, vector<1x16xf32>,
      %swap3A_53 = vector.shape_cast %swap3A_52 : vector<1x16xf32> to vector<16xf32>
      %swap3A_54 = vector.shape_cast %broadcast_in_dim3A_49 : vector<16xf32> to vector<1x16xf32>
      tpu.vector_store %arg8[%swap3A_50, %swap3A_51], %swap3A_54 {strides = array<i32>} : memref<128x64xf32, #tpu.memory_space<vmem>>, vector<1x16xf32>,
      %broadcast_in_dim3A_55 = arith.constant 0.000000e+00 : f32
      %broadcast_in_dim3A_56 = vector.broadcast %broadcast_in_dim3A_55 : f32 to vector<16xf32>
      %swap3A_57 = arith.index_cast %scan3A_41 : i32 to index
      %swap3A_58 = arith.constant 32 : index
      %swap3A_59 = tpu.vector_load %arg8[%swap3A_57, %swap3A_58] {strides = array<i32>} : memref<128x64xf32, #tpu.memory_space<vmem>>, vector<1x16xf32>,
      %swap3A_60 = vector.shape_cast %swap3A_59 : vector<1x16xf32> to vector<16xf32>
      %swap3A_61 = vector.shape_cast %broadcast_in_dim3A_56 : vector<16xf32> to vector<1x16xf32>
      tpu.vector_store %arg8[%swap3A_57, %swap3A_58], %swap3A_61 {strides = array<i32>} : memref<128x64xf32, #tpu.memory_space<vmem>>, vector<1x16xf32>,
      %broadcast_in_dim3A_62 = arith.constant 0.000000e+00 : f32
      %broadcast_in_dim3A_63 = vector.broadcast %broadcast_in_dim3A_62 : f32 to vector<16xf32>
      %swap3A_64 = arith.index_cast %scan3A_41 : i32 to index
      %swap3A_65 = arith.constant 48 : index
      %swap3A_66 = tpu.vector_load %arg8[%swap3A_64, %swap3A_65] {strides = array<i32>} : memref<128x64xf32, #tpu.memory_space<vmem>>, vector<1x16xf32>,
      %swap3A_67 = vector.shape_cast %swap3A_66 : vector<1x16xf32> to vector<16xf32>
      %swap3A_68 = vector.shape_cast %broadcast_in_dim3A_63 : vector<16xf32> to vector<1x16xf32>
      tpu.vector_store %arg8[%swap3A_64, %swap3A_65], %swap3A_68 {strides = array<i32>} : memref<128x64xf32, #tpu.memory_space<vmem>>, vector<1x16xf32>,
      %scan3A_69 = arith.constant 0 : i32
      scf.yield %scan3A_69 : i32
    }
    %scan3A_5 = arith.constant 128 : i32
    %mul3A = arith.constant 640 : i32
    %mul3A_6 = arith.muli %arg1, %mul3A : i32
    %add3A = arith.constant 0 : i32
    %add3A_7 = arith.addi %mul3A_6, %add3A : i32
    "tpu.region"() ({
      %run_scoped3A = tpu.sem_alloc : memref<!tpu.dma_semaphore, #tpu.memory_space<semaphore_mem>>
      %dma_start3A = arith.constant 0 : i32
      %dma_start3A_41 = tpu.memref_slice %arg11[%add3A_7, %dma_start3A] : memref<10240x64xf32, #tpu.memory_space<vmem_shared>> -> memref<128x64xf32, #tpu.memory_space<vmem_shared>>
      %dma_start3A_42 = arith.constant 0 : i32
      %dma_start3A_43 = tpu.memref_slice %arg11[%add3A_7, %dma_start3A_42] : memref<10240x64xf32, #tpu.memory_space<vmem_shared>> -> memref<128x64xf32, #tpu.memory_space<vmem_shared>>
      tpu.enqueue_dma source(%arg8 : memref<128x64xf32, #tpu.memory_space<vmem>>) target(%dma_start3A_43 : memref<128x64xf32, #tpu.memory_space<vmem_shared>>) target_semaphore(%run_scoped3A : memref<!tpu.dma_semaphore, #tpu.memory_space<semaphore_mem>>)
      %dma_wait3A = arith.constant 0 : i32
      %dma_wait3A_44 = tpu.memref_slice %arg11[%add3A_7, %dma_wait3A] : memref<10240x64xf32, #tpu.memory_space<vmem_shared>> -> memref<128x64xf32, #tpu.memory_space<vmem_shared>>
      %dma_wait3A_45 = arith.constant 0 : i32
      %dma_wait3A_46 = tpu.memref_slice %arg11[%add3A_7, %dma_wait3A_45] : memref<10240x64xf32, #tpu.memory_space<vmem_shared>> -> memref<128x64xf32, #tpu.memory_space<vmem_shared>>
      tpu.wait_dma2 semaphore(%run_scoped3A : memref<!tpu.dma_semaphore, #tpu.memory_space<semaphore_mem>>) src(%arg8 : memref<128x64xf32, #tpu.memory_space<vmem>>) dst(%dma_wait3A_46 : memref<128x64xf32, #tpu.memory_space<vmem_shared>>)
      tpu.yield
    }) : () -> ()
    %add3A_8 = arith.constant 128 : i32
    %add3A_9 = arith.addi %mul3A_6, %add3A_8 : i32
    "tpu.region"() ({
      %run_scoped3A = tpu.sem_alloc : memref<!tpu.dma_semaphore, #tpu.memory_space<semaphore_mem>>
      %dma_start3A = arith.constant 0 : i32
      %dma_start3A_41 = tpu.memref_slice %arg11[%add3A_9, %dma_start3A] : memref<10240x64xf32, #tpu.memory_space<vmem_shared>> -> memref<128x64xf32, #tpu.memory_space<vmem_shared>>
      %dma_start3A_42 = arith.constant 0 : i32
      %dma_start3A_43 = tpu.memref_slice %arg11[%add3A_9, %dma_start3A_42] : memref<10240x64xf32, #tpu.memory_space<vmem_shared>> -> memref<128x64xf32, #tpu.memory_space<vmem_shared>>
      tpu.enqueue_dma source(%arg8 : memref<128x64xf32, #tpu.memory_space<vmem>>) target(%dma_start3A_43 : memref<128x64xf32, #tpu.memory_space<vmem_shared>>) target_semaphore(%run_scoped3A : memref<!tpu.dma_semaphore, #tpu.memory_space<semaphore_mem>>)
      %dma_wait3A = arith.constant 0 : i32
      %dma_wait3A_44 = tpu.memref_slice %arg11[%add3A_9, %dma_wait3A] : memref<10240x64xf32, #tpu.memory_space<vmem_shared>> -> memref<128x64xf32, #tpu.memory_space<vmem_shared>>
      %dma_wait3A_45 = arith.constant 0 : i32
      %dma_wait3A_46 = tpu.memref_slice %arg11[%add3A_9, %dma_wait3A_45] : memref<10240x64xf32, #tpu.memory_space<vmem_shared>> -> memref<128x64xf32, #tpu.memory_space<vmem_shared>>
      tpu.wait_dma2 semaphore(%run_scoped3A : memref<!tpu.dma_semaphore, #tpu.memory_space<semaphore_mem>>) src(%arg8 : memref<128x64xf32, #tpu.memory_space<vmem>>) dst(%dma_wait3A_46 : memref<128x64xf32, #tpu.memory_space<vmem_shared>>)
      tpu.yield
    }) : () -> ()
    %add3A_10 = arith.constant 256 : i32
    %add3A_11 = arith.addi %mul3A_6, %add3A_10 : i32
    "tpu.region"() ({
      %run_scoped3A = tpu.sem_alloc : memref<!tpu.dma_semaphore, #tpu.memory_space<semaphore_mem>>
      %dma_start3A = arith.constant 0 : i32
      %dma_start3A_41 = tpu.memref_slice %arg11[%add3A_11, %dma_start3A] : memref<10240x64xf32, #tpu.memory_space<vmem_shared>> -> memref<128x64xf32, #tpu.memory_space<vmem_shared>>
      %dma_start3A_42 = arith.constant 0 : i32
      %dma_start3A_43 = tpu.memref_slice %arg11[%add3A_11, %dma_start3A_42] : memref<10240x64xf32, #tpu.memory_space<vmem_shared>> -> memref<128x64xf32, #tpu.memory_space<vmem_shared>>
      tpu.enqueue_dma source(%arg8 : memref<128x64xf32, #tpu.memory_space<vmem>>) target(%dma_start3A_43 : memref<128x64xf32, #tpu.memory_space<vmem_shared>>) target_semaphore(%run_scoped3A : memref<!tpu.dma_semaphore, #tpu.memory_space<semaphore_mem>>)
      %dma_wait3A = arith.constant 0 : i32
      %dma_wait3A_44 = tpu.memref_slice %arg11[%add3A_11, %dma_wait3A] : memref<10240x64xf32, #tpu.memory_space<vmem_shared>> -> memref<128x64xf32, #tpu.memory_space<vmem_shared>>
      %dma_wait3A_45 = arith.constant 0 : i32
      %dma_wait3A_46 = tpu.memref_slice %arg11[%add3A_11, %dma_wait3A_45] : memref<10240x64xf32, #tpu.memory_space<vmem_shared>> -> memref<128x64xf32, #tpu.memory_space<vmem_shared>>
      tpu.wait_dma2 semaphore(%run_scoped3A : memref<!tpu.dma_semaphore, #tpu.memory_space<semaphore_mem>>) src(%arg8 : memref<128x64xf32, #tpu.memory_space<vmem>>) dst(%dma_wait3A_46 : memref<128x64xf32, #tpu.memory_space<vmem_shared>>)
      tpu.yield
    }) : () -> ()
    %add3A_12 = arith.constant 384 : i32
    %add3A_13 = arith.addi %mul3A_6, %add3A_12 : i32
    "tpu.region"() ({
      %run_scoped3A = tpu.sem_alloc : memref<!tpu.dma_semaphore, #tpu.memory_space<semaphore_mem>>
      %dma_start3A = arith.constant 0 : i32
      %dma_start3A_41 = tpu.memref_slice %arg11[%add3A_13, %dma_start3A] : memref<10240x64xf32, #tpu.memory_space<vmem_shared>> -> memref<128x64xf32, #tpu.memory_space<vmem_shared>>
      %dma_start3A_42 = arith.constant 0 : i32
      %dma_start3A_43 = tpu.memref_slice %arg11[%add3A_13, %dma_start3A_42] : memref<10240x64xf32, #tpu.memory_space<vmem_shared>> -> memref<128x64xf32, #tpu.memory_space<vmem_shared>>
      tpu.enqueue_dma source(%arg8 : memref<128x64xf32, #tpu.memory_space<vmem>>) target(%dma_start3A_43 : memref<128x64xf32, #tpu.memory_space<vmem_shared>>) target_semaphore(%run_scoped3A : memref<!tpu.dma_semaphore, #tpu.memory_space<semaphore_mem>>)
      %dma_wait3A = arith.constant 0 : i32
      %dma_wait3A_44 = tpu.memref_slice %arg11[%add3A_13, %dma_wait3A] : memref<10240x64xf32, #tpu.memory_space<vmem_shared>> -> memref<128x64xf32, #tpu.memory_space<vmem_shared>>
      %dma_wait3A_45 = arith.constant 0 : i32
      %dma_wait3A_46 = tpu.memref_slice %arg11[%add3A_13, %dma_wait3A_45] : memref<10240x64xf32, #tpu.memory_space<vmem_shared>> -> memref<128x64xf32, #tpu.memory_space<vmem_shared>>
      tpu.wait_dma2 semaphore(%run_scoped3A : memref<!tpu.dma_semaphore, #tpu.memory_space<semaphore_mem>>) src(%arg8 : memref<128x64xf32, #tpu.memory_space<vmem>>) dst(%dma_wait3A_46 : memref<128x64xf32, #tpu.memory_space<vmem_shared>>)
      tpu.yield
    }) : () -> ()
    %add3A_14 = arith.constant 512 : i32
    %add3A_15 = arith.addi %mul3A_6, %add3A_14 : i32
    "tpu.region"() ({
      %run_scoped3A = tpu.sem_alloc : memref<!tpu.dma_semaphore, #tpu.memory_space<semaphore_mem>>
      %dma_start3A = arith.constant 0 : i32
      %dma_start3A_41 = tpu.memref_slice %arg11[%add3A_15, %dma_start3A] : memref<10240x64xf32, #tpu.memory_space<vmem_shared>> -> memref<128x64xf32, #tpu.memory_space<vmem_shared>>
      %dma_start3A_42 = arith.constant 0 : i32
      %dma_start3A_43 = tpu.memref_slice %arg11[%add3A_15, %dma_start3A_42] : memref<10240x64xf32, #tpu.memory_space<vmem_shared>> -> memref<128x64xf32, #tpu.memory_space<vmem_shared>>
      tpu.enqueue_dma source(%arg8 : memref<128x64xf32, #tpu.memory_space<vmem>>) target(%dma_start3A_43 : memref<128x64xf32, #tpu.memory_space<vmem_shared>>) target_semaphore(%run_scoped3A : memref<!tpu.dma_semaphore, #tpu.memory_space<semaphore_mem>>)
      %dma_wait3A = arith.constant 0 : i32
      %dma_wait3A_44 = tpu.memref_slice %arg11[%add3A_15, %dma_wait3A] : memref<10240x64xf32, #tpu.memory_space<vmem_shared>> -> memref<128x64xf32, #tpu.memory_space<vmem_shared>>
      %dma_wait3A_45 = arith.constant 0 : i32
      %dma_wait3A_46 = tpu.memref_slice %arg11[%add3A_15, %dma_wait3A_45] : memref<10240x64xf32, #tpu.memory_space<vmem_shared>> -> memref<128x64xf32, #tpu.memory_space<vmem_shared>>
      tpu.wait_dma2 semaphore(%run_scoped3A : memref<!tpu.dma_semaphore, #tpu.memory_space<semaphore_mem>>) src(%arg8 : memref<128x64xf32, #tpu.memory_space<vmem>>) dst(%dma_wait3A_46 : memref<128x64xf32, #tpu.memory_space<vmem_shared>>)
      tpu.yield
    }) : () -> ()
    %eq3A = arith.constant 0 : i32
    %eq3A_16 = arith.cmpi eq, %arg0, %eq3A : i32
    %convert_element_type3A = arith.extui %eq3A_16 : i1 to i32
    %cond3A = arith.constant 0 : i32
    %cond3A_17 = arith.cmpi ne, %convert_element_type3A, %cond3A : i32
    scf.if %cond3A_17 {
      "tpu.region"() ({
        %run_scoped3A = tpu.sem_alloc : memref<!tpu.dma_semaphore, #tpu.memory_space<semaphore_mem>>
        %dma_start3A = arith.constant 0 : i32
        %dma_start3A_41 = tpu.memref_slice %arg10[%mul3A_6, %dma_start3A] : memref<10240x64xf32, #tpu.memory_space<vmem_shared>> -> memref<640x64xf32, #tpu.memory_space<vmem_shared>>
        %dma_start3A_42 = arith.constant 0 : i32
        %dma_start3A_43 = tpu.memref_slice %arg2[%mul3A_6, %dma_start3A_42] : memref<10240x128xf32, #tpu.memory_space<hbm>> -> memref<640x64xf32, #tpu.memory_space<hbm>>
        tpu.enqueue_dma source(%dma_start3A_43 : memref<640x64xf32, #tpu.memory_space<hbm>>) target(%dma_start3A_41 : memref<640x64xf32, #tpu.memory_space<vmem_shared>>) target_semaphore(%run_scoped3A : memref<!tpu.dma_semaphore, #tpu.memory_space<semaphore_mem>>)
        %dma_wait3A = arith.constant 0 : i32
        %dma_wait3A_44 = tpu.memref_slice %arg10[%mul3A_6, %dma_wait3A] : memref<10240x64xf32, #tpu.memory_space<vmem_shared>> -> memref<640x64xf32, #tpu.memory_space<vmem_shared>>
        %dma_wait3A_45 = arith.constant 0 : i32
        %dma_wait3A_46 = tpu.memref_slice %arg2[%mul3A_6, %dma_wait3A_45] : memref<10240x128xf32, #tpu.memory_space<hbm>> -> memref<640x64xf32, #tpu.memory_space<hbm>>
        tpu.wait_dma2 semaphore(%run_scoped3A : memref<!tpu.dma_semaphore, #tpu.memory_space<semaphore_mem>>) src(%dma_wait3A_46 : memref<640x64xf32, #tpu.memory_space<hbm>>) dst(%dma_wait3A_44 : memref<640x64xf32, #tpu.memory_space<vmem_shared>>)
        tpu.yield
      }) : () -> ()
    } else {
    }
    %eq3A_18 = arith.constant 1 : i32
    %eq3A_19 = arith.cmpi eq, %arg0, %eq3A_18 : i32
    %convert_element_type3A_20 = arith.extui %eq3A_19 : i1 to i32
    %cond3A_21 = arith.constant 0 : i32
    %cond3A_22 = arith.cmpi ne, %convert_element_type3A_20, %cond3A_21 : i32
    scf.if %cond3A_22 {
      "tpu.region"() ({
        %run_scoped3A = tpu.sem_alloc : memref<!tpu.dma_semaphore, #tpu.memory_space<semaphore_mem>>
        %dma_start3A = arith.constant 0 : i32
        %dma_start3A_41 = tpu.memref_slice %arg10[%mul3A_6, %dma_start3A] : memref<10240x64xf32, #tpu.memory_space<vmem_shared>> -> memref<640x64xf32, #tpu.memory_space<vmem_shared>>
        %dma_start3A_42 = arith.constant 64 : i32
        %dma_start3A_43 = tpu.memref_slice %arg2[%mul3A_6, %dma_start3A_42] : memref<10240x128xf32, #tpu.memory_space<hbm>> -> memref<640x64xf32, #tpu.memory_space<hbm>>
        tpu.enqueue_dma source(%dma_start3A_43 : memref<640x64xf32, #tpu.memory_space<hbm>>) target(%dma_start3A_41 : memref<640x64xf32, #tpu.memory_space<vmem_shared>>) target_semaphore(%run_scoped3A : memref<!tpu.dma_semaphore, #tpu.memory_space<semaphore_mem>>)
        %dma_wait3A = arith.constant 0 : i32
        %dma_wait3A_44 = tpu.memref_slice %arg10[%mul3A_6, %dma_wait3A] : memref<10240x64xf32, #tpu.memory_space<vmem_shared>> -> memref<640x64xf32, #tpu.memory_space<vmem_shared>>
        %dma_wait3A_45 = arith.constant 64 : i32
        %dma_wait3A_46 = tpu.memref_slice %arg2[%mul3A_6, %dma_wait3A_45] : memref<10240x128xf32, #tpu.memory_space<hbm>> -> memref<640x64xf32, #tpu.memory_space<hbm>>
        tpu.wait_dma2 semaphore(%run_scoped3A : memref<!tpu.dma_semaphore, #tpu.memory_space<semaphore_mem>>) src(%dma_wait3A_46 : memref<640x64xf32, #tpu.memory_space<hbm>>) dst(%dma_wait3A_44 : memref<640x64xf32, #tpu.memory_space<vmem_shared>>)
        tpu.yield
      }) : () -> ()
    } else {
    }
    %barrier3A = arith.constant 0 : index
    tpu.barrier barrier_id(%barrier3A)
    %scan3A_23 = arith.constant 0 : i32
    %scan3A_24 = arith.constant 0 : i32
    %scan3A_25 = arith.constant 10 : i32
    %scan3A_26 = arith.addi %scan3A_24, %scan3A_25 : i32
    %scan3A_27 = arith.constant 1 : i32
    %scan3A_28 = scf.for %scan3A_41 = %scan3A_24 to %scan3A_26 step %scan3A_27 iter_args(%scan3A_42 = %scan3A_23) -> (i32)  : i32 {
      %mul3A_43 = arith.constant 160 : i32
      %mul3A_44 = arith.muli %arg1, %mul3A_43 : i32
      %mul3A_45 = arith.constant 16 : i32
      %mul3A_46 = arith.muli %scan3A_41, %mul3A_45 : i32
      %add3A_47 = arith.addi %mul3A_44, %mul3A_46 : i32
      "tpu.region"() ({
        %run_scoped3A = tpu.sem_alloc : memref<!tpu.dma_semaphore, #tpu.memory_space<semaphore_mem>>
        %dma_start3A_62 = arith.constant 0 : i32
        %dma_start3A_63 = tpu.memref_slice %arg3[%add3A_47, %dma_start3A_62] : memref<2560x128xi32, #tpu.memory_space<hbm>> -> memref<16x128xi32, #tpu.memory_space<hbm>>
        %dma_start3A_64 = arith.constant 0 : i32
        %dma_start3A_65 = tpu.memref_slice %arg3[%add3A_47, %dma_start3A_64] : memref<2560x128xi32, #tpu.memory_space<hbm>> -> memref<16x128xi32, #tpu.memory_space<hbm>>
        tpu.enqueue_dma source(%dma_start3A_65 : memref<16x128xi32, #tpu.memory_space<hbm>>) target(%arg6 : memref<16x128xi32, #tpu.memory_space<vmem>>) target_semaphore(%run_scoped3A : memref<!tpu.dma_semaphore, #tpu.memory_space<semaphore_mem>>)
        %dma_wait3A = arith.constant 0 : i32
        %dma_wait3A_66 = tpu.memref_slice %arg3[%add3A_47, %dma_wait3A] : memref<2560x128xi32, #tpu.memory_space<hbm>> -> memref<16x128xi32, #tpu.memory_space<hbm>>
        %dma_wait3A_67 = arith.constant 0 : i32
        %dma_wait3A_68 = tpu.memref_slice %arg3[%add3A_47, %dma_wait3A_67] : memref<2560x128xi32, #tpu.memory_space<hbm>> -> memref<16x128xi32, #tpu.memory_space<hbm>>
        tpu.wait_dma2 semaphore(%run_scoped3A : memref<!tpu.dma_semaphore, #tpu.memory_space<semaphore_mem>>) src(%dma_wait3A_68 : memref<16x128xi32, #tpu.memory_space<hbm>>) dst(%arg6 : memref<16x128xi32, #tpu.memory_space<vmem>>)
        tpu.yield
      }) : () -> ()
      "tpu.region"() ({
        %run_scoped3A = tpu.sem_alloc : memref<!tpu.dma_semaphore, #tpu.memory_space<semaphore_mem>>
        %dma_start3A_62 = arith.constant 0 : i32
        %dma_start3A_63 = tpu.memref_slice %arg4[%add3A_47, %dma_start3A_62] : memref<2560x128xi32, #tpu.memory_space<hbm>> -> memref<16x128xi32, #tpu.memory_space<hbm>>
        %dma_start3A_64 = arith.constant 0 : i32
        %dma_start3A_65 = tpu.memref_slice %arg4[%add3A_47, %dma_start3A_64] : memref<2560x128xi32, #tpu.memory_space<hbm>> -> memref<16x128xi32, #tpu.memory_space<hbm>>
        tpu.enqueue_dma source(%dma_start3A_65 : memref<16x128xi32, #tpu.memory_space<hbm>>) target(%arg7 : memref<16x128xi32, #tpu.memory_space<vmem>>) target_semaphore(%run_scoped3A : memref<!tpu.dma_semaphore, #tpu.memory_space<semaphore_mem>>)
        %dma_wait3A = arith.constant 0 : i32
        %dma_wait3A_66 = tpu.memref_slice %arg4[%add3A_47, %dma_wait3A] : memref<2560x128xi32, #tpu.memory_space<hbm>> -> memref<16x128xi32, #tpu.memory_space<hbm>>
        %dma_wait3A_67 = arith.constant 0 : i32
        %dma_wait3A_68 = tpu.memref_slice %arg4[%add3A_47, %dma_wait3A_67] : memref<2560x128xi32, #tpu.memory_space<hbm>> -> memref<16x128xi32, #tpu.memory_space<hbm>>
        tpu.wait_dma2 semaphore(%run_scoped3A : memref<!tpu.dma_semaphore, #tpu.memory_space<semaphore_mem>>) src(%dma_wait3A_68 : memref<16x128xi32, #tpu.memory_space<hbm>>) dst(%arg7 : memref<16x128xi32, #tpu.memory_space<vmem>>)
        tpu.yield
      }) : () -> ()
      %dma_start3A = arith.constant 0 : i32
      %dma_start3A_48 = arith.constant 0 : i32
      %dma_start3A_49 = tpu.memref_slice %arg6[%dma_start3A, %dma_start3A_48] : memref<16x128xi32, #tpu.memory_space<vmem>> -> memref<1x128xi32, #tpu.memory_space<vmem>>
      %dma_start3A_50 = tpu.memref_squeeze %dma_start3A_49 : memref<1x128xi32, #tpu.memory_space<vmem>> -> memref<128xi32, #tpu.memory_space<vmem>>
      %dma_start3A_51 = arith.constant 0 : i32
      %dma_start3A_52 = arith.constant 0 : i32
      %dma_start3A_53 = tpu.memref_slice %arg10[%dma_start3A_51, %dma_start3A_52] : memref<10240x64xf32, #tpu.memory_space<vmem_shared>> -> memref<10240x64xf32, #tpu.memory_space<vmem_shared>>
      tpu.enqueue_indirect_dma source(%dma_start3A_53 : memref<10240x64xf32, #tpu.memory_space<vmem_shared>>) target(%arg8 : memref<128x64xf32, #tpu.memory_space<vmem>>) offsets(%dma_start3A_50 : memref<128xi32, #tpu.memory_space<vmem>>) semaphore(%arg12 : memref<!tpu.dma_semaphore, #tpu.memory_space<semaphore_mem>>)
      %scan3A_54 = arith.constant 0 : i32
      %scan3A_55 = arith.constant 0 : i32
      %scan3A_56 = arith.constant 8 : i32
      %scan3A_57 = arith.addi %scan3A_55, %scan3A_56 : i32
      %scan3A_58 = arith.constant 1 : i32
      %scan3A_59 = scf.for %scan3A_62 = %scan3A_55 to %scan3A_57 step %scan3A_58 iter_args(%scan3A_63 = %scan3A_54) -> (i32)  : i32 {
        %mul3A_64 = arith.constant 2 : i32
        %mul3A_65 = arith.muli %scan3A_62, %mul3A_64 : i32
        %dma_wait3A = arith.constant 0 : i32
        %dma_wait3A_66 = arith.constant 0 : i32
        %dma_wait3A_67 = tpu.memref_slice %arg6[%dma_wait3A, %dma_wait3A_66] : memref<16x128xi32, #tpu.memory_space<vmem>> -> memref<1x128xi32, #tpu.memory_space<vmem>>
        %dma_wait3A_68 = tpu.memref_squeeze %dma_wait3A_67 : memref<1x128xi32, #tpu.memory_space<vmem>> -> memref<128xi32, #tpu.memory_space<vmem>>
        %dma_wait3A_69 = arith.constant 0 : i32
        %dma_wait3A_70 = arith.constant 0 : i32
        %dma_wait3A_71 = tpu.memref_slice %arg10[%dma_wait3A_69, %dma_wait3A_70] : memref<10240x64xf32, #tpu.memory_space<vmem_shared>> -> memref<10240x64xf32, #tpu.memory_space<vmem_shared>>
        tpu.wait_indirect_dma semaphore(%arg12 : memref<!tpu.dma_semaphore, #tpu.memory_space<semaphore_mem>>) src(%dma_wait3A_71 : memref<10240x64xf32, #tpu.memory_space<vmem_shared>>) dst(%arg8 : memref<128x64xf32, #tpu.memory_space<vmem>>)
        %add3A_72 = arith.constant 1 : i32
        %add3A_73 = arith.addi %mul3A_65, %add3A_72 : i32
        %dma_start3A_74 = arith.constant 0 : i32
        %dma_start3A_75 = tpu.memref_slice %arg6[%add3A_73, %dma_start3A_74] : memref<16x128xi32, #tpu.memory_space<vmem>> -> memref<1x128xi32, #tpu.memory_space<vmem>>
        %dma_start3A_76 = tpu.memref_squeeze %dma_start3A_75 : memref<1x128xi32, #tpu.memory_space<vmem>> -> memref<128xi32, #tpu.memory_space<vmem>>
        %dma_start3A_77 = arith.constant 0 : i32
        %dma_start3A_78 = arith.constant 0 : i32
        %dma_start3A_79 = tpu.memref_slice %arg10[%dma_start3A_77, %dma_start3A_78] : memref<10240x64xf32, #tpu.memory_space<vmem_shared>> -> memref<10240x64xf32, #tpu.memory_space<vmem_shared>>
        tpu.enqueue_indirect_dma source(%dma_start3A_79 : memref<10240x64xf32, #tpu.memory_space<vmem_shared>>) target(%arg9 : memref<128x64xf32, #tpu.memory_space<vmem>>) offsets(%dma_start3A_76 : memref<128xi32, #tpu.memory_space<vmem>>) semaphore(%arg13 : memref<!tpu.dma_semaphore, #tpu.memory_space<semaphore_mem>>)
        "tpu.region"() ({
          %run_scoped3A = tpu.sem_alloc : memref<!tpu.dma_semaphore, #tpu.memory_space<semaphore_mem>>
          %dma_start3A_96 = arith.constant 0 : i32
          %dma_start3A_97 = tpu.memref_slice %arg7[%mul3A_65, %dma_start3A_96] : memref<16x128xi32, #tpu.memory_space<vmem>> -> memref<1x128xi32, #tpu.memory_space<vmem>>
          %dma_start3A_98 = tpu.memref_squeeze %dma_start3A_97 : memref<1x128xi32, #tpu.memory_space<vmem>> -> memref<128xi32, #tpu.memory_space<vmem>>
          %dma_start3A_99 = arith.constant 0 : i32
          %dma_start3A_100 = arith.constant 0 : i32
          %dma_start3A_101 = tpu.memref_slice %arg11[%dma_start3A_99, %dma_start3A_100] : memref<10240x64xf32, #tpu.memory_space<vmem_shared>> -> memref<10240x64xf32, #tpu.memory_space<vmem_shared>>
          tpu.enqueue_indirect_dma source(%arg8 : memref<128x64xf32, #tpu.memory_space<vmem>>) target(%dma_start3A_101 : memref<10240x64xf32, #tpu.memory_space<vmem_shared>>) offsets(%dma_start3A_98 : memref<128xi32, #tpu.memory_space<vmem>>) semaphore(%run_scoped3A : memref<!tpu.dma_semaphore, #tpu.memory_space<semaphore_mem>>) {add = true}
          %dma_wait3A_102 = arith.constant 0 : i32
          %dma_wait3A_103 = tpu.memref_slice %arg7[%mul3A_65, %dma_wait3A_102] : memref<16x128xi32, #tpu.memory_space<vmem>> -> memref<1x128xi32, #tpu.memory_space<vmem>>
          %dma_wait3A_104 = tpu.memref_squeeze %dma_wait3A_103 : memref<1x128xi32, #tpu.memory_space<vmem>> -> memref<128xi32, #tpu.memory_space<vmem>>
          %dma_wait3A_105 = arith.constant 0 : i32
          %dma_wait3A_106 = arith.constant 0 : i32
          %dma_wait3A_107 = tpu.memref_slice %arg11[%dma_wait3A_105, %dma_wait3A_106] : memref<10240x64xf32, #tpu.memory_space<vmem_shared>> -> memref<10240x64xf32, #tpu.memory_space<vmem_shared>>
          tpu.wait_indirect_dma semaphore(%run_scoped3A : memref<!tpu.dma_semaphore, #tpu.memory_space<semaphore_mem>>) src(%arg8 : memref<128x64xf32, #tpu.memory_space<vmem>>) dst(%dma_wait3A_107 : memref<10240x64xf32, #tpu.memory_space<vmem_shared>>)
          tpu.yield
        }) : () -> ()
        %dma_wait3A_80 = arith.constant 0 : i32
        %dma_wait3A_81 = arith.constant 0 : i32
        %dma_wait3A_82 = tpu.memref_slice %arg6[%dma_wait3A_80, %dma_wait3A_81] : memref<16x128xi32, #tpu.memory_space<vmem>> -> memref<1x128xi32, #tpu.memory_space<vmem>>
        %dma_wait3A_83 = tpu.memref_squeeze %dma_wait3A_82 : memref<1x128xi32, #tpu.memory_space<vmem>> -> memref<128xi32, #tpu.memory_space<vmem>>
        %dma_wait3A_84 = arith.constant 0 : i32
        %dma_wait3A_85 = arith.constant 0 : i32
        %dma_wait3A_86 = tpu.memref_slice %arg10[%dma_wait3A_84, %dma_wait3A_85] : memref<10240x64xf32, #tpu.memory_space<vmem_shared>> -> memref<10240x64xf32, #tpu.memory_space<vmem_shared>>
        tpu.wait_indirect_dma semaphore(%arg13 : memref<!tpu.dma_semaphore, #tpu.memory_space<semaphore_mem>>) src(%dma_wait3A_86 : memref<10240x64xf32, #tpu.memory_space<vmem_shared>>) dst(%arg9 : memref<128x64xf32, #tpu.memory_space<vmem>>)
        %add3A_87 = arith.constant 1 : i32
        %add3A_88 = arith.addi %scan3A_62, %add3A_87 : i32
        %lt3A = arith.constant 8 : i32
        %lt3A_89 = arith.cmpi slt, %add3A_88, %lt3A : i32
        %convert_element_type3A_90 = arith.extui %lt3A_89 : i1 to i32
        %cond3A_91 = arith.constant 0 : i32
        %cond3A_92 = arith.cmpi ne, %convert_element_type3A_90, %cond3A_91 : i32
        scf.if %cond3A_92 {
          %add3A_96 = arith.constant 2 : i32
          %add3A_97 = arith.addi %mul3A_65, %add3A_96 : i32
          %dma_start3A_98 = arith.constant 0 : i32
          %dma_start3A_99 = tpu.memref_slice %arg6[%add3A_97, %dma_start3A_98] : memref<16x128xi32, #tpu.memory_space<vmem>> -> memref<1x128xi32, #tpu.memory_space<vmem>>
          %dma_start3A_100 = tpu.memref_squeeze %dma_start3A_99 : memref<1x128xi32, #tpu.memory_space<vmem>> -> memref<128xi32, #tpu.memory_space<vmem>>
          %dma_start3A_101 = arith.constant 0 : i32
          %dma_start3A_102 = arith.constant 0 : i32
          %dma_start3A_103 = tpu.memref_slice %arg10[%dma_start3A_101, %dma_start3A_102] : memref<10240x64xf32, #tpu.memory_space<vmem_shared>> -> memref<10240x64xf32, #tpu.memory_space<vmem_shared>>
          tpu.enqueue_indirect_dma source(%dma_start3A_103 : memref<10240x64xf32, #tpu.memory_space<vmem_shared>>) target(%arg8 : memref<128x64xf32, #tpu.memory_space<vmem>>) offsets(%dma_start3A_100 : memref<128xi32, #tpu.memory_space<vmem>>) semaphore(%arg12 : memref<!tpu.dma_semaphore, #tpu.memory_space<semaphore_mem>>)
        } else {
        }
        %add3A_93 = arith.constant 1 : i32
        %add3A_94 = arith.addi %mul3A_65, %add3A_93 : i32
        "tpu.region"() ({
          %run_scoped3A = tpu.sem_alloc : memref<!tpu.dma_semaphore, #tpu.memory_space<semaphore_mem>>
          %dma_start3A_96 = arith.constant 0 : i32
          %dma_start3A_97 = tpu.memref_slice %arg7[%add3A_94, %dma_start3A_96] : memref<16x128xi32, #tpu.memory_space<vmem>> -> memref<1x128xi32, #tpu.memory_space<vmem>>
          %dma_start3A_98 = tpu.memref_squeeze %dma_start3A_97 : memref<1x128xi32, #tpu.memory_space<vmem>> -> memref<128xi32, #tpu.memory_space<vmem>>
          %dma_start3A_99 = arith.constant 0 : i32
          %dma_start3A_100 = arith.constant 0 : i32
          %dma_start3A_101 = tpu.memref_slice %arg11[%dma_start3A_99, %dma_start3A_100] : memref<10240x64xf32, #tpu.memory_space<vmem_shared>> -> memref<10240x64xf32, #tpu.memory_space<vmem_shared>>
          tpu.enqueue_indirect_dma source(%arg9 : memref<128x64xf32, #tpu.memory_space<vmem>>) target(%dma_start3A_101 : memref<10240x64xf32, #tpu.memory_space<vmem_shared>>) offsets(%dma_start3A_98 : memref<128xi32, #tpu.memory_space<vmem>>) semaphore(%run_scoped3A : memref<!tpu.dma_semaphore, #tpu.memory_space<semaphore_mem>>) {add = true}
          %dma_wait3A_102 = arith.constant 0 : i32
          %dma_wait3A_103 = tpu.memref_slice %arg7[%add3A_94, %dma_wait3A_102] : memref<16x128xi32, #tpu.memory_space<vmem>> -> memref<1x128xi32, #tpu.memory_space<vmem>>
          %dma_wait3A_104 = tpu.memref_squeeze %dma_wait3A_103 : memref<1x128xi32, #tpu.memory_space<vmem>> -> memref<128xi32, #tpu.memory_space<vmem>>
          %dma_wait3A_105 = arith.constant 0 : i32
          %dma_wait3A_106 = arith.constant 0 : i32
          %dma_wait3A_107 = tpu.memref_slice %arg11[%dma_wait3A_105, %dma_wait3A_106] : memref<10240x64xf32, #tpu.memory_space<vmem_shared>> -> memref<10240x64xf32, #tpu.memory_space<vmem_shared>>
          tpu.wait_indirect_dma semaphore(%run_scoped3A : memref<!tpu.dma_semaphore, #tpu.memory_space<semaphore_mem>>) src(%arg9 : memref<128x64xf32, #tpu.memory_space<vmem>>) dst(%dma_wait3A_107 : memref<10240x64xf32, #tpu.memory_space<vmem_shared>>)
          tpu.yield
        }) : () -> ()
        %scan3A_95 = arith.constant 0 : i32
        scf.yield %scan3A_95 : i32
      }
      %scan3A_60 = arith.constant 8 : i32
      %scan3A_61 = arith.constant 0 : i32
      scf.yield %scan3A_61 : i32
    }
    %scan3A_29 = arith.constant 10 : i32
    %barrier3A_30 = arith.constant 0 : index
    tpu.barrier barrier_id(%barrier3A_30)
    %eq3A_31 = arith.constant 0 : i32
    %eq3A_32 = arith.cmpi eq, %arg0, %eq3A_31 : i32
    %convert_element_type3A_33 = arith.extui %eq3A_32 : i1 to i32
    %cond3A_34 = arith.constant 0 : i32
    %cond3A_35 = arith.cmpi ne, %convert_element_type3A_33, %cond3A_34 : i32
    scf.if %cond3A_35 {
      "tpu.region"() ({
        %run_scoped3A = tpu.sem_alloc : memref<!tpu.dma_semaphore, #tpu.memory_space<semaphore_mem>>
        %dma_start3A = arith.constant 0 : i32
        %dma_start3A_41 = tpu.memref_slice %arg5[%mul3A_6, %dma_start3A] : memref<10240x128xf32, #tpu.memory_space<hbm>> -> memref<640x64xf32, #tpu.memory_space<hbm>>
        %dma_start3A_42 = arith.constant 0 : i32
        %dma_start3A_43 = tpu.memref_slice %arg11[%mul3A_6, %dma_start3A_42] : memref<10240x64xf32, #tpu.memory_space<vmem_shared>> -> memref<640x64xf32, #tpu.memory_space<vmem_shared>>
        tpu.enqueue_dma source(%dma_start3A_43 : memref<640x64xf32, #tpu.memory_space<vmem_shared>>) target(%dma_start3A_41 : memref<640x64xf32, #tpu.memory_space<hbm>>) target_semaphore(%run_scoped3A : memref<!tpu.dma_semaphore, #tpu.memory_space<semaphore_mem>>)
        %dma_wait3A = arith.constant 0 : i32
        %dma_wait3A_44 = tpu.memref_slice %arg5[%mul3A_6, %dma_wait3A] : memref<10240x128xf32, #tpu.memory_space<hbm>> -> memref<640x64xf32, #tpu.memory_space<hbm>>
        %dma_wait3A_45 = arith.constant 0 : i32
        %dma_wait3A_46 = tpu.memref_slice %arg11[%mul3A_6, %dma_wait3A_45] : memref<10240x64xf32, #tpu.memory_space<vmem_shared>> -> memref<640x64xf32, #tpu.memory_space<vmem_shared>>
        tpu.wait_dma2 semaphore(%run_scoped3A : memref<!tpu.dma_semaphore, #tpu.memory_space<semaphore_mem>>) src(%dma_wait3A_46 : memref<640x64xf32, #tpu.memory_space<vmem_shared>>) dst(%dma_wait3A_44 : memref<640x64xf32, #tpu.memory_space<hbm>>)
        tpu.yield
      }) : () -> ()
    } else {
    }
    %eq3A_36 = arith.constant 1 : i32
    %eq3A_37 = arith.cmpi eq, %arg0, %eq3A_36 : i32
    %convert_element_type3A_38 = arith.extui %eq3A_37 : i1 to i32
    %cond3A_39 = arith.constant 0 : i32
    %cond3A_40 = arith.cmpi ne, %convert_element_type3A_38, %cond3A_39 : i32
    scf.if %cond3A_40 {
      "tpu.region"() ({
        %run_scoped3A = tpu.sem_alloc : memref<!tpu.dma_semaphore, #tpu.memory_space<semaphore_mem>>
        %dma_start3A = arith.constant 64 : i32
        %dma_start3A_41 = tpu.memref_slice %arg5[%mul3A_6, %dma_start3A] : memref<10240x128xf32, #tpu.memory_space<hbm>> -> memref<640x64xf32, #tpu.memory_space<hbm>>
        %dma_start3A_42 = arith.constant 0 : i32
        %dma_start3A_43 = tpu.memref_slice %arg11[%mul3A_6, %dma_start3A_42] : memref<10240x64xf32, #tpu.memory_space<vmem_shared>> -> memref<640x64xf32, #tpu.memory_space<vmem_shared>>
        tpu.enqueue_dma source(%dma_start3A_43 : memref<640x64xf32, #tpu.memory_space<vmem_shared>>) target(%dma_start3A_41 : memref<640x64xf32, #tpu.memory_space<hbm>>) target_semaphore(%run_scoped3A : memref<!tpu.dma_semaphore, #tpu.memory_space<semaphore_mem>>)
        %dma_wait3A = arith.constant 64 : i32
        %dma_wait3A_44 = tpu.memref_slice %arg5[%mul3A_6, %dma_wait3A] : memref<10240x128xf32, #tpu.memory_space<hbm>> -> memref<640x64xf32, #tpu.memory_space<hbm>>
        %dma_wait3A_45 = arith.constant 0 : i32
        %dma_wait3A_46 = tpu.memref_slice %arg11[%mul3A_6, %dma_wait3A_45] : memref<10240x64xf32, #tpu.memory_space<vmem_shared>> -> memref<640x64xf32, #tpu.memory_space<vmem_shared>>
        tpu.wait_dma2 semaphore(%run_scoped3A : memref<!tpu.dma_semaphore, #tpu.memory_space<semaphore_mem>>) src(%dma_wait3A_46 : memref<640x64xf32, #tpu.memory_space<vmem_shared>>) dst(%dma_wait3A_44 : memref<640x64xf32, #tpu.memory_space<hbm>>)
        tpu.yield
      }) : () -> ()
    } else {
    }
    return
  }
}

module attributes {stable_mosaic.version = 14 : i64} {
  func.func @_tc_layer1_body(%arg0: i32, %arg1: memref<1280x128xf32, #tpu.memory_space<vmem>>, %arg2: memref<1280x128xf32, #tpu.memory_space<vmem>>, %arg3: memref<1280x8xf32, #tpu.memory_space<vmem>>, %arg4: memref<1280x8xf32, #tpu.memory_space<vmem>>, %arg5: memref<128x128xf32, #tpu.memory_space<vmem>>, %arg6: memref<128x128xf32, #tpu.memory_space<vmem>>, %arg7: memref<1x128xf32, #tpu.memory_space<vmem>>, %arg8: memref<1280x128xf32, #tpu.memory_space<vmem>>) attributes {dimension_semantics = [#tpu.dimension_semantics<arbitrary>], iteration_bounds = array<i64: 8>, scalar_prefetch = 0 : i64, scratch_operands = 0 : i64, tpu.core_type = #tpu.core_type<tc>, window_params = [{transform_indices = @transform_0, window_bounds = array<i64: 1280, 128>}, {transform_indices = @transform_1, window_bounds = array<i64: 1280, 128>}, {transform_indices = @transform_2, window_bounds = array<i64: 1280, 8>}, {transform_indices = @transform_3, window_bounds = array<i64: 1280, 8>}, {pipeline_mode = #tpu.pipeline_mode<synchronous>, transform_indices = @transform_4, window_bounds = array<i64: 128, 128>}, {pipeline_mode = #tpu.pipeline_mode<synchronous>, transform_indices = @transform_5, window_bounds = array<i64: 128, 128>}, {pipeline_mode = #tpu.pipeline_mode<synchronous>, transform_indices = @transform_6, window_bounds = array<i64: 1, 128>}, {transform_indices = @transform_7, window_bounds = array<i64: 1280, 128>}]} {
    %get3A = arith.constant 0 : index
    %get3A_0 = arith.constant 0 : index
    %get3A_1 = vector.load %arg3[%get3A, %get3A_0] : memref<1280x8xf32, #tpu.memory_space<vmem>>, vector<1280x1xf32>
    %get3A_2 = arith.constant 0 : index
    %get3A_3 = arith.constant 0 : index
    %get3A_4 = vector.load %arg4[%get3A_2, %get3A_3] : memref<1280x8xf32, #tpu.memory_space<vmem>>, vector<1280x1xf32>
    %add3A = arith.addf %get3A_1, %get3A_4 : vector<1280x1xf32>
    %jit3A = arith.constant 1.000000e+00 : f32
    %max3A = vector.broadcast %jit3A : f32 to vector<1280x1xf32>
    %max3A_5 = arith.maximumf %max3A, %add3A : vector<1280x1xf32>
    %div3A = arith.constant 1.000000e+00 : f32
    %div3A_6 = vector.broadcast %div3A : f32 to vector<1280x1xf32>
    %div3A_7 = arith.divf %div3A_6, %max3A_5 : vector<1280x1xf32>
    %get3A_8 = arith.constant 0 : index
    %get3A_9 = arith.constant 0 : index
    %get3A_10 = vector.load %arg1[%get3A_8, %get3A_9] : memref<1280x128xf32, #tpu.memory_space<vmem>>, vector<1280x128xf32>
    %get3A_11 = arith.constant 0 : index
    %get3A_12 = arith.constant 0 : index
    %get3A_13 = vector.load %arg5[%get3A_11, %get3A_12] : memref<128x128xf32, #tpu.memory_space<vmem>>, vector<128x128xf32>
    %dot_general3A = arith.constant dense<0.000000e+00> : vector<1280x128xf32>
    %dot_general3A_14 = tpu.matmul %get3A_10, %get3A_13, %dot_general3A {dimension_numbers = #tpu.dot_dimension_numbers<[1], [0], [0], [1], [0, 0, 1, 1], [], []>, transpose_lhs_hint = false} : vector<1280x128xf32>, vector<128x128xf32>, vector<1280x128xf32> -> vector<1280x128xf32>
    %get3A_15 = arith.constant 0 : index
    %get3A_16 = arith.constant 0 : index
    %get3A_17 = vector.load %arg2[%get3A_15, %get3A_16] : memref<1280x128xf32, #tpu.memory_space<vmem>>, vector<1280x128xf32>
    %mul3A = vector.broadcast %div3A_7 : vector<1280x1xf32> to vector<1280x128xf32>
    %mul3A_18 = arith.mulf %get3A_17, %mul3A : vector<1280x128xf32>
    %get3A_19 = arith.constant 0 : index
    %get3A_20 = arith.constant 0 : index
    %get3A_21 = vector.load %arg6[%get3A_19, %get3A_20] : memref<128x128xf32, #tpu.memory_space<vmem>>, vector<128x128xf32>
    %dot_general3A_22 = arith.constant dense<0.000000e+00> : vector<1280x128xf32>
    %dot_general3A_23 = tpu.matmul %mul3A_18, %get3A_21, %dot_general3A_22 {dimension_numbers = #tpu.dot_dimension_numbers<[1], [0], [0], [1], [0, 0, 1, 1], [], []>, transpose_lhs_hint = false} : vector<1280x128xf32>, vector<128x128xf32>, vector<1280x128xf32> -> vector<1280x128xf32>
    %add3A_24 = arith.addf %dot_general3A_14, %dot_general3A_23 : vector<1280x128xf32>
    %get3A_25 = arith.constant 0 : index
    %get3A_26 = arith.constant 0 : index
    %get3A_27 = vector.load %arg7[%get3A_25, %get3A_26] : memref<1x128xf32, #tpu.memory_space<vmem>>, vector<1x128xf32>
    %add3A_28 = vector.broadcast %get3A_27 : vector<1x128xf32> to vector<1280x128xf32>
    %add3A_29 = arith.addf %add3A_24, %add3A_28 : vector<1280x128xf32>
    %max3A_30 = arith.constant 0.000000e+00 : f32
    %max3A_31 = vector.broadcast %max3A_30 : f32 to vector<1280x128xf32>
    %max3A_32 = arith.maximumf %add3A_29, %max3A_31 : vector<1280x128xf32>
    %swap3A = arith.constant 0 : index
    %swap3A_33 = arith.constant 0 : index
    %swap3A_34 = vector.load %arg8[%swap3A, %swap3A_33] : memref<1280x128xf32, #tpu.memory_space<vmem>>, vector<1280x128xf32>
    tpu.vector_store %arg8[%swap3A, %swap3A_33], %max3A_32 {strides = array<i32>} : memref<1280x128xf32, #tpu.memory_space<vmem>>, vector<1280x128xf32>,
    return
  }
  func.func @transform_0(%arg0: i32) -> (i32, i32) {
    %c0_i32 = arith.constant 0 : i32
    %c0_i32_0 = arith.constant 0 : i32
    return %arg0, %c0_i32 : i32, i32
  }
  func.func @transform_1(%arg0: i32) -> (i32, i32) {
    %c0_i32 = arith.constant 0 : i32
    %c0_i32_0 = arith.constant 0 : i32
    return %arg0, %c0_i32 : i32, i32
  }
  func.func @transform_2(%arg0: i32) -> (i32, i32) {
    %c0_i32 = arith.constant 0 : i32
    %c0_i32_0 = arith.constant 0 : i32
    return %arg0, %c0_i32 : i32, i32
  }
  func.func @transform_3(%arg0: i32) -> (i32, i32) {
    %add3A = arith.constant 8 : i32
    %add3A_0 = arith.addi %arg0, %add3A : i32
    %c0_i32 = arith.constant 0 : i32
    %c0_i32_1 = arith.constant 0 : i32
    return %add3A_0, %c0_i32 : i32, i32
  }
  func.func @transform_4(%arg0: i32) -> (i32, i32) {
    %c0_i32 = arith.constant 0 : i32
    %c0_i32_0 = arith.constant 0 : i32
    %c0_i32_1 = arith.constant 0 : i32
    return %c0_i32, %c0_i32_0 : i32, i32
  }
  func.func @transform_5(%arg0: i32) -> (i32, i32) {
    %c0_i32 = arith.constant 0 : i32
    %c0_i32_0 = arith.constant 0 : i32
    %c0_i32_1 = arith.constant 0 : i32
    return %c0_i32, %c0_i32_0 : i32, i32
  }
  func.func @transform_6(%arg0: i32) -> (i32, i32) {
    %c0_i32 = arith.constant 0 : i32
    %c0_i32_0 = arith.constant 0 : i32
    %c0_i32_1 = arith.constant 0 : i32
    return %c0_i32, %c0_i32_0 : i32, i32
  }
  func.func @transform_7(%arg0: i32) -> (i32, i32) {
    %c0_i32 = arith.constant 0 : i32
    %c0_i32_0 = arith.constant 0 : i32
    return %arg0, %c0_i32 : i32, i32
  }
}

module attributes {stable_mosaic.version = 14 : i64} {
  func.func @_tc_layer2_body(%arg0: i32, %arg1: memref<1280x128xf32, #tpu.memory_space<vmem>>, %arg2: memref<1280x128xf32, #tpu.memory_space<vmem>>, %arg3: memref<1280x8xf32, #tpu.memory_space<vmem>>, %arg4: memref<1280x8xf32, #tpu.memory_space<vmem>>, %arg5: memref<128x128xf32, #tpu.memory_space<vmem>>, %arg6: memref<128x128xf32, #tpu.memory_space<vmem>>, %arg7: memref<1x128xf32, #tpu.memory_space<vmem>>, %arg8: memref<128x64xf32, #tpu.memory_space<vmem>>, %arg9: memref<1x64xf32, #tpu.memory_space<vmem>>, %arg10: memref<1280x64xf32, #tpu.memory_space<vmem>>) attributes {dimension_semantics = [#tpu.dimension_semantics<arbitrary>], iteration_bounds = array<i64: 8>, scalar_prefetch = 0 : i64, scratch_operands = 0 : i64, tpu.core_type = #tpu.core_type<tc>, window_params = [{transform_indices = @transform_0, window_bounds = array<i64: 1280, 128>}, {transform_indices = @transform_1, window_bounds = array<i64: 1280, 128>}, {transform_indices = @transform_2, window_bounds = array<i64: 1280, 8>}, {transform_indices = @transform_3, window_bounds = array<i64: 1280, 8>}, {pipeline_mode = #tpu.pipeline_mode<synchronous>, transform_indices = @transform_4, window_bounds = array<i64: 128, 128>}, {pipeline_mode = #tpu.pipeline_mode<synchronous>, transform_indices = @transform_5, window_bounds = array<i64: 128, 128>}, {pipeline_mode = #tpu.pipeline_mode<synchronous>, transform_indices = @transform_6, window_bounds = array<i64: 1, 128>}, {pipeline_mode = #tpu.pipeline_mode<synchronous>, transform_indices = @transform_7, window_bounds = array<i64: 128, 64>}, {pipeline_mode = #tpu.pipeline_mode<synchronous>, transform_indices = @transform_8, window_bounds = array<i64: 1, 64>}, {transform_indices = @transform_9, window_bounds = array<i64: 1280, 64>}]} {
    %get3A = arith.constant 0 : index
    %get3A_0 = arith.constant 0 : index
    %get3A_1 = vector.load %arg3[%get3A, %get3A_0] : memref<1280x8xf32, #tpu.memory_space<vmem>>, vector<1280x1xf32>
    %get3A_2 = arith.constant 0 : index
    %get3A_3 = arith.constant 0 : index
    %get3A_4 = vector.load %arg4[%get3A_2, %get3A_3] : memref<1280x8xf32, #tpu.memory_space<vmem>>, vector<1280x1xf32>
    %add3A = arith.addf %get3A_1, %get3A_4 : vector<1280x1xf32>
    %jit3A = arith.constant 1.000000e+00 : f32
    %max3A = vector.broadcast %jit3A : f32 to vector<1280x1xf32>
    %max3A_5 = arith.maximumf %max3A, %add3A : vector<1280x1xf32>
    %div3A = arith.constant 1.000000e+00 : f32
    %div3A_6 = vector.broadcast %div3A : f32 to vector<1280x1xf32>
    %div3A_7 = arith.divf %div3A_6, %max3A_5 : vector<1280x1xf32>
    %get3A_8 = arith.constant 0 : index
    %get3A_9 = arith.constant 0 : index
    %get3A_10 = vector.load %arg1[%get3A_8, %get3A_9] : memref<1280x128xf32, #tpu.memory_space<vmem>>, vector<1280x128xf32>
    %get3A_11 = arith.constant 0 : index
    %get3A_12 = arith.constant 0 : index
    %get3A_13 = vector.load %arg5[%get3A_11, %get3A_12] : memref<128x128xf32, #tpu.memory_space<vmem>>, vector<128x128xf32>
    %dot_general3A = arith.constant dense<0.000000e+00> : vector<1280x128xf32>
    %dot_general3A_14 = tpu.matmul %get3A_10, %get3A_13, %dot_general3A {dimension_numbers = #tpu.dot_dimension_numbers<[1], [0], [0], [1], [0, 0, 1, 1], [], []>, transpose_lhs_hint = false} : vector<1280x128xf32>, vector<128x128xf32>, vector<1280x128xf32> -> vector<1280x128xf32>
    %get3A_15 = arith.constant 0 : index
    %get3A_16 = arith.constant 0 : index
    %get3A_17 = vector.load %arg2[%get3A_15, %get3A_16] : memref<1280x128xf32, #tpu.memory_space<vmem>>, vector<1280x128xf32>
    %mul3A = vector.broadcast %div3A_7 : vector<1280x1xf32> to vector<1280x128xf32>
    %mul3A_18 = arith.mulf %get3A_17, %mul3A : vector<1280x128xf32>
    %get3A_19 = arith.constant 0 : index
    %get3A_20 = arith.constant 0 : index
    %get3A_21 = vector.load %arg6[%get3A_19, %get3A_20] : memref<128x128xf32, #tpu.memory_space<vmem>>, vector<128x128xf32>
    %dot_general3A_22 = arith.constant dense<0.000000e+00> : vector<1280x128xf32>
    %dot_general3A_23 = tpu.matmul %mul3A_18, %get3A_21, %dot_general3A_22 {dimension_numbers = #tpu.dot_dimension_numbers<[1], [0], [0], [1], [0, 0, 1, 1], [], []>, transpose_lhs_hint = false} : vector<1280x128xf32>, vector<128x128xf32>, vector<1280x128xf32> -> vector<1280x128xf32>
    %add3A_24 = arith.addf %dot_general3A_14, %dot_general3A_23 : vector<1280x128xf32>
    %get3A_25 = arith.constant 0 : index
    %get3A_26 = arith.constant 0 : index
    %get3A_27 = vector.load %arg7[%get3A_25, %get3A_26] : memref<1x128xf32, #tpu.memory_space<vmem>>, vector<1x128xf32>
    %add3A_28 = vector.broadcast %get3A_27 : vector<1x128xf32> to vector<1280x128xf32>
    %add3A_29 = arith.addf %add3A_24, %add3A_28 : vector<1280x128xf32>
    %max3A_30 = arith.constant 0.000000e+00 : f32
    %max3A_31 = vector.broadcast %max3A_30 : f32 to vector<1280x128xf32>
    %max3A_32 = arith.maximumf %add3A_29, %max3A_31 : vector<1280x128xf32>
    %get3A_33 = arith.constant 0 : index
    %get3A_34 = arith.constant 0 : index
    %get3A_35 = vector.load %arg8[%get3A_33, %get3A_34] : memref<128x64xf32, #tpu.memory_space<vmem>>, vector<128x64xf32>
    %dot_general3A_36 = arith.constant dense<0.000000e+00> : vector<1280x64xf32>
    %dot_general3A_37 = tpu.matmul %max3A_32, %get3A_35, %dot_general3A_36 {dimension_numbers = #tpu.dot_dimension_numbers<[1], [0], [0], [1], [0, 0, 1, 1], [], []>, transpose_lhs_hint = false} : vector<1280x128xf32>, vector<128x64xf32>, vector<1280x64xf32> -> vector<1280x64xf32>
    %get3A_38 = arith.constant 0 : index
    %get3A_39 = arith.constant 0 : index
    %get3A_40 = vector.load %arg9[%get3A_38, %get3A_39] : memref<1x64xf32, #tpu.memory_space<vmem>>, vector<1x64xf32>
    %add3A_41 = vector.broadcast %get3A_40 : vector<1x64xf32> to vector<1280x64xf32>
    %add3A_42 = arith.addf %dot_general3A_37, %add3A_41 : vector<1280x64xf32>
    %reduce_max3A = arith.constant dense<0xFF800000> : vector<1280xf32>
    %reduce_max3A_43 = vector.multi_reduction <maximumf>, %add3A_42, %reduce_max3A [1] : vector<1280x64xf32> to vector<1280xf32>
    %broadcast_in_dim3A = vector.shape_cast %reduce_max3A_43 : vector<1280xf32> to vector<1280x1xf32>
    %sub3A = vector.broadcast %broadcast_in_dim3A : vector<1280x1xf32> to vector<1280x64xf32>
    %sub3A_44 = arith.subf %add3A_42, %sub3A : vector<1280x64xf32>
    %exp3A = math.exp %sub3A_44 : vector<1280x64xf32>
    %reduce_sum3A = arith.constant dense<0.000000e+00> : vector<1280xf32>
    %reduce_sum3A_45 = vector.multi_reduction <add>, %exp3A, %reduce_sum3A [1] : vector<1280x64xf32> to vector<1280xf32>
    %broadcast_in_dim3A_46 = vector.shape_cast %reduce_sum3A_45 : vector<1280xf32> to vector<1280x1xf32>
    %log3A = math.log %broadcast_in_dim3A_46 : vector<1280x1xf32>
    %sub3A_47 = vector.broadcast %log3A : vector<1280x1xf32> to vector<1280x64xf32>
    %sub3A_48 = arith.subf %sub3A_44, %sub3A_47 : vector<1280x64xf32>
    %swap3A = arith.constant 0 : index
    %swap3A_49 = arith.constant 0 : index
    %swap3A_50 = vector.load %arg10[%swap3A, %swap3A_49] : memref<1280x64xf32, #tpu.memory_space<vmem>>, vector<1280x64xf32>
    tpu.vector_store %arg10[%swap3A, %swap3A_49], %sub3A_48 {strides = array<i32>} : memref<1280x64xf32, #tpu.memory_space<vmem>>, vector<1280x64xf32>,
    return
  }
  func.func @transform_0(%arg0: i32) -> (i32, i32) {
    %c0_i32 = arith.constant 0 : i32
    %c0_i32_0 = arith.constant 0 : i32
    return %arg0, %c0_i32 : i32, i32
  }
  func.func @transform_1(%arg0: i32) -> (i32, i32) {
    %c0_i32 = arith.constant 0 : i32
    %c0_i32_0 = arith.constant 0 : i32
    return %arg0, %c0_i32 : i32, i32
  }
  func.func @transform_2(%arg0: i32) -> (i32, i32) {
    %c0_i32 = arith.constant 0 : i32
    %c0_i32_0 = arith.constant 0 : i32
    return %arg0, %c0_i32 : i32, i32
  }
  func.func @transform_3(%arg0: i32) -> (i32, i32) {
    %add3A = arith.constant 8 : i32
    %add3A_0 = arith.addi %arg0, %add3A : i32
    %c0_i32 = arith.constant 0 : i32
    %c0_i32_1 = arith.constant 0 : i32
    return %add3A_0, %c0_i32 : i32, i32
  }
  func.func @transform_4(%arg0: i32) -> (i32, i32) {
    %c0_i32 = arith.constant 0 : i32
    %c0_i32_0 = arith.constant 0 : i32
    %c0_i32_1 = arith.constant 0 : i32
    return %c0_i32, %c0_i32_0 : i32, i32
  }
  func.func @transform_5(%arg0: i32) -> (i32, i32) {
    %c0_i32 = arith.constant 0 : i32
    %c0_i32_0 = arith.constant 0 : i32
    %c0_i32_1 = arith.constant 0 : i32
    return %c0_i32, %c0_i32_0 : i32, i32
  }
  func.func @transform_6(%arg0: i32) -> (i32, i32) {
    %c0_i32 = arith.constant 0 : i32
    %c0_i32_0 = arith.constant 0 : i32
    %c0_i32_1 = arith.constant 0 : i32
    return %c0_i32, %c0_i32_0 : i32, i32
  }
  func.func @transform_7(%arg0: i32) -> (i32, i32) {
    %c0_i32 = arith.constant 0 : i32
    %c0_i32_0 = arith.constant 0 : i32
    %c0_i32_1 = arith.constant 0 : i32
    return %c0_i32, %c0_i32_0 : i32, i32
  }
  func.func @transform_8(%arg0: i32) -> (i32, i32) {
    %c0_i32 = arith.constant 0 : i32
    %c0_i32_0 = arith.constant 0 : i32
    %c0_i32_1 = arith.constant 0 : i32
    return %c0_i32, %c0_i32_0 : i32, i32
  }
  func.func @transform_9(%arg0: i32) -> (i32, i32) {
    %c0_i32 = arith.constant 0 : i32
    %c0_i32_0 = arith.constant 0 : i32
    return %arg0, %c0_i32 : i32, i32
  }
}

</mosaic_0001>

<sc_bundles>
// kernel: kernel.10.cloned.1.call-start
scs
__scs_entry_jumppad:
0x0: {  	(pc) =	sbr.rel $0x88, $3  }
0x1: {  	(tag) =	ssettag $0x0;
	lr =	simm.s32 $0x1  }
0x2: {  	[smem:$0x3F97] =	sst lr;
	_ =	strace $0xD0000000  }
0x3: {  	_ = 	snop  }
0x4: {  	_ = 	snop  }
0x5: {  	_ = 	snop  }
0x6: {  	_ = 	snop  }
0x7: {  	_ = 	snop  }
__scs_overlays_trampoline_lowered:
0x8: {  	[smem:$0x3FA6] =	sst s0  }
0x9: {  	[smem:$0x3FA7] =	sst s1  }
0xa: {  	[smem:$0x3FA8] =	sst s2  }
0xb: {  	[smem:$0x3FA9] =	sst s3  }
0xc: {  	[smem:$0x3FAA] =	sst s4  }
0xd: {  	[smem:$0x3FAB] =	sst s5  }
0xe: {  	[smem:$0x3FAC] =	sst s6  }
0xf: {  	[smem:$0x3FAD] =	sst s7  }
0x10: {  	[smem:$0x3FAE] =	sst s8  }
0x11: {  	[smem:$0x3FAF] =	sst s9;
	s0 =	simm.s32 @!p0 $0x0  }
0x12: {  	s1 =	sld [smem:$0x3F95];
	s0 =	simm.s32 @p0 $0x1  }
0x13: {  	[smem:$0x3FB0] =	sst s0;
	s0 =	simm.s32 @!p1 $0x0  }
0x14: {  	s2 =	sld [smem:$0x3F94];
	s0 =	simm.s32 @p1 $0x1  }
0x15: {  	[smem:$0x3FB1] =	sst s0;
	s0 =	simm.s32 @!p2 $0x0  }
0x16: {  	s3 =	sld [smem:$0x3FDB];
	s0 =	simm.s32 @p2 $0x1  }
0x17: {  	s4 =	simm.s32 $0x1BF5;
	[smem:$0x3FB3] =	sst s0  }
0x18: {  	s0 =	sld [smem:$0x3F96];
	_ =	swait.ge [sflag:s4], $0x0  }
0x19: {  	s7 =	sld [smem:$0x3F97]  }
0x1a: {  	s8 =	sadd.s32 $0xFFFFE003, lr  }
0x1b: {  	s9 =	sadd.s32 $0xFFFFFEF7, lr;
	s5 =	simm.s32 $0xFFFFFFFF;
	p2 =	slt.u32 s8, $0xFFFFF086  }
0x1c: {  	p1 =	slt.u32 s9, $0xF7A;
	s5 =	simm.s32 @!p2 $0x0  }
0x1d: {  	s5 =	simm.s32 @p1 $0x1;
	p0 =	seq.s32 s7, s2  }
0x1e: {  	s7 =	smul.u32 @!p0 $0xF7A, s2;
	p2 =	seq.s32 @!p0 s5, $0x0  }
0x1f: {  	s9 =	smul.u32 $0xF7A, s1;
	s8 =	simm.s32 @!p0 $0x1BF5;
	p2 =	por !p2, p0  }
0x20: {  	[sflag:s8] =	ssyncset.s32 @!p0 $0xFFFFF086;
	s6 =	sadd.s32 @!p0 s3, s7;
	s7 =	simm.s32 @!p0 $0x108  }
0x21: {  	s3 =	sadd.s32 s3, s9;
	s6 =	sadd.s32 @!p0 $0x88, s6;
	s7 =	simm.s32 @p2 $0x1082  }
0x22: {  	[simem:s7], [sflag:s8] =	dma.local @!p0 [hbm:s6], $0xF7A  }
0x23: {  	s9 =	sor.u32 $0xD0000000, s2;
	s6 =	simm.s32 $0x108;
	_ =	swait.ge @!p0 [sflag:s8], $0x0  }
0x24: {  	s3 =	sadd.s32 $0x88, s3;
	s6 =	simm.s32 @!p1 $0x1082;
	[sflag:s4] =	ssyncset.s32 $0xFFFFF086  }
0x25: {  	[simem:s6], [sflag:s4] =	dma.local [hbm:s3], $0xF7A  }
0x26: {  	[smem:$0x3F97] =	sst s1;
	(tag) =	ssettag s2;
	_ =	strace s9  }
0x27: {  	s1 =	sld [smem:$0x3FA7]  }
0x28: {  	s2 =	sld [smem:$0x3FA8]  }
0x29: {  	s4 =	sld [smem:$0x3FAA]  }
0x2a: {  	p0 =	seq.s32 s5, $0x0;
	s5 =	sld [smem:$0x3FAB]  }
0x2b: {  	s6 =	sld [smem:$0x3FAC]  }
0x2c: {  	s7 =	sld [smem:$0x3FAD]  }
0x2d: {  	s3 =	simm.s32 $0x108;
	s8 =	sld [smem:$0x3FAE]  }
0x2e: {  	s3 =	simm.s32 @!p0 $0x1082;
	s9 =	sld [smem:$0x3FAF]  }
0x2f: {  	lr =	sadd.s32 s0, s3;
	s0 =	sld [smem:$0x3FA6]  }
0x30: {  	s3 =	sld [smem:$0x3FA9]  }
0x31: {  	[smem:$0x3FB2] =	sst s10  }
0x32: {  	s10 =	sld [smem:$0x3FB0];
	_ =	sdelay $0x3  }
0x33: {  	p0 =	seq.s32 s10, $0x1;
	s10 =	sld [smem:$0x3FB2];
	_ =	sdelay $0x3  }
0x34: {  	[smem:$0x3FB2] =	sst s10  }
0x35: {  	s10 =	sld [smem:$0x3FB1];
	_ =	sdelay $0x3  }
0x36: {  	p1 =	seq.s32 s10, $0x1;
	s10 =	sld [smem:$0x3FB2];
	_ =	sdelay $0x3  }
0x37: {  	[smem:$0x3FB2] =	sst s10  }
0x38: {  	s10 =	sld [smem:$0x3FB3]  }
0x39: {  	_ = 	snop;
	(pc) =	sbr.ind lr, $3  }
0x3a: {  	_ = 	snop  }
0x3b: {  	_ = 	snop  }
0x3c: {  	p2 =	seq.s32 s10, $0x1;
	s10 =	sld [smem:$0x3FB2]  }
0x3d: {  	_ =	shalt  }
0x3e: {  	_ =	shalt  }
0x3f: {  	_ =	shalt  }
0x40: {  	_ =	shalt  }
0x41: {  	_ =	shalt  }
0x42: {  	_ =	shalt  }
0x43: {  	_ =	shalt  }
0x44: {  	_ =	shalt  }
0x45: {  	_ =	shalt  }
0x46: {  	_ =	shalt  }
0x47: {  	_ =	shalt  }
0x48: {  	_ =	shalt  }
0x49: {  	_ =	shalt  }
0x4a: {  	_ =	shalt  }
0x4b: {  	_ =	shalt  }
0x4c: {  	_ =	shalt  }
0x4d: {  	_ =	shalt  }
0x4e: {  	_ =	shalt  }
0x4f: {  	_ =	shalt  }
0x50: {  	_ =	shalt  }
0x51: {  	_ =	shalt  }
0x52: {  	_ =	shalt  }
0x53: {  	_ =	shalt  }
0x54: {  	_ =	shalt  }
0x55: {  	_ =	shalt  }
0x56: {  	_ =	shalt  }
0x57: {  	_ =	shalt  }
0x58: {  	_ =	shalt  }
0x59: {  	_ =	shalt  }
0x5a: {  	_ =	shalt  }
0x5b: {  	_ =	shalt  }
0x5c: {  	_ =	shalt  }
0x5d: {  	_ =	shalt  }
0x5e: {  	_ =	shalt  }
0x5f: {  	_ =	shalt  }
0x60: {  	_ =	shalt  }
0x61: {  	_ =	shalt  }
0x62: {  	_ =	shalt  }
0x63: {  	_ =	shalt  }
0x64: {  	_ =	shalt  }
0x65: {  	_ =	shalt  }
0x66: {  	_ =	shalt  }
0x67: {  	_ =	shalt  }
0x68: {  	_ =	shalt  }
0x69: {  	_ =	shalt  }
0x6a: {  	_ =	shalt  }
0x6b: {  	_ =	shalt  }
0x6c: {  	_ =	shalt  }
0x6d: {  	_ =	shalt  }
0x6e: {  	_ =	shalt  }
0x6f: {  	_ =	shalt  }
0x70: {  	_ =	shalt  }
0x71: {  	_ =	shalt  }
0x72: {  	_ =	shalt  }
0x73: {  	_ =	shalt  }
0x74: {  	_ =	shalt  }
0x75: {  	_ =	shalt  }
0x76: {  	_ =	shalt  }
0x77: {  	_ =	shalt  }
0x78: {  	_ =	shalt  }
0x79: {  	_ =	shalt  }
0x7a: {  	_ =	shalt  }
0x7b: {  	_ =	shalt  }
0x7c: {  	_ =	shalt  }
0x7d: {  	_ =	shalt  }
0x7e: {  	_ =	shalt  }
0x7f: {  	_ =	shalt  }
0x80: {  	_ =	shalt  }
0x81: {  	_ =	shalt  }
0x82: {  	_ =	shalt  }
0x83: {  	_ =	shalt  }
0x84: {  	_ =	shalt  }
0x85: {  	_ =	shalt  }
0x86: {  	_ =	shalt  }
0x87: {  	_ =	shalt  }
.Lfunc_end0:
.L_simem_size_0:
called_computation.1_lowered:
.L_overlay_start_0:
0x88: {  	s2 =	sld [smem:$0x3FD9]  }
0x89: {  	s3 =	sld [smem:$0x3FFE];
	_ =	sdelay $0x1  }
0x8a: {  	s1 =	srdreg.scid  }
0x8b: {  	s0 =	sand.u32 $0x1, s1  }
0x8c: {  	s16 =	sshll.u32 s0, $0xA;
	s2 =	sadd.s32 s3, s2  }
0x8d: {  	s2 =	sadd.s32 s2, s16  }
0x8e: {  	[smem:$0x3FBE] =	sst s2  }
0x8f: {  	_ = 	snop  }
0x90: {  	(tm) =	ssettm $0x1  }
0x91: {  	s17 =	sld [smem:$0x3FFB];
	_ =	sdelay $0x3  }
0x92: {  	_ =	strace s17  }
0x93: {  	s2 =	sld [smem:$0x3FFC];
	_ =	sdelay $0x3  }
0x94: {  	_ =	strace s2  }
0x95: {  	s2 =	sld [smem:$0x3FFD];
	_ =	sdelay $0x3  }
0x96: {  	_ =	strace s2  }
0x97: {  	_ =	strace $0x8FFFFFFF  }
0x98: {  	s18 =	sld [smem:$0x3FDB];
	_ =	sdelay $0x1  }
0x99: {  	s19 =	simm.s32 $_scs_section_size  }
0x9a: {  	s4 =	simm.s32 $_size__tile_overlayer_lowered;
	s5 =	simm.s32 $_tile_overlayer_lowered  }
0x9b: {  	s22 =	simm.s32 $0x1BFF;
	s21 =	sshll.u32 s5, $0x1;
	s2 =	sadd.s32 s19, s18  }
0x9c: {  	s6 =	simm.s32 $0x0;
	s20 =	sshll.u32 s4, $0x1;
	s4 =	sadd.s32 s21, s2  }
0x9d: {  	[timem:s6], [sflag:s22] =	dma.local [hbm:s4], s20  }
0x9e: {  	_ =	swait.ge [sflag:s22], s20  }
0x9f: {  	s3 =	ssub.s32 $0x0, s20;
	[sflag:s22] =	ssyncset.done $0x0  }
0xa0: {  	[sflag:s22] =	ssyncadd.s32 s3;
	_ =	sdelay $0x1  }
0xa1: {  	s23 =	simm.s32 $0x1B8B  }
0xa2: {  	_ =	swait.ge [sflag:s23], $0x1  }
0xa3: {  	[sflag:s23] =	ssyncset.done $0x0  }
0xa4: {  	s25 =	simm.s32 $0x1B8E;
	s24 =	sld [smem:$0x3FFE];
	[sflag:s23] =	ssyncadd.s32 $0xFFFFFFFF  }
0xa5: {  	s26 =	simm.s32 $execute0_lowered;
	[smem:$0x3FD2] =	sst s25  }
0xa6: {  	s4 =	sshll.u32 s26, $0x1;
	_ =	strace $0x80000046;
	[dreg:$0x1] =	wrdreg $0xFFFFFFFF  }
0xa7: {  	s28 =	simm.s32 $_size_execute0_lowered;
	s2 =	sadd.s32 s2, s4;
	[dreg:$0x0] =	wrdreg $0x0  }
0xa8: {  	s4 =	sshll.u32 s28, $0x1;
	[dreg:$0x2] =	wrdreg s2  }
0xa9: {  	[dreg:$0x3] =	wrdreg s4  }
0xaa: {  	[dreg:$0x4] =	wrdreg $0xC0  }
0xab: {  	_ =	task [dreg:s6], $0x5FFFF  }
0xac: {  	[dreg:$0x1] =	wrdreg $0xFFFFFFFF  }
0xad: {  	[dreg:$0x0] =	wrdreg $0x60  }
0xae: {  	[dreg:$0x2] =	wrdreg s24  }
0xaf: {  	[dreg:$0x3] =	wrdreg $0x38000  }
0xb0: {  	[dreg:$0x4] =	wrdreg $0xA  }
0xb1: {  	_ =	task.clear_ibuf [dreg:s6], $0x5FFFF;
	_ =	strace $0x90000046  }
0xb2: {  	s29 =	simm.s32 $0xA;
	_ =	strace $0x80000048  }
0xb3: {  	_ =	swait.ge [sflag:s29], $0x1  }
0xb4: {  	[sflag:s29] =	ssyncadd.s32 $0xFFFFFFFF  }
0xb5: {  	_ =	strace $0x90000048  }
0xb6: {  	_ =	sfence  }
0xb7: {  	s30 =	sld [smem:$0x0];
	_ =	sdelay $0x2  }
0xb8: {  	s31 =	sshll.u32 s1, $0xD;
	s1 =	sshrl.u32 s1, $0x2  }
0xb9: {  	s3 =	sand.u32 $0x4000, s31;
	s1 =	sadd.s32 s1, s30  }
0xba: {  	s0 =	sor.u32 s3, s0;
	s1 =	sshll.u32 s1, $0x11  }
0xbb: {  	s0 =	sor.u32 s1, s0  }
0xbc: {  	s0 =	sadd.s32 $0x8F2B, s0  }
0xbd: {  	[sflag:s0] =	ssyncadd.remote.s32 $0x1  }
0xbe: {  	_ =	sfence.sel $0xFFFF  }
0xbf: {  	[dreg:$0x0] =	wrdreg $0xFFFFFFFF;
	(pc) =	sbr.abs _section_cstart, $3  }
0xc0: {  	[dreg:$0x1] =	wrdreg $0xFFFFFFFF  }
0xc1: {  	_ =	task.clear_ibuf [dreg:s6], $0x2FFFF;
	_ =	strace $0x9FFFFFFF  }
0xc2: {  	(tm) =	ssettm $0x7FFFFFFF  }
0xc3: {  	_ =	shalt  }
tec
execute0_lowered:
.L_overlay_start_1:
0x0: {  	(tag) =	ssettag $0x1  }
0x1: {  	s0 =	srdreg.scid;
	s6 =	rddreg [dreg:$0x0]  }
0x2: {  	s2 =	rddreg [dreg:$0x1];
	s3 =	simm.s32 $0x0;
	s13 =	simm.s32 $0x1  }
0x3: {  	s14 =	simm.s32 $0x80;
	s5 =	sand.u32 $0x1, s0;
	s0 =	stileid.u32  }
0x4: {  	s15 =	simm.s32 $0x2800;
	s18 =	simm.s32 $0x2;
	s7 =	smul.u32 $0xA000, s0  }
0x5: {  	[smem:$0x7FF] =	sst s3;
	s1 =	sshll.u32 s5, $0x4;
	s8 =	smul.u32 $0x280, s0  }
0x6: {  	s10 =	ssub.s32 $0x2, s5;
	s11 =	smul.u32 $0x2800, s5;
	s16 =	sshll.u32 s0, $0x6  }
0x7: {  	s4 =	sor.u32 s0, s1;
	s1 =	rddreg [dreg:$0x2];
	_ =	strace $0x80000047  }
0x8: {  	s30 =	sshrl.u32 s10, $0x1;
	s16 =	sor.u32 $0x1C01, s16;
	s4 =	smul.u32 $0x500, s4  }
0x9: {  	s29 =	sshrl.u32 s7, $0x2;
	s8 =	sadd.s32 s8, s6;
	s12 =	ssub.s32 s10, s30  }
0xa: {  	s31 =	sadd.s32 s11, s8;
	s11 =	smax.u32 s12, $0x1;
	s12 =	simm.s32 $0x3000  }
0xb: {  	s9 =	sadd.s32 s4, s6;
	s4 =	sadd.s32 s29, s2;
	s10 =	sadd.s32 $0xD200, s31  }
0xc: {  	s5 =	sadd.s32 $0x800, s4;
	s6 =	sadd.s32 $0x1000, s4;
	s7 =	sadd.s32 $0x1800, s4  }
0xd: {  	v0 =	vimm.f32 $1.000000000e+00;
	v1 =	vimm.f32 $0.0e+00;
	s8 =	sadd.s32 $0x2000, s4;
	s9 =	sadd.s32 $0x3200, s9;
	s17 =	sshrl.u32 s4, $0x3  }
.LBB2_1:
0xe: {  	s19 =	simm.s32 $0x40;
	s20 =	simm.s32 $0x0  }
.LBB2_2:
0xf: {  	p0 =	sne.s32 s19, $0x1FC0;
	[tilespmem:s20+$0x2800] =	vst v0;
	s21 =	smov.u32 s19;
	s19 =	sadd.s32 $0x40, s19  }
.Ltmp0:
0x10: {  	[tilespmem:s20+$0x3000] =	vst v1;
	(pc) =	sbr.rel @p0 .LBB2_2-.Ltmp0, $2  }
0x11: {  	_ =	sdelay $0x2  }
0x12: {  	s20 =	sshra.s32 s21, $0x2  }
0x13: {  	[tilespmem:s20+$0x2800] =	vst v0  }
0x14: {  	[tilespmem:s20+$0x3000] =	vst v1  }
0x15: {  	[spmem:s4] =	stream.linear.scatter [tilespmem:s12], [sflag:$0x1], $0x800, $0x38;
	[tilespmem:$0x6000] =	vst v63  }
0x16: {  	_ =	swait.ge [sflag:s13], $0x800  }
0x17: {  	[sflag:s13] =	ssyncset.done $0x0  }
0x18: {  	[sflag:s13] =	ssyncadd.s32 $0xFFFFF800  }
0x19: {  	[spmem:s5] =	stream.linear.scatter [tilespmem:s12], [sflag:$0x1], $0x800, $0x38;
	[tilespmem:$0x6000] =	vst v63  }
0x1a: {  	_ =	swait.ge [sflag:s13], $0x800  }
0x1b: {  	[sflag:s13] =	ssyncset.done $0x0  }
0x1c: {  	[sflag:s13] =	ssyncadd.s32 $0xFFFFF800  }
0x1d: {  	[spmem:s6] =	stream.linear.scatter [tilespmem:s12], [sflag:$0x1], $0x800, $0x38;
	[tilespmem:$0x6000] =	vst v63  }
0x1e: {  	_ =	swait.ge [sflag:s13], $0x800  }
0x1f: {  	[sflag:s13] =	ssyncset.done $0x0  }
0x20: {  	[sflag:s13] =	ssyncadd.s32 $0xFFFFF800  }
0x21: {  	[spmem:s7] =	stream.linear.scatter [tilespmem:s12], [sflag:$0x1], $0x800, $0x38;
	[tilespmem:$0x6000] =	vst v63  }
0x22: {  	_ =	swait.ge [sflag:s13], $0x800  }
0x23: {  	[sflag:s13] =	ssyncset.done $0x0  }
0x24: {  	[sflag:s13] =	ssyncadd.s32 $0xFFFFF800  }
0x25: {  	[spmem:s8] =	stream.linear.scatter [tilespmem:s12], [sflag:$0x1], $0x800, $0x38;
	[tilespmem:$0x6000] =	vst v63  }
0x26: {  	_ =	swait.ge [sflag:s13], $0x800  }
0x27: {  	[sflag:s13] =	ssyncset.done $0x0  }
0x28: {  	[sflag:s13] =	ssyncadd.s32 $0xFFFFF800  }
0x29: {  	s19 =	simm.s32 $0x0;
	[bflag:$0x0] =	sbarrier.arrive $0xFFFF  }
0x2a: {  	[tilespmem:s19], [sflag:$0x1] =	stream.linear.gather [hbm4b:s9+s19], $0x2800, $0x38;
	[tilespmem:$0x6000] =	vst v63  }
0x2b: {  	_ =	swait.ge [sflag:s13], $0x2800  }
0x2c: {  	[sflag:s13] =	ssyncset.done $0x0  }
0x2d: {  	s31 =	simm.s32 $0x0;
	[sflag:s13] =	ssyncadd.s32 $0xFFFFD800  }
0x2e: {  	[spmem:s2] =	stream.indirect.scatter.add.f32 [tilespmem:s15], [sflag:$0x1], $0x10, s31, s14, $0xb8;
	[tilespmem:$0x6000] =	vst v63  }
0x2f: {  	_ =	swait.ge [sflag:s13], $0x800  }
0x30: {  	s19 =	simm.s32 $0x200;
	[sflag:s13] =	ssyncset.done $0x0  }
.LBB2_4:
0x31: {  	s20 =	sshra.s32 s19, $0x2;
	[sflag:s13] =	ssyncadd.s32 $0xFFFFF800;
	p0 =	sne.s32 s19, $0x9E00  }
0x32: {  	[spmem:s2] =	stream.indirect.scatter.add.f32 [tilespmem:s15], [sflag:$0x1], $0x10, s20, s14, $0xb8;
	[tilespmem:$0x6000] =	vst v63  }
.Ltmp1:
0x33: {  	_ = 	snop;
	(pc) =	sbr.rel @p0 .LBB2_4-.Ltmp1, $4  }
0x34: {  	_ = 	snop  }
0x35: {  	s19 =	sadd.s32 $0x200, s19  }
0x36: {  	_ =	swait.ge [sflag:s13], $0x800  }
0x37: {  	[sflag:s13] =	ssyncset.done $0x0  }
0x38: {  	s3 =	sadd.s32 $0x1, s3  }
0x39: {  	[sflag:s13] =	ssyncadd.s32 $0xFFFFF800;
	p0 =	sne.s32 s3, s11  }
.Ltmp2:
0x3a: {  	[bflag:$0x0] =	sbarrier.arrive $0xFFFF;
	(pc) =	sbr.rel @p0 .LBB2_1-.Ltmp2, $4  }
0x3b: {  	[hbm:s10@s13], [sflag:s16] =	dma.strided [spmem:s17@s18], $0x280, s13, $0x1   }
0x3c: {  	_ =	swait.ge [sflag:s13], $0x280  }
0x3d: {  	[sflag:s13] =	ssyncset.done $0x0  }
0x3e: {  	[sflag:s13] =	ssyncadd.s32 $0xFFFFFD80  }
0x3f: {  	_ =	sfence.sel $0x180000  }
0x40: {  	[bflag:$0x0] =	sbarrier.arrive $0xFFFF  }
0x41: {  	p0 =	sne.s32 s0, $0x0;
	_ =	strace $0x90000047  }
0x42: {  	s0 =	sadd.s32 @!p0 $0x100000, s1;
	[bflag:$0x2] =	sbarrier.arrive $0xFFFF  }
0x43: {  	[sflag:s0] =	ssyncadd.tile.s32 @!p0 $0x1;
	_ =	shalt  }
.Lfunc_end2:
_tile_overlayer_lowered:
.L_overlay_start_2:
0x44: {  	(tag) =	ssettag $0x2  }
0x45: {  	s0 =	rddreg [dreg:$0x0];
	s2 =	stileid.u32  }
0x46: {  	s1 =	rddreg [dreg:$0x1];
	p0 =	sne.s32 s2, $0x0  }
0x47: {  	s3 =	rddreg [dreg:$0x2];
	[bflag:$0x3] =	sbarrier.arrive $0xFFFF;
	s2 =	simm.s32 @!p0 $0x1C01  }
0x48: {  	[timem:s3], [sflag:s2] =	dma.local @!p0 [hbm:s0], s1  }
0x49: {  	s0 =	simm.s32 @!p0 $0x1  }
0x4a: {  	_ =	swait.ge @!p0 [sflag:s0], s1  }
0x4b: {  	s1 =	ssub.s32 @!p0 $0x0, s1;
	[sflag:s0] =	ssyncset.done @!p0 $0x0  }
0x4c: {  	[sflag:s0] =	ssyncadd.s32 @!p0 s1  }
0x4d: {  	[bflag:$0x3] =	sbarrier.arrive $0xFFFF  }
0x4e: {  	_ =	shalt  }

// kernel: kernel.13.cloned.1.call-start
scs
__scs_entry_jumppad:
0x0: {  	(pc) =	sbr.rel $0x88, $3  }
0x1: {  	(tag) =	ssettag $0x0;
	lr =	simm.s32 $0x1  }
0x2: {  	[smem:$0x3F97] =	sst lr;
	_ =	strace $0xD0000000  }
0x3: {  	_ = 	snop  }
0x4: {  	_ = 	snop  }
0x5: {  	_ = 	snop  }
0x6: {  	_ = 	snop  }
0x7: {  	_ = 	snop  }
__scs_overlays_trampoline_lowered:
0x8: {  	[smem:$0x3FA6] =	sst s0  }
0x9: {  	[smem:$0x3FA7] =	sst s1  }
0xa: {  	[smem:$0x3FA8] =	sst s2  }
0xb: {  	[smem:$0x3FA9] =	sst s3  }
0xc: {  	[smem:$0x3FAA] =	sst s4  }
0xd: {  	[smem:$0x3FAB] =	sst s5  }
0xe: {  	[smem:$0x3FAC] =	sst s6  }
0xf: {  	[smem:$0x3FAD] =	sst s7  }
0x10: {  	[smem:$0x3FAE] =	sst s8  }
0x11: {  	[smem:$0x3FAF] =	sst s9;
	s0 =	simm.s32 @!p0 $0x0  }
0x12: {  	s1 =	sld [smem:$0x3F95];
	s0 =	simm.s32 @p0 $0x1  }
0x13: {  	[smem:$0x3FB0] =	sst s0;
	s0 =	simm.s32 @!p1 $0x0  }
0x14: {  	s2 =	sld [smem:$0x3F94];
	s0 =	simm.s32 @p1 $0x1  }
0x15: {  	[smem:$0x3FB1] =	sst s0;
	s0 =	simm.s32 @!p2 $0x0  }
0x16: {  	s3 =	sld [smem:$0x3FDB];
	s0 =	simm.s32 @p2 $0x1  }
0x17: {  	s4 =	simm.s32 $0x1BF5;
	[smem:$0x3FB3] =	sst s0  }
0x18: {  	s0 =	sld [smem:$0x3F96];
	_ =	swait.ge [sflag:s4], $0x0  }
0x19: {  	s7 =	sld [smem:$0x3F97]  }
0x1a: {  	s8 =	sadd.s32 $0xFFFFE003, lr  }
0x1b: {  	s9 =	sadd.s32 $0xFFFFFEF7, lr;
	s5 =	simm.s32 $0xFFFFFFFF;
	p2 =	slt.u32 s8, $0xFFFFF086  }
0x1c: {  	p1 =	slt.u32 s9, $0xF7A;
	s5 =	simm.s32 @!p2 $0x0  }
0x1d: {  	s5 =	simm.s32 @p1 $0x1;
	p0 =	seq.s32 s7, s2  }
0x1e: {  	s7 =	smul.u32 @!p0 $0xF7A, s2;
	p2 =	seq.s32 @!p0 s5, $0x0  }
0x1f: {  	s9 =	smul.u32 $0xF7A, s1;
	s8 =	simm.s32 @!p0 $0x1BF5;
	p2 =	por !p2, p0  }
0x20: {  	[sflag:s8] =	ssyncset.s32 @!p0 $0xFFFFF086;
	s6 =	sadd.s32 @!p0 s3, s7;
	s7 =	simm.s32 @!p0 $0x108  }
0x21: {  	s3 =	sadd.s32 s3, s9;
	s6 =	sadd.s32 @!p0 $0x88, s6;
	s7 =	simm.s32 @p2 $0x1082  }
0x22: {  	[simem:s7], [sflag:s8] =	dma.local @!p0 [hbm:s6], $0xF7A  }
0x23: {  	s9 =	sor.u32 $0xD0000000, s2;
	s6 =	simm.s32 $0x108;
	_ =	swait.ge @!p0 [sflag:s8], $0x0  }
0x24: {  	s3 =	sadd.s32 $0x88, s3;
	s6 =	simm.s32 @!p1 $0x1082;
	[sflag:s4] =	ssyncset.s32 $0xFFFFF086  }
0x25: {  	[simem:s6], [sflag:s4] =	dma.local [hbm:s3], $0xF7A  }
0x26: {  	[smem:$0x3F97] =	sst s1;
	(tag) =	ssettag s2;
	_ =	strace s9  }
0x27: {  	s1 =	sld [smem:$0x3FA7]  }
0x28: {  	s2 =	sld [smem:$0x3FA8]  }
0x29: {  	s4 =	sld [smem:$0x3FAA]  }
0x2a: {  	p0 =	seq.s32 s5, $0x0;
	s5 =	sld [smem:$0x3FAB]  }
0x2b: {  	s6 =	sld [smem:$0x3FAC]  }
0x2c: {  	s7 =	sld [smem:$0x3FAD]  }
0x2d: {  	s3 =	simm.s32 $0x108;
	s8 =	sld [smem:$0x3FAE]  }
0x2e: {  	s3 =	simm.s32 @!p0 $0x1082;
	s9 =	sld [smem:$0x3FAF]  }
0x2f: {  	lr =	sadd.s32 s0, s3;
	s0 =	sld [smem:$0x3FA6]  }
0x30: {  	s3 =	sld [smem:$0x3FA9]  }
0x31: {  	[smem:$0x3FB2] =	sst s10  }
0x32: {  	s10 =	sld [smem:$0x3FB0];
	_ =	sdelay $0x3  }
0x33: {  	p0 =	seq.s32 s10, $0x1;
	s10 =	sld [smem:$0x3FB2];
	_ =	sdelay $0x3  }
0x34: {  	[smem:$0x3FB2] =	sst s10  }
0x35: {  	s10 =	sld [smem:$0x3FB1];
	_ =	sdelay $0x3  }
0x36: {  	p1 =	seq.s32 s10, $0x1;
	s10 =	sld [smem:$0x3FB2];
	_ =	sdelay $0x3  }
0x37: {  	[smem:$0x3FB2] =	sst s10  }
0x38: {  	s10 =	sld [smem:$0x3FB3]  }
0x39: {  	_ = 	snop;
	(pc) =	sbr.ind lr, $3  }
0x3a: {  	_ = 	snop  }
0x3b: {  	_ = 	snop  }
0x3c: {  	p2 =	seq.s32 s10, $0x1;
	s10 =	sld [smem:$0x3FB2]  }
0x3d: {  	_ =	shalt  }
0x3e: {  	_ =	shalt  }
0x3f: {  	_ =	shalt  }
0x40: {  	_ =	shalt  }
0x41: {  	_ =	shalt  }
0x42: {  	_ =	shalt  }
0x43: {  	_ =	shalt  }
0x44: {  	_ =	shalt  }
0x45: {  	_ =	shalt  }
0x46: {  	_ =	shalt  }
0x47: {  	_ =	shalt  }
0x48: {  	_ =	shalt  }
0x49: {  	_ =	shalt  }
0x4a: {  	_ =	shalt  }
0x4b: {  	_ =	shalt  }
0x4c: {  	_ =	shalt  }
0x4d: {  	_ =	shalt  }
0x4e: {  	_ =	shalt  }
0x4f: {  	_ =	shalt  }
0x50: {  	_ =	shalt  }
0x51: {  	_ =	shalt  }
0x52: {  	_ =	shalt  }
0x53: {  	_ =	shalt  }
0x54: {  	_ =	shalt  }
0x55: {  	_ =	shalt  }
0x56: {  	_ =	shalt  }
0x57: {  	_ =	shalt  }
0x58: {  	_ =	shalt  }
0x59: {  	_ =	shalt  }
0x5a: {  	_ =	shalt  }
0x5b: {  	_ =	shalt  }
0x5c: {  	_ =	shalt  }
0x5d: {  	_ =	shalt  }
0x5e: {  	_ =	shalt  }
0x5f: {  	_ =	shalt  }
0x60: {  	_ =	shalt  }
0x61: {  	_ =	shalt  }
0x62: {  	_ =	shalt  }
0x63: {  	_ =	shalt  }
0x64: {  	_ =	shalt  }
0x65: {  	_ =	shalt  }
0x66: {  	_ =	shalt  }
0x67: {  	_ =	shalt  }
0x68: {  	_ =	shalt  }
0x69: {  	_ =	shalt  }
0x6a: {  	_ =	shalt  }
0x6b: {  	_ =	shalt  }
0x6c: {  	_ =	shalt  }
0x6d: {  	_ =	shalt  }
0x6e: {  	_ =	shalt  }
0x6f: {  	_ =	shalt  }
0x70: {  	_ =	shalt  }
0x71: {  	_ =	shalt  }
0x72: {  	_ =	shalt  }
0x73: {  	_ =	shalt  }
0x74: {  	_ =	shalt  }
0x75: {  	_ =	shalt  }
0x76: {  	_ =	shalt  }
0x77: {  	_ =	shalt  }
0x78: {  	_ =	shalt  }
0x79: {  	_ =	shalt  }
0x7a: {  	_ =	shalt  }
0x7b: {  	_ =	shalt  }
0x7c: {  	_ =	shalt  }
0x7d: {  	_ =	shalt  }
0x7e: {  	_ =	shalt  }
0x7f: {  	_ =	shalt  }
0x80: {  	_ =	shalt  }
0x81: {  	_ =	shalt  }
0x82: {  	_ =	shalt  }
0x83: {  	_ =	shalt  }
0x84: {  	_ =	shalt  }
0x85: {  	_ =	shalt  }
0x86: {  	_ =	shalt  }
0x87: {  	_ =	shalt  }
.Lfunc_end0:
.L_simem_size_0:
called_computation.2_lowered:
.L_overlay_start_0:
0x88: {  	s2 =	sld [smem:$0x3FD9]  }
0x89: {  	s3 =	sld [smem:$0x3FFE];
	_ =	sdelay $0x1  }
0x8a: {  	s1 =	srdreg.scid  }
0x8b: {  	s0 =	sand.u32 $0x1, s1  }
0x8c: {  	s17 =	sshll.u32 s0, $0xA;
	s2 =	sadd.s32 s3, s2  }
0x8d: {  	s2 =	sadd.s32 s2, s17  }
0x8e: {  	[smem:$0x3FBE] =	sst s2  }
0x8f: {  	_ = 	snop  }
0x90: {  	s2 =	sld [smem:$0x3FD0];
	(tm) =	ssettm $0x1  }
0x91: {  	s18 =	sld [smem:$0x3FFB];
	_ =	sdelay $0x3  }
0x92: {  	_ =	strace s18  }
0x93: {  	s3 =	sld [smem:$0x3FFC];
	_ =	sdelay $0x3  }
0x94: {  	_ =	strace s3  }
0x95: {  	s3 =	sld [smem:$0x3FFD];
	_ =	sdelay $0x3  }
0x96: {  	_ =	strace s3  }
0x97: {  	_ =	strace $0x8FFFFFFF  }
0x98: {  	s19 =	sld [smem:$0x3FDB];
	_ =	sdelay $0x1  }
0x99: {  	s4 =	simm.s32 $_scs_section_size  }
0x9a: {  	s5 =	simm.s32 $_size__tile_overlayer_lowered;
	s6 =	simm.s32 $_tile_overlayer_lowered  }
0x9b: {  	s22 =	simm.s32 $0x1BFF;
	s21 =	sshll.u32 s6, $0x1;
	s3 =	sadd.s32 s4, s19  }
0x9c: {  	s7 =	simm.s32 $0x0;
	s20 =	sshll.u32 s5, $0x1;
	s5 =	sadd.s32 s21, s3  }
0x9d: {  	[timem:s7], [sflag:s22] =	dma.local [hbm:s5], s20  }
0x9e: {  	_ =	swait.ge [sflag:s22], s20  }
0x9f: {  	s4 =	ssub.s32 $0x0, s20;
	[sflag:s22] =	ssyncset.done $0x0  }
0xa0: {  	[sflag:s22] =	ssyncadd.s32 s4;
	_ =	sdelay $0x1  }
0xa1: {  	s23 =	simm.s32 $0x1B8B  }
0xa2: {  	_ =	swait.ge [sflag:s23], $0x1  }
0xa3: {  	[sflag:s23] =	ssyncset.done $0x0  }
0xa4: {  	s25 =	simm.s32 $0x1B8E;
	s24 =	sld [smem:$0x3FFE];
	[sflag:s23] =	ssyncadd.s32 $0xFFFFFFFF  }
0xa5: {  	s26 =	simm.s32 $execute0_lowered;
	[smem:$0x3FD2] =	sst s25  }
0xa6: {  	s5 =	sshll.u32 s26, $0x1;
	_ =	strace $0x8000004C;
	[dreg:$0x1] =	wrdreg $0xFFFFFFFF  }
0xa7: {  	s28 =	simm.s32 $_size_execute0_lowered;
	s3 =	sadd.s32 s3, s5;
	[dreg:$0x0] =	wrdreg $0x0  }
0xa8: {  	s5 =	sshll.u32 s28, $0x1;
	[dreg:$0x2] =	wrdreg s3  }
0xa9: {  	[dreg:$0x3] =	wrdreg s5  }
0xaa: {  	[dreg:$0x4] =	wrdreg $0xC0  }
0xab: {  	_ =	task [dreg:s7], $0x5FFFF  }
0xac: {  	[dreg:$0x1] =	wrdreg $0xFFFFFFFF  }
0xad: {  	[dreg:$0x0] =	wrdreg $0x60  }
0xae: {  	[dreg:$0x2] =	wrdreg s24  }
0xaf: {  	[dreg:$0x3] =	wrdreg s2  }
0xb0: {  	[dreg:$0x4] =	wrdreg $0xF0000  }
0xb1: {  	[dreg:$0x5] =	wrdreg $0x50000  }
0xb2: {  	[dreg:$0x6] =	wrdreg $0x9  }
0xb3: {  	_ =	task.clear_ibuf [dreg:s7], $0x7FFFF;
	_ =	strace $0x9000004C  }
0xb4: {  	s29 =	simm.s32 $0x9;
	_ =	strace $0x8000004E  }
0xb5: {  	_ =	swait.ge [sflag:s29], $0x1  }
0xb6: {  	[sflag:s29] =	ssyncadd.s32 $0xFFFFFFFF  }
0xb7: {  	_ =	strace $0x9000004E  }
0xb8: {  	_ =	sfence  }
0xb9: {  	s30 =	sld [smem:$0x0];
	_ =	sdelay $0x2  }
0xba: {  	s31 =	sshll.u32 s1, $0xD;
	s1 =	sshrl.u32 s1, $0x2  }
0xbb: {  	s3 =	sand.u32 $0x4000, s31;
	s1 =	sadd.s32 s1, s30  }
0xbc: {  	s0 =	sor.u32 s3, s0;
	s1 =	sshll.u32 s1, $0x11  }
0xbd: {  	s0 =	sor.u32 s1, s0  }
0xbe: {  	s0 =	sadd.s32 $0x8F2B, s0  }
0xbf: {  	[sflag:s0] =	ssyncadd.remote.s32 $0x1  }
0xc0: {  	_ =	sfence.sel $0xFFFF  }
0xc1: {  	[dreg:$0x0] =	wrdreg $0xFFFFFFFF;
	(pc) =	sbr.abs _section_cstart, $3  }
0xc2: {  	[dreg:$0x1] =	wrdreg $0xFFFFFFFF  }
0xc3: {  	_ =	task.clear_ibuf [dreg:s7], $0x2FFFF;
	_ =	strace $0x9FFFFFFF  }
0xc4: {  	(tm) =	ssettm $0x7FFFFFFF  }
0xc5: {  	_ =	shalt  }
tec
execute0_lowered:
.L_overlay_start_1:
0x0: {  	(tag) =	ssettag $0x1  }
0x1: {  	s0 =	rddreg [dreg:$0x0]  }
0x2: {  	s2 =	rddreg [dreg:$0x1]  }
0x3: {  	s1 =	rddreg [dreg:$0x2]  }
0x4: {  	s3 =	rddreg [dreg:$0x3]  }
0x5: {  	s4 =	simm.s32 $0x0;
	s12 =	stileid.u32;
	s6 =	srdreg.scid  }
0x6: {  	s13 =	simm.s32 $0x100;
	s14 =	simm.s32 $0x880;
	s15 =	simm.s32 $0x180  }
0x7: {  	s16 =	simm.s32 $0x900;
	s18 =	simm.s32 $0x200;
	s19 =	simm.s32 $0x980  }
0x8: {  	s28 =	simm.s32 $0xC00;
	s29 =	simm.s32 $0x500;
	s30 =	simm.s32 $0xC80  }
0x9: {  	s31 =	simm.s32 $0x580;
	[smem:$0x7FF] =	sst s4;
	s5 =	smul.u32 $0xA00, s12  }
0xa: {  	s7 =	smul.u32 $0x28000, s12;
	_ =	strace $0x8000004D;
	[dreg:$0x7] =	wrdreg s13  }
0xb: {  	s6 =	sand.u32 $0x1, s6;
	s11 =	smul.u32 $0xA000, s12;
	[dreg:$0x8] =	wrdreg s14  }
0xc: {  	s25 =	smul.u32 $0x2800, s12;
	s17 =	sshll.u32 s12, $0x6;
	[dreg:$0x9] =	wrdreg s15  }
0xd: {  	s12 =	simm.s32 $0xF00;
	s9 =	sshll.u32 s6, $0x3;
	[dreg:$0xa] =	wrdreg s16  }
0xe: {  	s6 =	ssub.s32 $0x2, s6;
	s13 =	simm.s32 $0x1000;
	[dreg:$0xb] =	wrdreg s18  }
0xf: {  	s14 =	simm.s32 $0x3;
	[dreg:$0xc] =	wrdreg s19;
	s18 =	simm.s32 $0xF80  }
0x10: {  	s15 =	simm.s32 $0x0;
	s8 =	sadd.s32 s5, s0;
	s21 =	sadd.s32 s11, s1  }
0x11: {  	s10 =	sshrl.u32 s6, $0x1;
	s2 =	sadd.s32 s5, s2;
	[dreg:$0x13] =	wrdreg s21  }
0x12: {  	s6 =	ssub.s32 s6, s10;
	s10 =	sadd.s32 $0x3200, s8;
	[dreg:$0x6] =	wrdreg s2  }
0x13: {  	s26 =	sadd.s32 s11, s3;
	s2 =	sor.u32 $0x1C03, s17;
	[dreg:$0x5] =	wrdreg s10  }
0x14: {  	s7 =	sshrl.u32 s7, $0x2;
	s20 =	sshrl.u32 s26, $0x3;
	[dreg:$0x1b] =	wrdreg s2  }
0x15: {  	s0 =	sadd.s32 s9, s0;
	s21 =	simm.s32 $0x280;
	[dreg:$0x1c] =	wrdreg s20  }
0x16: {  	s0 =	sadd.s32 s25, s0;
	s25 =	simm.s32 $0x380;
	[dreg:$0xd] =	wrdreg s21  }
0x17: {  	s7 =	sadd.s32 s7, s1;
	s26 =	simm.s32 $0xB00;
	[dreg:$0x11] =	wrdreg s25  }
0x18: {  	s9 =	simm.s32 $0x700;
	s22 =	sadd.s32 $0x2000, s7;
	[dreg:$0x12] =	wrdreg s26  }
0x19: {  	s17 =	simm.s32 $0x1;
	s23 =	sadd.s32 $0x4000, s7;
	[dreg:$0x14] =	wrdreg s22  }
0x1a: {  	s8 =	simm.s32 $0xE00;
	s24 =	sadd.s32 $0x6000, s7;
	[dreg:$0x15] =	wrdreg s23  }
0x1b: {  	s7 =	sadd.s32 $0x8000, s7;
	s6 =	smax.u32 s6, $0x1;
	[dreg:$0x16] =	wrdreg s24  }
0x1c: {  	s11 =	sadd.s32 $0xD200, s0;
	s0 =	sadd.s32 $0x35200, s0;
	[dreg:$0x17] =	wrdreg s7  }
0x1d: {  	s20 =	simm.s32 $0x800;
	s21 =	simm.s32 $0x80;
	[dreg:$0x18] =	wrdreg s6  }
0x1e: {  	s25 =	simm.s32 $0xB80;
	s26 =	simm.s32 $0x480;
	[dreg:$0x19] =	wrdreg s11  }
0x1f: {  	s2 =	simm.s32 $0x600;
	s10 =	simm.s32 $0xE80;
	[dreg:$0x1a] =	wrdreg s0  }
0x20: {  	s22 =	simm.s32 $0xA00;
	s23 =	simm.s32 $0x300;
	s24 =	simm.s32 $0xA80  }
0x21: {  	s0 =	simm.s32 $0xD00;
	s6 =	simm.s32 $0xD80;
	[dreg:$0xe] =	wrdreg s22  }
0x22: {  	s7 =	simm.s32 $0x680;
	s11 =	simm.s32 $0x780;
	[dreg:$0xf] =	wrdreg s23  }
0x23: {  	v0 =	vimm.f32 $0.0e+00;
	[dreg:$0x10] =	wrdreg s24;
	s22 =	simm.s32 $0x3000;
	s23 =	simm.s32 $0x2  }
.LBB2_1:
0x24: {  	[dreg:$0x1d] =	wrdreg s15;
	s16 =	simm.s32 $0x100;
	s5 =	simm.s32 $0x0  }
.LBB2_2:
0x25: {  	p0 =	sne.s32 s16, $0x7F00;
	[tilespmem:s5+$0x1030] =	vst v0;
	s15 =	smov.u32 s16;
	s16 =	sadd.s32 $0x100, s16  }
.Ltmp0:
0x26: {  	[tilespmem:s5+$0x1020] =	vst v0;
	(pc) =	sbr.rel @p0 .LBB2_2-.Ltmp0, $3  }
0x27: {  	[tilespmem:s5+$0x1000] =	vst v0  }
0x28: {  	[tilespmem:s5+$0x1010] =	vst v0;
	_ =	sdelay $0x1  }
0x29: {  	s5 =	sshra.s32 s15, $0x2  }
0x2a: {  	[tilespmem:s5+$0x1030] =	vst v0  }
0x2b: {  	[tilespmem:s5+$0x1020] =	vst v0  }
0x2c: {  	[tilespmem:s5+$0x1000] =	vst v0  }
0x2d: {  	[tilespmem:s5+$0x1010] =	vst v0;
	s16 =	rddreg [dreg:$0x13]  }
0x2e: {  	[spmem:s16] =	stream.linear.scatter [tilespmem:s13], [sflag:$0x3], $0x2000, $0x38;
	[tilespmem:$0x19000] =	vst v63  }
0x2f: {  	_ =	swait.ge [sflag:s14], $0x2000  }
0x30: {  	[sflag:s14] =	ssyncset.done $0x0  }
0x31: {  	s19 =	rddreg [dreg:$0x14];
	[sflag:s14] =	ssyncadd.s32 $0xFFFFE000  }
0x32: {  	[spmem:s19] =	stream.linear.scatter [tilespmem:s13], [sflag:$0x3], $0x2000, $0x38;
	[tilespmem:$0x19000] =	vst v63  }
0x33: {  	_ =	swait.ge [sflag:s14], $0x2000  }
0x34: {  	[sflag:s14] =	ssyncset.done $0x0  }
0x35: {  	s24 =	rddreg [dreg:$0x15];
	[sflag:s14] =	ssyncadd.s32 $0xFFFFE000  }
0x36: {  	[spmem:s24] =	stream.linear.scatter [tilespmem:s13], [sflag:$0x3], $0x2000, $0x38;
	[tilespmem:$0x19000] =	vst v63  }
0x37: {  	_ =	swait.ge [sflag:s14], $0x2000  }
0x38: {  	[sflag:s14] =	ssyncset.done $0x0  }
0x39: {  	s15 =	rddreg [dreg:$0x16];
	[sflag:s14] =	ssyncadd.s32 $0xFFFFE000  }
0x3a: {  	[spmem:s15] =	stream.linear.scatter [tilespmem:s13], [sflag:$0x3], $0x2000, $0x38;
	[tilespmem:$0x19000] =	vst v63  }
0x3b: {  	_ =	swait.ge [sflag:s14], $0x2000  }
0x3c: {  	[sflag:s14] =	ssyncset.done $0x0  }
0x3d: {  	s16 =	rddreg [dreg:$0x17];
	[sflag:s14] =	ssyncadd.s32 $0xFFFFE000  }
0x3e: {  	[spmem:s16] =	stream.linear.scatter [tilespmem:s13], [sflag:$0x3], $0x2000, $0x38;
	[tilespmem:$0x19000] =	vst v63  }
0x3f: {  	_ =	swait.ge [sflag:s14], $0x2000  }
0x40: {  	s5 =	rddreg [dreg:$0x19]  }
0x41: {  	s19 =	simm.s32 $0x8;
	[sflag:s14] =	ssyncset.done $0x0;
	s15 =	rddreg [dreg:$0x1b]  }
0x42: {  	s24 =	simm.s32 $0x10;
	s16 =	rddreg [dreg:$0x1c];
	[sflag:s14] =	ssyncadd.s32 $0xFFFFE000  }
0x43: {  	[spmem:s16@s19], [sflag:s15] =	dma.strided [hbm:s5@s24], $0x1400, s17, $0x8   }
0x44: {  	_ =	swait.ge [sflag:s14], $0x1400  }
0x45: {  	[sflag:s14] =	ssyncset.done $0x0  }
0x46: {  	[sflag:s14] =	ssyncadd.s32 $0xFFFFEC00  }
0x47: {  	[bflag:$0x0] =	sbarrier.arrive $0xFFFF  }
0x48: {  	s19 =	rddreg [dreg:$0x6]  }
0x49: {  	s5 =	sadd.s32 $0x0, s19  }
0x4a: {  	[tilespmem:s4], [sflag:$0x3] =	stream.linear.gather [hbm4b:s5+s4], $0x800, $0x38;
	[tilespmem:$0x19000] =	vst v63  }
0x4b: {  	_ =	swait.ge [sflag:s14], $0x800  }
0x4c: {  	s24 =	rddreg [dreg:$0x5];
	[sflag:s14] =	ssyncset.done $0x0  }
0x4d: {  	[sflag:s14] =	ssyncadd.s32 $0xFFFFF800;
	s5 =	sadd.s32 $0x0, s24  }
0x4e: {  	[tilespmem:s20], [sflag:$0x3] =	stream.linear.gather [hbm4b:s5+s4], $0x800, $0x38;
	[tilespmem:$0x19000] =	vst v63  }
0x4f: {  	_ =	swait.ge [sflag:s14], $0x800  }
0x50: {  	[sflag:s14] =	ssyncset.done $0x0  }
0x51: {  	[sflag:s14] =	ssyncadd.s32 $0xFFFFF800  }
0x52: {  	[tilespmem:s13], [sflag:$0x1] =	stream.indirect.gather [spmem:s3], $0x40, s4, s21, $0xb8;
	[tilespmem:$0x19000] =	vst v63  }
0x53: {  	_ =	swait.ge [sflag:s17], $0x2000  }
0x54: {  	[sflag:s17] =	ssyncset.done $0x0  }
0x55: {  	[sflag:s17] =	ssyncadd.s32 $0xFFFFE000  }
0x56: {  	[tilespmem:s22], [sflag:$0x2] =	stream.indirect.gather [spmem:s3], $0x40, s21, s21, $0xb8;
	[tilespmem:$0x19000] =	vst v63  }
0x57: {  	_ = 	snop  }
0x58: {  	[spmem:s1] =	stream.indirect.scatter.add.f32 [tilespmem:s13], [sflag:$0x3], $0x40, s20, s21, $0xb8;
	[tilespmem:$0x19000] =	vst v63  }
0x59: {  	_ =	swait.ge [sflag:s14], $0x2000  }
0x5a: {  	[sflag:s14] =	ssyncset.done $0x0  }
0x5b: {  	[sflag:s14] =	ssyncadd.s32 $0xFFFFE000  }
0x5c: {  	_ =	swait.ge [sflag:s23], $0x2000  }
0x5d: {  	[sflag:s23] =	ssyncset.done $0x0  }
0x5e: {  	s15 =	rddreg [dreg:$0x7];
	[sflag:s23] =	ssyncadd.s32 $0xFFFFE000  }
0x5f: {  	[tilespmem:s13], [sflag:$0x1] =	stream.indirect.gather [spmem:s3], $0x40, s15, s21, $0xb8;
	[tilespmem:$0x19000] =	vst v63  }
0x60: {  	s16 =	rddreg [dreg:$0x8]  }
0x61: {  	[spmem:s1] =	stream.indirect.scatter.add.f32 [tilespmem:s22], [sflag:$0x3], $0x40, s16, s21, $0xb8;
	[tilespmem:$0x19000] =	vst v63  }
0x62: {  	_ =	swait.ge [sflag:s14], $0x2000  }
0x63: {  	[sflag:s14] =	ssyncset.done $0x0  }
0x64: {  	[sflag:s14] =	ssyncadd.s32 $0xFFFFE000  }
0x65: {  	_ =	swait.ge [sflag:s17], $0x2000  }
0x66: {  	[sflag:s17] =	ssyncset.done $0x0  }
0x67: {  	s19 =	rddreg [dreg:$0x9];
	[sflag:s17] =	ssyncadd.s32 $0xFFFFE000  }
0x68: {  	[tilespmem:s22], [sflag:$0x2] =	stream.indirect.gather [spmem:s3], $0x40, s19, s21, $0xb8;
	[tilespmem:$0x19000] =	vst v63  }
0x69: {  	s24 =	rddreg [dreg:$0xa]  }
0x6a: {  	[spmem:s1] =	stream.indirect.scatter.add.f32 [tilespmem:s13], [sflag:$0x3], $0x40, s24, s21, $0xb8;
	[tilespmem:$0x19000] =	vst v63  }
0x6b: {  	_ =	swait.ge [sflag:s14], $0x2000  }
0x6c: {  	[sflag:s14] =	ssyncset.done $0x0  }
0x6d: {  	[sflag:s14] =	ssyncadd.s32 $0xFFFFE000  }
0x6e: {  	_ =	swait.ge [sflag:s23], $0x2000  }
0x6f: {  	[sflag:s23] =	ssyncset.done $0x0  }
0x70: {  	s15 =	rddreg [dreg:$0xb];
	[sflag:s23] =	ssyncadd.s32 $0xFFFFE000  }
0x71: {  	[tilespmem:s13], [sflag:$0x1] =	stream.indirect.gather [spmem:s3], $0x40, s15, s21, $0xb8;
	[tilespmem:$0x19000] =	vst v63  }
0x72: {  	s16 =	rddreg [dreg:$0xc]  }
0x73: {  	[spmem:s1] =	stream.indirect.scatter.add.f32 [tilespmem:s22], [sflag:$0x3], $0x40, s16, s21, $0xb8;
	[tilespmem:$0x19000] =	vst v63  }
0x74: {  	_ =	swait.ge [sflag:s14], $0x2000  }
0x75: {  	[sflag:s14] =	ssyncset.done $0x0  }
0x76: {  	[sflag:s14] =	ssyncadd.s32 $0xFFFFE000  }
0x77: {  	_ =	swait.ge [sflag:s17], $0x2000  }
0x78: {  	[sflag:s17] =	ssyncset.done $0x0  }
0x79: {  	s19 =	rddreg [dreg:$0xd];
	[sflag:s17] =	ssyncadd.s32 $0xFFFFE000  }
0x7a: {  	[tilespmem:s22], [sflag:$0x2] =	stream.indirect.gather [spmem:s3], $0x40, s19, s21, $0xb8;
	[tilespmem:$0x19000] =	vst v63  }
0x7b: {  	s24 =	rddreg [dreg:$0xe]  }
0x7c: {  	[spmem:s1] =	stream.indirect.scatter.add.f32 [tilespmem:s13], [sflag:$0x3], $0x40, s24, s21, $0xb8;
	[tilespmem:$0x19000] =	vst v63  }
0x7d: {  	_ =	swait.ge [sflag:s14], $0x2000  }
0x7e: {  	[sflag:s14] =	ssyncset.done $0x0  }
0x7f: {  	[sflag:s14] =	ssyncadd.s32 $0xFFFFE000  }
0x80: {  	_ =	swait.ge [sflag:s23], $0x2000  }
0x81: {  	[sflag:s23] =	ssyncset.done $0x0  }
0x82: {  	s15 =	rddreg [dreg:$0xf];
	[sflag:s23] =	ssyncadd.s32 $0xFFFFE000  }
0x83: {  	[tilespmem:s13], [sflag:$0x1] =	stream.indirect.gather [spmem:s3], $0x40, s15, s21, $0xb8;
	[tilespmem:$0x19000] =	vst v63  }
0x84: {  	s16 =	rddreg [dreg:$0x10]  }
0x85: {  	[spmem:s1] =	stream.indirect.scatter.add.f32 [tilespmem:s22], [sflag:$0x3], $0x40, s16, s21, $0xb8;
	[tilespmem:$0x19000] =	vst v63  }
0x86: {  	_ =	swait.ge [sflag:s14], $0x2000  }
0x87: {  	[sflag:s14] =	ssyncset.done $0x0  }
0x88: {  	[sflag:s14] =	ssyncadd.s32 $0xFFFFE000  }
0x89: {  	_ =	swait.ge [sflag:s17], $0x2000  }
0x8a: {  	[sflag:s17] =	ssyncset.done $0x0  }
0x8b: {  	s19 =	rddreg [dreg:$0x11];
	[sflag:s17] =	ssyncadd.s32 $0xFFFFE000  }
0x8c: {  	[tilespmem:s22], [sflag:$0x2] =	stream.indirect.gather [spmem:s3], $0x40, s19, s21, $0xb8;
	[tilespmem:$0x19000] =	vst v63  }
0x8d: {  	s24 =	rddreg [dreg:$0x12]  }
0x8e: {  	[spmem:s1] =	stream.indirect.scatter.add.f32 [tilespmem:s13], [sflag:$0x3], $0x40, s24, s21, $0xb8;
	[tilespmem:$0x19000] =	vst v63  }
0x8f: {  	_ =	swait.ge [sflag:s14], $0x2000  }
0x90: {  	[sflag:s14] =	ssyncset.done $0x0  }
0x91: {  	[sflag:s14] =	ssyncadd.s32 $0xFFFFE000  }
0x92: {  	_ =	swait.ge [sflag:s23], $0x2000  }
0x93: {  	[sflag:s23] =	ssyncset.done $0x0  }
0x94: {  	s24 =	simm.s32 $0x400;
	[sflag:s23] =	ssyncadd.s32 $0xFFFFE000  }
0x95: {  	[tilespmem:s13], [sflag:$0x1] =	stream.indirect.gather [spmem:s3], $0x40, s24, s21, $0xb8;
	[tilespmem:$0x19000] =	vst v63  }
0x96: {  	_ = 	snop  }
0x97: {  	[spmem:s1] =	stream.indirect.scatter.add.f32 [tilespmem:s22], [sflag:$0x3], $0x40, s25, s21, $0xb8;
	[tilespmem:$0x19000] =	vst v63  }
0x98: {  	_ =	swait.ge [sflag:s14], $0x2000  }
0x99: {  	[sflag:s14] =	ssyncset.done $0x0  }
0x9a: {  	[sflag:s14] =	ssyncadd.s32 $0xFFFFE000  }
0x9b: {  	_ =	swait.ge [sflag:s17], $0x2000  }
0x9c: {  	[sflag:s17] =	ssyncset.done $0x0  }
0x9d: {  	[sflag:s17] =	ssyncadd.s32 $0xFFFFE000  }
0x9e: {  	[tilespmem:s22], [sflag:$0x2] =	stream.indirect.gather [spmem:s3], $0x40, s26, s21, $0xb8;
	[tilespmem:$0x19000] =	vst v63  }
0x9f: {  	_ = 	snop  }
0xa0: {  	[spmem:s1] =	stream.indirect.scatter.add.f32 [tilespmem:s13], [sflag:$0x3], $0x40, s28, s21, $0xb8;
	[tilespmem:$0x19000] =	vst v63  }
0xa1: {  	_ =	swait.ge [sflag:s14], $0x2000  }
0xa2: {  	[sflag:s14] =	ssyncset.done $0x0  }
0xa3: {  	[sflag:s14] =	ssyncadd.s32 $0xFFFFE000  }
0xa4: {  	_ =	swait.ge [sflag:s23], $0x2000  }
0xa5: {  	[sflag:s23] =	ssyncset.done $0x0  }
0xa6: {  	[sflag:s23] =	ssyncadd.s32 $0xFFFFE000  }
0xa7: {  	[tilespmem:s13], [sflag:$0x1] =	stream.indirect.gather [spmem:s3], $0x40, s29, s21, $0xb8;
	[tilespmem:$0x19000] =	vst v63  }
0xa8: {  	_ = 	snop  }
0xa9: {  	[spmem:s1] =	stream.indirect.scatter.add.f32 [tilespmem:s22], [sflag:$0x3], $0x40, s30, s21, $0xb8;
	[tilespmem:$0x19000] =	vst v63  }
0xaa: {  	_ =	swait.ge [sflag:s14], $0x2000  }
0xab: {  	[sflag:s14] =	ssyncset.done $0x0  }
0xac: {  	[sflag:s14] =	ssyncadd.s32 $0xFFFFE000  }
0xad: {  	_ =	swait.ge [sflag:s17], $0x2000  }
0xae: {  	[sflag:s17] =	ssyncset.done $0x0  }
0xaf: {  	[sflag:s17] =	ssyncadd.s32 $0xFFFFE000  }
0xb0: {  	[tilespmem:s22], [sflag:$0x2] =	stream.indirect.gather [spmem:s3], $0x40, s31, s21, $0xb8;
	[tilespmem:$0x19000] =	vst v63  }
0xb1: {  	_ = 	snop  }
0xb2: {  	[spmem:s1] =	stream.indirect.scatter.add.f32 [tilespmem:s13], [sflag:$0x3], $0x40, s0, s21, $0xb8;
	[tilespmem:$0x19000] =	vst v63  }
0xb3: {  	_ =	swait.ge [sflag:s14], $0x2000  }
0xb4: {  	[sflag:s14] =	ssyncset.done $0x0  }
0xb5: {  	[sflag:s14] =	ssyncadd.s32 $0xFFFFE000  }
0xb6: {  	_ =	swait.ge [sflag:s23], $0x2000  }
0xb7: {  	[sflag:s23] =	ssyncset.done $0x0  }
0xb8: {  	[sflag:s23] =	ssyncadd.s32 $0xFFFFE000  }
0xb9: {  	[tilespmem:s13], [sflag:$0x1] =	stream.indirect.gather [spmem:s3], $0x40, s2, s21, $0xb8;
	[tilespmem:$0x19000] =	vst v63  }
0xba: {  	_ = 	snop  }
0xbb: {  	[spmem:s1] =	stream.indirect.scatter.add.f32 [tilespmem:s22], [sflag:$0x3], $0x40, s6, s21, $0xb8;
	[tilespmem:$0x19000] =	vst v63  }
0xbc: {  	_ =	swait.ge [sflag:s14], $0x2000  }
0xbd: {  	[sflag:s14] =	ssyncset.done $0x0  }
0xbe: {  	[sflag:s14] =	ssyncadd.s32 $0xFFFFE000  }
0xbf: {  	_ =	swait.ge [sflag:s17], $0x2000  }
0xc0: {  	[sflag:s17] =	ssyncset.done $0x0  }
0xc1: {  	[sflag:s17] =	ssyncadd.s32 $0xFFFFE000  }
0xc2: {  	[tilespmem:s22], [sflag:$0x2] =	stream.indirect.gather [spmem:s3], $0x40, s7, s21, $0xb8;
	[tilespmem:$0x19000] =	vst v63  }
0xc3: {  	_ = 	snop  }
0xc4: {  	[spmem:s1] =	stream.indirect.scatter.add.f32 [tilespmem:s13], [sflag:$0x3], $0x40, s8, s21, $0xb8;
	[tilespmem:$0x19000] =	vst v63  }
0xc5: {  	_ =	swait.ge [sflag:s14], $0x2000  }
0xc6: {  	[sflag:s14] =	ssyncset.done $0x0  }
0xc7: {  	[sflag:s14] =	ssyncadd.s32 $0xFFFFE000  }
0xc8: {  	_ =	swait.ge [sflag:s23], $0x2000  }
0xc9: {  	[sflag:s23] =	ssyncset.done $0x0  }
0xca: {  	[sflag:s23] =	ssyncadd.s32 $0xFFFFE000  }
0xcb: {  	[tilespmem:s13], [sflag:$0x1] =	stream.indirect.gather [spmem:s3], $0x40, s9, s21, $0xb8;
	[tilespmem:$0x19000] =	vst v63  }
0xcc: {  	_ = 	snop  }
0xcd: {  	[spmem:s1] =	stream.indirect.scatter.add.f32 [tilespmem:s22], [sflag:$0x3], $0x40, s10, s21, $0xb8;
	[tilespmem:$0x19000] =	vst v63  }
0xce: {  	_ =	swait.ge [sflag:s14], $0x2000  }
0xcf: {  	[sflag:s14] =	ssyncset.done $0x0  }
0xd0: {  	[sflag:s14] =	ssyncadd.s32 $0xFFFFE000  }
0xd1: {  	_ =	swait.ge [sflag:s17], $0x2000  }
0xd2: {  	[sflag:s17] =	ssyncset.done $0x0  }
0xd3: {  	[sflag:s17] =	ssyncadd.s32 $0xFFFFE000  }
0xd4: {  	[tilespmem:s22], [sflag:$0x2] =	stream.indirect.gather [spmem:s3], $0x40, s11, s21, $0xb8;
	[tilespmem:$0x19000] =	vst v63  }
0xd5: {  	_ = 	snop  }
0xd6: {  	[spmem:s1] =	stream.indirect.scatter.add.f32 [tilespmem:s13], [sflag:$0x3], $0x40, s12, s21, $0xb8;
	[tilespmem:$0x19000] =	vst v63  }
0xd7: {  	_ =	swait.ge [sflag:s14], $0x2000  }
0xd8: {  	[sflag:s14] =	ssyncset.done $0x0  }
0xd9: {  	[sflag:s14] =	ssyncadd.s32 $0xFFFFE000  }
0xda: {  	_ =	swait.ge [sflag:s23], $0x2000  }
0xdb: {  	[sflag:s23] =	ssyncset.done $0x0  }
0xdc: {  	[sflag:s23] =	ssyncadd.s32 $0xFFFFE000  }
0xdd: {  	[spmem:s1] =	stream.indirect.scatter.add.f32 [tilespmem:s22], [sflag:$0x3], $0x40, s18, s21, $0xb8;
	[tilespmem:$0x19000] =	vst v63  }
0xde: {  	s5 =	simm.s32 $0x200;
	_ =	swait.ge [sflag:s14], $0x2000  }
0xdf: {  	s16 =	simm.s32 $0x100;
	s15 =	rddreg [dreg:$0x6];
	[sflag:s14] =	ssyncset.done $0x0  }
.LBB2_4:
0xe0: {  	[sflag:s14] =	ssyncadd.s32 $0xFFFFE000;
	s15 =	sadd.s32 s16, s15  }
0xe1: {  	[tilespmem:s4], [sflag:$0x3] =	stream.linear.gather [hbm4b:s15+s4], $0x800, $0x38;
	[tilespmem:$0x19000] =	vst v63  }
0xe2: {  	_ =	swait.ge [sflag:s14], $0x800  }
0xe3: {  	s15 =	rddreg [dreg:$0x5];
	[sflag:s14] =	ssyncset.done $0x0  }
0xe4: {  	[sflag:s14] =	ssyncadd.s32 $0xFFFFF800;
	s15 =	sadd.s32 s16, s15  }
0xe5: {  	[tilespmem:s20], [sflag:$0x3] =	stream.linear.gather [hbm4b:s15+s4], $0x800, $0x38;
	[tilespmem:$0x19000] =	vst v63  }
0xe6: {  	_ =	swait.ge [sflag:s14], $0x800  }
0xe7: {  	[sflag:s14] =	ssyncset.done $0x0  }
0xe8: {  	[sflag:s14] =	ssyncadd.s32 $0xFFFFF800  }
0xe9: {  	[tilespmem:s13], [sflag:$0x1] =	stream.indirect.gather [spmem:s3], $0x40, s4, s21, $0xb8;
	[tilespmem:$0x19000] =	vst v63  }
0xea: {  	_ =	swait.ge [sflag:s17], $0x2000  }
0xeb: {  	[sflag:s17] =	ssyncset.done $0x0  }
0xec: {  	[sflag:s17] =	ssyncadd.s32 $0xFFFFE000  }
0xed: {  	[tilespmem:s22], [sflag:$0x2] =	stream.indirect.gather [spmem:s3], $0x40, s21, s21, $0xb8;
	[tilespmem:$0x19000] =	vst v63  }
0xee: {  	_ = 	snop  }
0xef: {  	[spmem:s1] =	stream.indirect.scatter.add.f32 [tilespmem:s13], [sflag:$0x3], $0x40, s20, s21, $0xb8;
	[tilespmem:$0x19000] =	vst v63  }
0xf0: {  	_ =	swait.ge [sflag:s14], $0x2000  }
0xf1: {  	[sflag:s14] =	ssyncset.done $0x0  }
0xf2: {  	[sflag:s14] =	ssyncadd.s32 $0xFFFFE000  }
0xf3: {  	_ =	swait.ge [sflag:s23], $0x2000  }
0xf4: {  	[sflag:s23] =	ssyncset.done $0x0  }
0xf5: {  	s19 =	smov.u32 s5;
	s15 =	rddreg [dreg:$0x7];
	[sflag:s23] =	ssyncadd.s32 $0xFFFFE000  }
0xf6: {  	[tilespmem:s13], [sflag:$0x1] =	stream.indirect.gather [spmem:s3], $0x40, s15, s21, $0xb8;
	[tilespmem:$0x19000] =	vst v63  }
0xf7: {  	s16 =	smov.u32 s19;
	s19 =	rddreg [dreg:$0x8]  }
0xf8: {  	[spmem:s1] =	stream.indirect.scatter.add.f32 [tilespmem:s22], [sflag:$0x3], $0x40, s19, s21, $0xb8;
	[tilespmem:$0x19000] =	vst v63  }
0xf9: {  	_ =	swait.ge [sflag:s14], $0x2000  }
0xfa: {  	[sflag:s14] =	ssyncset.done $0x0  }
0xfb: {  	[sflag:s14] =	ssyncadd.s32 $0xFFFFE000  }
0xfc: {  	_ =	swait.ge [sflag:s17], $0x2000  }
0xfd: {  	[sflag:s17] =	ssyncset.done $0x0  }
0xfe: {  	s15 =	rddreg [dreg:$0x9];
	[sflag:s17] =	ssyncadd.s32 $0xFFFFE000  }
0xff: {  	[tilespmem:s22], [sflag:$0x2] =	stream.indirect.gather [spmem:s3], $0x40, s15, s21, $0xb8;
	[tilespmem:$0x19000] =	vst v63  }
0x100: {  	s19 =	rddreg [dreg:$0xa]  }
0x101: {  	[spmem:s1] =	stream.indirect.scatter.add.f32 [tilespmem:s13], [sflag:$0x3], $0x40, s19, s21, $0xb8;
	[tilespmem:$0x19000] =	vst v63  }
0x102: {  	_ =	swait.ge [sflag:s14], $0x2000  }
0x103: {  	[sflag:s14] =	ssyncset.done $0x0  }
0x104: {  	[sflag:s14] =	ssyncadd.s32 $0xFFFFE000  }
0x105: {  	_ =	swait.ge [sflag:s23], $0x2000  }
0x106: {  	[sflag:s23] =	ssyncset.done $0x0  }
0x107: {  	s15 =	rddreg [dreg:$0xb];
	[sflag:s23] =	ssyncadd.s32 $0xFFFFE000  }
0x108: {  	[tilespmem:s13], [sflag:$0x1] =	stream.indirect.gather [spmem:s3], $0x40, s15, s21, $0xb8;
	[tilespmem:$0x19000] =	vst v63  }
0x109: {  	s19 =	rddreg [dreg:$0xc]  }
0x10a: {  	[spmem:s1] =	stream.indirect.scatter.add.f32 [tilespmem:s22], [sflag:$0x3], $0x40, s19, s21, $0xb8;
	[tilespmem:$0x19000] =	vst v63  }
0x10b: {  	_ =	swait.ge [sflag:s14], $0x2000  }
0x10c: {  	[sflag:s14] =	ssyncset.done $0x0  }
0x10d: {  	[sflag:s14] =	ssyncadd.s32 $0xFFFFE000  }
0x10e: {  	_ =	swait.ge [sflag:s17], $0x2000  }
0x10f: {  	[sflag:s17] =	ssyncset.done $0x0  }
0x110: {  	s15 =	rddreg [dreg:$0xd];
	[sflag:s17] =	ssyncadd.s32 $0xFFFFE000  }
0x111: {  	[tilespmem:s22], [sflag:$0x2] =	stream.indirect.gather [spmem:s3], $0x40, s15, s21, $0xb8;
	[tilespmem:$0x19000] =	vst v63  }
0x112: {  	s19 =	rddreg [dreg:$0xe]  }
0x113: {  	[spmem:s1] =	stream.indirect.scatter.add.f32 [tilespmem:s13], [sflag:$0x3], $0x40, s19, s21, $0xb8;
	[tilespmem:$0x19000] =	vst v63  }
0x114: {  	_ =	swait.ge [sflag:s14], $0x2000  }
0x115: {  	[sflag:s14] =	ssyncset.done $0x0  }
0x116: {  	[sflag:s14] =	ssyncadd.s32 $0xFFFFE000  }
0x117: {  	_ =	swait.ge [sflag:s23], $0x2000  }
0x118: {  	[sflag:s23] =	ssyncset.done $0x0  }
0x119: {  	s15 =	rddreg [dreg:$0xf];
	[sflag:s23] =	ssyncadd.s32 $0xFFFFE000  }
0x11a: {  	[tilespmem:s13], [sflag:$0x1] =	stream.indirect.gather [spmem:s3], $0x40, s15, s21, $0xb8;
	[tilespmem:$0x19000] =	vst v63  }
0x11b: {  	s19 =	rddreg [dreg:$0x10]  }
0x11c: {  	[spmem:s1] =	stream.indirect.scatter.add.f32 [tilespmem:s22], [sflag:$0x3], $0x40, s19, s21, $0xb8;
	[tilespmem:$0x19000] =	vst v63  }
0x11d: {  	_ =	swait.ge [sflag:s14], $0x2000  }
0x11e: {  	[sflag:s14] =	ssyncset.done $0x0  }
0x11f: {  	[sflag:s14] =	ssyncadd.s32 $0xFFFFE000  }
0x120: {  	_ =	swait.ge [sflag:s17], $0x2000  }
0x121: {  	[sflag:s17] =	ssyncset.done $0x0  }
0x122: {  	s15 =	rddreg [dreg:$0x11];
	[sflag:s17] =	ssyncadd.s32 $0xFFFFE000  }
0x123: {  	[tilespmem:s22], [sflag:$0x2] =	stream.indirect.gather [spmem:s3], $0x40, s15, s21, $0xb8;
	[tilespmem:$0x19000] =	vst v63  }
0x124: {  	s19 =	rddreg [dreg:$0x12]  }
0x125: {  	[spmem:s1] =	stream.indirect.scatter.add.f32 [tilespmem:s13], [sflag:$0x3], $0x40, s19, s21, $0xb8;
	[tilespmem:$0x19000] =	vst v63  }
0x126: {  	_ =	swait.ge [sflag:s14], $0x2000  }
0x127: {  	[sflag:s14] =	ssyncset.done $0x0  }
0x128: {  	[sflag:s14] =	ssyncadd.s32 $0xFFFFE000  }
0x129: {  	_ =	swait.ge [sflag:s23], $0x2000  }
0x12a: {  	[sflag:s23] =	ssyncset.done $0x0  }
0x12b: {  	[sflag:s23] =	ssyncadd.s32 $0xFFFFE000  }
0x12c: {  	[tilespmem:s13], [sflag:$0x1] =	stream.indirect.gather [spmem:s3], $0x40, s24, s21, $0xb8;
	[tilespmem:$0x19000] =	vst v63  }
0x12d: {  	_ = 	snop  }
0x12e: {  	[spmem:s1] =	stream.indirect.scatter.add.f32 [tilespmem:s22], [sflag:$0x3], $0x40, s25, s21, $0xb8;
	[tilespmem:$0x19000] =	vst v63  }
0x12f: {  	_ =	swait.ge [sflag:s14], $0x2000  }
0x130: {  	[sflag:s14] =	ssyncset.done $0x0  }
0x131: {  	[sflag:s14] =	ssyncadd.s32 $0xFFFFE000  }
0x132: {  	_ =	swait.ge [sflag:s17], $0x2000  }
0x133: {  	[sflag:s17] =	ssyncset.done $0x0  }
0x134: {  	[sflag:s17] =	ssyncadd.s32 $0xFFFFE000  }
0x135: {  	[tilespmem:s22], [sflag:$0x2] =	stream.indirect.gather [spmem:s3], $0x40, s26, s21, $0xb8;
	[tilespmem:$0x19000] =	vst v63  }
0x136: {  	_ = 	snop  }
0x137: {  	[spmem:s1] =	stream.indirect.scatter.add.f32 [tilespmem:s13], [sflag:$0x3], $0x40, s28, s21, $0xb8;
	[tilespmem:$0x19000] =	vst v63  }
0x138: {  	_ =	swait.ge [sflag:s14], $0x2000  }
0x139: {  	[sflag:s14] =	ssyncset.done $0x0  }
0x13a: {  	[sflag:s14] =	ssyncadd.s32 $0xFFFFE000  }
0x13b: {  	_ =	swait.ge [sflag:s23], $0x2000  }
0x13c: {  	[sflag:s23] =	ssyncset.done $0x0  }
0x13d: {  	[sflag:s23] =	ssyncadd.s32 $0xFFFFE000  }
0x13e: {  	[tilespmem:s13], [sflag:$0x1] =	stream.indirect.gather [spmem:s3], $0x40, s29, s21, $0xb8;
	[tilespmem:$0x19000] =	vst v63  }
0x13f: {  	_ = 	snop  }
0x140: {  	[spmem:s1] =	stream.indirect.scatter.add.f32 [tilespmem:s22], [sflag:$0x3], $0x40, s30, s21, $0xb8;
	[tilespmem:$0x19000] =	vst v63  }
0x141: {  	_ =	swait.ge [sflag:s14], $0x2000  }
0x142: {  	[sflag:s14] =	ssyncset.done $0x0  }
0x143: {  	[sflag:s14] =	ssyncadd.s32 $0xFFFFE000  }
0x144: {  	_ =	swait.ge [sflag:s17], $0x2000  }
0x145: {  	[sflag:s17] =	ssyncset.done $0x0  }
0x146: {  	[sflag:s17] =	ssyncadd.s32 $0xFFFFE000  }
0x147: {  	[tilespmem:s22], [sflag:$0x2] =	stream.indirect.gather [spmem:s3], $0x40, s31, s21, $0xb8;
	[tilespmem:$0x19000] =	vst v63  }
0x148: {  	_ = 	snop  }
0x149: {  	[spmem:s1] =	stream.indirect.scatter.add.f32 [tilespmem:s13], [sflag:$0x3], $0x40, s0, s21, $0xb8;
	[tilespmem:$0x19000] =	vst v63  }
0x14a: {  	_ =	swait.ge [sflag:s14], $0x2000  }
0x14b: {  	[sflag:s14] =	ssyncset.done $0x0  }
0x14c: {  	[sflag:s14] =	ssyncadd.s32 $0xFFFFE000  }
0x14d: {  	_ =	swait.ge [sflag:s23], $0x2000  }
0x14e: {  	[sflag:s23] =	ssyncset.done $0x0  }
0x14f: {  	[sflag:s23] =	ssyncadd.s32 $0xFFFFE000  }
0x150: {  	[tilespmem:s13], [sflag:$0x1] =	stream.indirect.gather [spmem:s3], $0x40, s2, s21, $0xb8;
	[tilespmem:$0x19000] =	vst v63  }
0x151: {  	_ = 	snop  }
0x152: {  	[spmem:s1] =	stream.indirect.scatter.add.f32 [tilespmem:s22], [sflag:$0x3], $0x40, s6, s21, $0xb8;
	[tilespmem:$0x19000] =	vst v63  }
0x153: {  	_ =	swait.ge [sflag:s14], $0x2000  }
0x154: {  	[sflag:s14] =	ssyncset.done $0x0  }
0x155: {  	[sflag:s14] =	ssyncadd.s32 $0xFFFFE000  }
0x156: {  	_ =	swait.ge [sflag:s17], $0x2000  }
0x157: {  	[sflag:s17] =	ssyncset.done $0x0  }
0x158: {  	[sflag:s17] =	ssyncadd.s32 $0xFFFFE000  }
0x159: {  	[tilespmem:s22], [sflag:$0x2] =	stream.indirect.gather [spmem:s3], $0x40, s7, s21, $0xb8;
	[tilespmem:$0x19000] =	vst v63  }
0x15a: {  	_ = 	snop  }
0x15b: {  	[spmem:s1] =	stream.indirect.scatter.add.f32 [tilespmem:s13], [sflag:$0x3], $0x40, s8, s21, $0xb8;
	[tilespmem:$0x19000] =	vst v63  }
0x15c: {  	_ =	swait.ge [sflag:s14], $0x2000  }
0x15d: {  	[sflag:s14] =	ssyncset.done $0x0  }
0x15e: {  	[sflag:s14] =	ssyncadd.s32 $0xFFFFE000  }
0x15f: {  	_ =	swait.ge [sflag:s23], $0x2000  }
0x160: {  	[sflag:s23] =	ssyncset.done $0x0  }
0x161: {  	[sflag:s23] =	ssyncadd.s32 $0xFFFFE000  }
0x162: {  	[tilespmem:s13], [sflag:$0x1] =	stream.indirect.gather [spmem:s3], $0x40, s9, s21, $0xb8;
	[tilespmem:$0x19000] =	vst v63  }
0x163: {  	_ = 	snop  }
0x164: {  	[spmem:s1] =	stream.indirect.scatter.add.f32 [tilespmem:s22], [sflag:$0x3], $0x40, s10, s21, $0xb8;
	[tilespmem:$0x19000] =	vst v63  }
0x165: {  	_ =	swait.ge [sflag:s14], $0x2000  }
0x166: {  	[sflag:s14] =	ssyncset.done $0x0  }
0x167: {  	[sflag:s14] =	ssyncadd.s32 $0xFFFFE000  }
0x168: {  	_ =	swait.ge [sflag:s17], $0x2000  }
0x169: {  	[sflag:s17] =	ssyncset.done $0x0  }
0x16a: {  	[sflag:s17] =	ssyncadd.s32 $0xFFFFE000  }
0x16b: {  	[tilespmem:s22], [sflag:$0x2] =	stream.indirect.gather [spmem:s3], $0x40, s11, s21, $0xb8;
	[tilespmem:$0x19000] =	vst v63  }
0x16c: {  	_ = 	snop  }
0x16d: {  	[spmem:s1] =	stream.indirect.scatter.add.f32 [tilespmem:s13], [sflag:$0x3], $0x40, s12, s21, $0xb8;
	[tilespmem:$0x19000] =	vst v63  }
0x16e: {  	_ =	swait.ge [sflag:s14], $0x2000  }
0x16f: {  	[sflag:s14] =	ssyncset.done $0x0  }
0x170: {  	[sflag:s14] =	ssyncadd.s32 $0xFFFFE000  }
0x171: {  	p0 =	sne.s32 s5, $0x900;
	_ =	swait.ge [sflag:s23], $0x2000  }
.Ltmp1:
0x172: {  	[sflag:s23] =	ssyncset.done $0x0;
	(pc) =	sbr.rel @p0 .LBB2_4-.Ltmp1, $4  }
0x173: {  	[sflag:s23] =	ssyncadd.s32 $0xFFFFE000  }
0x174: {  	[spmem:s1] =	stream.indirect.scatter.add.f32 [tilespmem:s22], [sflag:$0x3], $0x40, s18, s21, $0xb8;
	[tilespmem:$0x19000] =	vst v63  }
0x175: {  	_ =	swait.ge [sflag:s14], $0x2000  }
0x176: {  	s5 =	sadd.s32 $0x100, s5;
	s15 =	rddreg [dreg:$0x6];
	[sflag:s14] =	ssyncset.done $0x0  }
0x177: {  	[sflag:s14] =	ssyncadd.s32 $0xFFFFE000;
	s5 =	sadd.s32 s16, s15  }
0x178: {  	[tilespmem:s4], [sflag:$0x3] =	stream.linear.gather [hbm4b:s5+s4], $0x800, $0x38;
	[tilespmem:$0x19000] =	vst v63  }
0x179: {  	_ =	swait.ge [sflag:s14], $0x800  }
0x17a: {  	s15 =	rddreg [dreg:$0x5];
	[sflag:s14] =	ssyncset.done $0x0  }
0x17b: {  	[sflag:s14] =	ssyncadd.s32 $0xFFFFF800;
	s5 =	sadd.s32 s16, s15  }
0x17c: {  	[tilespmem:s20], [sflag:$0x3] =	stream.linear.gather [hbm4b:s5+s4], $0x800, $0x38;
	[tilespmem:$0x19000] =	vst v63  }
0x17d: {  	_ =	swait.ge [sflag:s14], $0x800  }
0x17e: {  	[sflag:s14] =	ssyncset.done $0x0  }
0x17f: {  	[sflag:s14] =	ssyncadd.s32 $0xFFFFF800  }
0x180: {  	[tilespmem:s13], [sflag:$0x1] =	stream.indirect.gather [spmem:s3], $0x40, s4, s21, $0xb8;
	[tilespmem:$0x19000] =	vst v63  }
0x181: {  	_ =	swait.ge [sflag:s17], $0x2000  }
0x182: {  	[sflag:s17] =	ssyncset.done $0x0  }
0x183: {  	[sflag:s17] =	ssyncadd.s32 $0xFFFFE000  }
0x184: {  	[tilespmem:s22], [sflag:$0x2] =	stream.indirect.gather [spmem:s3], $0x40, s21, s21, $0xb8;
	[tilespmem:$0x19000] =	vst v63  }
0x185: {  	_ = 	snop  }
0x186: {  	[spmem:s1] =	stream.indirect.scatter.add.f32 [tilespmem:s13], [sflag:$0x3], $0x40, s20, s21, $0xb8;
	[tilespmem:$0x19000] =	vst v63  }
0x187: {  	_ =	swait.ge [sflag:s14], $0x2000  }
0x188: {  	[sflag:s14] =	ssyncset.done $0x0  }
0x189: {  	[sflag:s14] =	ssyncadd.s32 $0xFFFFE000  }
0x18a: {  	_ =	swait.ge [sflag:s23], $0x2000  }
0x18b: {  	[sflag:s23] =	ssyncset.done $0x0  }
0x18c: {  	s16 =	rddreg [dreg:$0x7];
	[sflag:s23] =	ssyncadd.s32 $0xFFFFE000  }
0x18d: {  	[tilespmem:s13], [sflag:$0x1] =	stream.indirect.gather [spmem:s3], $0x40, s16, s21, $0xb8;
	[tilespmem:$0x19000] =	vst v63  }
0x18e: {  	s19 =	rddreg [dreg:$0x8]  }
0x18f: {  	[spmem:s1] =	stream.indirect.scatter.add.f32 [tilespmem:s22], [sflag:$0x3], $0x40, s19, s21, $0xb8;
	[tilespmem:$0x19000] =	vst v63  }
0x190: {  	_ =	swait.ge [sflag:s14], $0x2000  }
0x191: {  	[sflag:s14] =	ssyncset.done $0x0  }
0x192: {  	[sflag:s14] =	ssyncadd.s32 $0xFFFFE000  }
0x193: {  	_ =	swait.ge [sflag:s17], $0x2000  }
0x194: {  	[sflag:s17] =	ssyncset.done $0x0  }
0x195: {  	s16 =	rddreg [dreg:$0x9];
	[sflag:s17] =	ssyncadd.s32 $0xFFFFE000  }
0x196: {  	[tilespmem:s22], [sflag:$0x2] =	stream.indirect.gather [spmem:s3], $0x40, s16, s21, $0xb8;
	[tilespmem:$0x19000] =	vst v63  }
0x197: {  	s19 =	rddreg [dreg:$0xa]  }
0x198: {  	[spmem:s1] =	stream.indirect.scatter.add.f32 [tilespmem:s13], [sflag:$0x3], $0x40, s19, s21, $0xb8;
	[tilespmem:$0x19000] =	vst v63  }
0x199: {  	_ =	swait.ge [sflag:s14], $0x2000  }
0x19a: {  	[sflag:s14] =	ssyncset.done $0x0  }
0x19b: {  	[sflag:s14] =	ssyncadd.s32 $0xFFFFE000  }
0x19c: {  	_ =	swait.ge [sflag:s23], $0x2000  }
0x19d: {  	[sflag:s23] =	ssyncset.done $0x0  }
0x19e: {  	s16 =	rddreg [dreg:$0xb];
	[sflag:s23] =	ssyncadd.s32 $0xFFFFE000  }
0x19f: {  	[tilespmem:s13], [sflag:$0x1] =	stream.indirect.gather [spmem:s3], $0x40, s16, s21, $0xb8;
	[tilespmem:$0x19000] =	vst v63  }
0x1a0: {  	s19 =	rddreg [dreg:$0xc]  }
0x1a1: {  	[spmem:s1] =	stream.indirect.scatter.add.f32 [tilespmem:s22], [sflag:$0x3], $0x40, s19, s21, $0xb8;
	[tilespmem:$0x19000] =	vst v63  }
0x1a2: {  	_ =	swait.ge [sflag:s14], $0x2000  }
0x1a3: {  	[sflag:s14] =	ssyncset.done $0x0  }
0x1a4: {  	[sflag:s14] =	ssyncadd.s32 $0xFFFFE000  }
0x1a5: {  	_ =	swait.ge [sflag:s17], $0x2000  }
0x1a6: {  	[sflag:s17] =	ssyncset.done $0x0  }
0x1a7: {  	s16 =	rddreg [dreg:$0xd];
	[sflag:s17] =	ssyncadd.s32 $0xFFFFE000  }
0x1a8: {  	[tilespmem:s22], [sflag:$0x2] =	stream.indirect.gather [spmem:s3], $0x40, s16, s21, $0xb8;
	[tilespmem:$0x19000] =	vst v63  }
0x1a9: {  	s19 =	rddreg [dreg:$0xe]  }
0x1aa: {  	[spmem:s1] =	stream.indirect.scatter.add.f32 [tilespmem:s13], [sflag:$0x3], $0x40, s19, s21, $0xb8;
	[tilespmem:$0x19000] =	vst v63  }
0x1ab: {  	_ =	swait.ge [sflag:s14], $0x2000  }
0x1ac: {  	[sflag:s14] =	ssyncset.done $0x0  }
0x1ad: {  	[sflag:s14] =	ssyncadd.s32 $0xFFFFE000  }
0x1ae: {  	_ =	swait.ge [sflag:s23], $0x2000  }
0x1af: {  	[sflag:s23] =	ssyncset.done $0x0  }
0x1b0: {  	s16 =	rddreg [dreg:$0xf];
	[sflag:s23] =	ssyncadd.s32 $0xFFFFE000  }
0x1b1: {  	[tilespmem:s13], [sflag:$0x1] =	stream.indirect.gather [spmem:s3], $0x40, s16, s21, $0xb8;
	[tilespmem:$0x19000] =	vst v63  }
0x1b2: {  	s19 =	rddreg [dreg:$0x10]  }
0x1b3: {  	[spmem:s1] =	stream.indirect.scatter.add.f32 [tilespmem:s22], [sflag:$0x3], $0x40, s19, s21, $0xb8;
	[tilespmem:$0x19000] =	vst v63  }
0x1b4: {  	_ =	swait.ge [sflag:s14], $0x2000  }
0x1b5: {  	[sflag:s14] =	ssyncset.done $0x0  }
0x1b6: {  	[sflag:s14] =	ssyncadd.s32 $0xFFFFE000  }
0x1b7: {  	_ =	swait.ge [sflag:s17], $0x2000  }
0x1b8: {  	[sflag:s17] =	ssyncset.done $0x0  }
0x1b9: {  	s16 =	rddreg [dreg:$0x11];
	[sflag:s17] =	ssyncadd.s32 $0xFFFFE000  }
0x1ba: {  	[tilespmem:s22], [sflag:$0x2] =	stream.indirect.gather [spmem:s3], $0x40, s16, s21, $0xb8;
	[tilespmem:$0x19000] =	vst v63  }
0x1bb: {  	s19 =	rddreg [dreg:$0x12]  }
0x1bc: {  	[spmem:s1] =	stream.indirect.scatter.add.f32 [tilespmem:s13], [sflag:$0x3], $0x40, s19, s21, $0xb8;
	[tilespmem:$0x19000] =	vst v63  }
0x1bd: {  	_ =	swait.ge [sflag:s14], $0x2000  }
0x1be: {  	[sflag:s14] =	ssyncset.done $0x0  }
0x1bf: {  	[sflag:s14] =	ssyncadd.s32 $0xFFFFE000  }
0x1c0: {  	_ =	swait.ge [sflag:s23], $0x2000  }
0x1c1: {  	[sflag:s23] =	ssyncset.done $0x0  }
0x1c2: {  	[sflag:s23] =	ssyncadd.s32 $0xFFFFE000  }
0x1c3: {  	[tilespmem:s13], [sflag:$0x1] =	stream.indirect.gather [spmem:s3], $0x40, s24, s21, $0xb8;
	[tilespmem:$0x19000] =	vst v63  }
0x1c4: {  	_ = 	snop  }
0x1c5: {  	[spmem:s1] =	stream.indirect.scatter.add.f32 [tilespmem:s22], [sflag:$0x3], $0x40, s25, s21, $0xb8;
	[tilespmem:$0x19000] =	vst v63  }
0x1c6: {  	_ =	swait.ge [sflag:s14], $0x2000  }
0x1c7: {  	[sflag:s14] =	ssyncset.done $0x0  }
0x1c8: {  	[sflag:s14] =	ssyncadd.s32 $0xFFFFE000  }
0x1c9: {  	_ =	swait.ge [sflag:s17], $0x2000  }
0x1ca: {  	[sflag:s17] =	ssyncset.done $0x0  }
0x1cb: {  	[sflag:s17] =	ssyncadd.s32 $0xFFFFE000  }
0x1cc: {  	[tilespmem:s22], [sflag:$0x2] =	stream.indirect.gather [spmem:s3], $0x40, s26, s21, $0xb8;
	[tilespmem:$0x19000] =	vst v63  }
0x1cd: {  	_ = 	snop  }
0x1ce: {  	[spmem:s1] =	stream.indirect.scatter.add.f32 [tilespmem:s13], [sflag:$0x3], $0x40, s28, s21, $0xb8;
	[tilespmem:$0x19000] =	vst v63  }
0x1cf: {  	_ =	swait.ge [sflag:s14], $0x2000  }
0x1d0: {  	[sflag:s14] =	ssyncset.done $0x0  }
0x1d1: {  	[sflag:s14] =	ssyncadd.s32 $0xFFFFE000  }
0x1d2: {  	_ =	swait.ge [sflag:s23], $0x2000  }
0x1d3: {  	[sflag:s23] =	ssyncset.done $0x0  }
0x1d4: {  	[sflag:s23] =	ssyncadd.s32 $0xFFFFE000  }
0x1d5: {  	[tilespmem:s13], [sflag:$0x1] =	stream.indirect.gather [spmem:s3], $0x40, s29, s21, $0xb8;
	[tilespmem:$0x19000] =	vst v63  }
0x1d6: {  	_ = 	snop  }
0x1d7: {  	[spmem:s1] =	stream.indirect.scatter.add.f32 [tilespmem:s22], [sflag:$0x3], $0x40, s30, s21, $0xb8;
	[tilespmem:$0x19000] =	vst v63  }
0x1d8: {  	_ =	swait.ge [sflag:s14], $0x2000  }
0x1d9: {  	[sflag:s14] =	ssyncset.done $0x0  }
0x1da: {  	[sflag:s14] =	ssyncadd.s32 $0xFFFFE000  }
0x1db: {  	_ =	swait.ge [sflag:s17], $0x2000  }
0x1dc: {  	[sflag:s17] =	ssyncset.done $0x0  }
0x1dd: {  	[sflag:s17] =	ssyncadd.s32 $0xFFFFE000  }
0x1de: {  	[tilespmem:s22], [sflag:$0x2] =	stream.indirect.gather [spmem:s3], $0x40, s31, s21, $0xb8;
	[tilespmem:$0x19000] =	vst v63  }
0x1df: {  	_ = 	snop  }
0x1e0: {  	[spmem:s1] =	stream.indirect.scatter.add.f32 [tilespmem:s13], [sflag:$0x3], $0x40, s0, s21, $0xb8;
	[tilespmem:$0x19000] =	vst v63  }
0x1e1: {  	_ =	swait.ge [sflag:s14], $0x2000  }
0x1e2: {  	[sflag:s14] =	ssyncset.done $0x0  }
0x1e3: {  	[sflag:s14] =	ssyncadd.s32 $0xFFFFE000  }
0x1e4: {  	_ =	swait.ge [sflag:s23], $0x2000  }
0x1e5: {  	[sflag:s23] =	ssyncset.done $0x0  }
0x1e6: {  	[sflag:s23] =	ssyncadd.s32 $0xFFFFE000  }
0x1e7: {  	[tilespmem:s13], [sflag:$0x1] =	stream.indirect.gather [spmem:s3], $0x40, s2, s21, $0xb8;
	[tilespmem:$0x19000] =	vst v63  }
0x1e8: {  	_ = 	snop  }
0x1e9: {  	[spmem:s1] =	stream.indirect.scatter.add.f32 [tilespmem:s22], [sflag:$0x3], $0x40, s6, s21, $0xb8;
	[tilespmem:$0x19000] =	vst v63  }
0x1ea: {  	_ =	swait.ge [sflag:s14], $0x2000  }
0x1eb: {  	[sflag:s14] =	ssyncset.done $0x0  }
0x1ec: {  	[sflag:s14] =	ssyncadd.s32 $0xFFFFE000  }
0x1ed: {  	_ =	swait.ge [sflag:s17], $0x2000  }
0x1ee: {  	[sflag:s17] =	ssyncset.done $0x0  }
0x1ef: {  	[sflag:s17] =	ssyncadd.s32 $0xFFFFE000  }
0x1f0: {  	[tilespmem:s22], [sflag:$0x2] =	stream.indirect.gather [spmem:s3], $0x40, s7, s21, $0xb8;
	[tilespmem:$0x19000] =	vst v63  }
0x1f1: {  	_ = 	snop  }
0x1f2: {  	[spmem:s1] =	stream.indirect.scatter.add.f32 [tilespmem:s13], [sflag:$0x3], $0x40, s8, s21, $0xb8;
	[tilespmem:$0x19000] =	vst v63  }
0x1f3: {  	_ =	swait.ge [sflag:s14], $0x2000  }
0x1f4: {  	[sflag:s14] =	ssyncset.done $0x0  }
0x1f5: {  	[sflag:s14] =	ssyncadd.s32 $0xFFFFE000  }
0x1f6: {  	_ =	swait.ge [sflag:s23], $0x2000  }
0x1f7: {  	[sflag:s23] =	ssyncset.done $0x0  }
0x1f8: {  	[sflag:s23] =	ssyncadd.s32 $0xFFFFE000  }
0x1f9: {  	[tilespmem:s13], [sflag:$0x1] =	stream.indirect.gather [spmem:s3], $0x40, s9, s21, $0xb8;
	[tilespmem:$0x19000] =	vst v63  }
0x1fa: {  	_ = 	snop  }
0x1fb: {  	[spmem:s1] =	stream.indirect.scatter.add.f32 [tilespmem:s22], [sflag:$0x3], $0x40, s10, s21, $0xb8;
	[tilespmem:$0x19000] =	vst v63  }
0x1fc: {  	_ =	swait.ge [sflag:s14], $0x2000  }
0x1fd: {  	[sflag:s14] =	ssyncset.done $0x0  }
0x1fe: {  	[sflag:s14] =	ssyncadd.s32 $0xFFFFE000  }
0x1ff: {  	_ =	swait.ge [sflag:s17], $0x2000  }
0x200: {  	[sflag:s17] =	ssyncset.done $0x0  }
0x201: {  	[sflag:s17] =	ssyncadd.s32 $0xFFFFE000  }
0x202: {  	[tilespmem:s22], [sflag:$0x2] =	stream.indirect.gather [spmem:s3], $0x40, s11, s21, $0xb8;
	[tilespmem:$0x19000] =	vst v63  }
0x203: {  	_ = 	snop  }
0x204: {  	[spmem:s1] =	stream.indirect.scatter.add.f32 [tilespmem:s13], [sflag:$0x3], $0x40, s12, s21, $0xb8;
	[tilespmem:$0x19000] =	vst v63  }
0x205: {  	_ =	swait.ge [sflag:s14], $0x2000  }
0x206: {  	[sflag:s14] =	ssyncset.done $0x0  }
0x207: {  	[sflag:s14] =	ssyncadd.s32 $0xFFFFE000  }
0x208: {  	_ =	swait.ge [sflag:s23], $0x2000  }
0x209: {  	[sflag:s23] =	ssyncset.done $0x0  }
0x20a: {  	[sflag:s23] =	ssyncadd.s32 $0xFFFFE000  }
0x20b: {  	[spmem:s1] =	stream.indirect.scatter.add.f32 [tilespmem:s22], [sflag:$0x3], $0x40, s18, s21, $0xb8;
	[tilespmem:$0x19000] =	vst v63  }
0x20c: {  	_ =	swait.ge [sflag:s14], $0x2000  }
0x20d: {  	[sflag:s14] =	ssyncset.done $0x0  }
0x20e: {  	[sflag:s14] =	ssyncadd.s32 $0xFFFFE000  }
0x20f: {  	[bflag:$0x0] =	sbarrier.arrive $0xFFFF  }
0x210: {  	s16 =	rddreg [dreg:$0x13]  }
0x211: {  	s19 =	simm.s32 $0x8;
	s15 =	rddreg [dreg:$0x1a]  }
0x212: {  	s24 =	simm.s32 $0x10;
	s5 =	sshrl.u32 s16, $0x3;
	s16 =	rddreg [dreg:$0x1b]  }
0x213: {  	[hbm:s15@s24], [sflag:s16] =	dma.strided [spmem:s5@s19], $0x1400, s17, $0x8   }
0x214: {  	_ =	swait.ge [sflag:s14], $0x1400  }
0x215: {  	s19 =	rddreg [dreg:$0x1d]  }
0x216: {  	s24 =	rddreg [dreg:$0x18];
	s15 =	sadd.s32 $0x1, s19  }
0x217: {  	p0 =	sne.s32 s15, s24  }
.Ltmp2:
0x218: {  	_ = 	snop;
	(pc) =	sbr.rel @p0 .LBB2_1-.Ltmp2, $3  }
0x219: {  	_ =	sdelay $0x1  }
0x21a: {  	[sflag:s14] =	ssyncset.done $0x0  }
0x21b: {  	[sflag:s14] =	ssyncadd.s32 $0xFFFFEC00  }
0x21c: {  	_ =	sfence.sel $0x180000  }
0x21d: {  	[bflag:$0x0] =	sbarrier.arrive $0xFFFF  }
0x21e: {  	_ =	strace $0x9000004D  }
0x21f: {  	s0 =	stileid.u32;
	[bflag:$0x2] =	sbarrier.arrive $0xFFFF  }
0x220: {  	p0 =	sne.s32 s0, $0x0;
	s0 =	rddreg [dreg:$0x4]  }
0x221: {  	s0 =	sadd.s32 @!p0 $0x100000, s0  }
0x222: {  	[sflag:s0] =	ssyncadd.tile.s32 @!p0 $0x1;
	_ =	shalt  }
.Lfunc_end2:
_tile_overlayer_lowered:
.L_overlay_start_2:
0x223: {  	(tag) =	ssettag $0x2  }
0x224: {  	s0 =	rddreg [dreg:$0x0];
	s2 =	stileid.u32  }
0x225: {  	s1 =	rddreg [dreg:$0x1];
	p0 =	sne.s32 s2, $0x0  }
0x226: {  	s3 =	rddreg [dreg:$0x2];
	[bflag:$0x3] =	sbarrier.arrive $0xFFFF;
	s2 =	simm.s32 @!p0 $0x1C03  }
0x227: {  	[timem:s3], [sflag:s2] =	dma.local @!p0 [hbm:s0], s1  }
0x228: {  	s0 =	simm.s32 @!p0 $0x3  }
0x229: {  	_ =	swait.ge @!p0 [sflag:s0], s1  }
0x22a: {  	s1 =	ssub.s32 @!p0 $0x0, s1;
	[sflag:s0] =	ssyncset.done @!p0 $0x0  }
0x22b: {  	[sflag:s0] =	ssyncadd.s32 @!p0 s1  }
0x22c: {  	[bflag:$0x3] =	sbarrier.arrive $0xFFFF  }
0x22d: {  	_ =	shalt  }

// kernel: kernel.7.cloned.1.call-start
scs
__scs_entry_jumppad:
0x0: {  	(pc) =	sbr.rel $0x88, $3  }
0x1: {  	(tag) =	ssettag $0x0;
	lr =	simm.s32 $0x1  }
0x2: {  	[smem:$0x3F97] =	sst lr;
	_ =	strace $0xD0000000  }
0x3: {  	_ = 	snop  }
0x4: {  	_ = 	snop  }
0x5: {  	_ = 	snop  }
0x6: {  	_ = 	snop  }
0x7: {  	_ = 	snop  }
__scs_overlays_trampoline_lowered:
0x8: {  	[smem:$0x3FA6] =	sst s0  }
0x9: {  	[smem:$0x3FA7] =	sst s1  }
0xa: {  	[smem:$0x3FA8] =	sst s2  }
0xb: {  	[smem:$0x3FA9] =	sst s3  }
0xc: {  	[smem:$0x3FAA] =	sst s4  }
0xd: {  	[smem:$0x3FAB] =	sst s5  }
0xe: {  	[smem:$0x3FAC] =	sst s6  }
0xf: {  	[smem:$0x3FAD] =	sst s7  }
0x10: {  	[smem:$0x3FAE] =	sst s8  }
0x11: {  	[smem:$0x3FAF] =	sst s9;
	s0 =	simm.s32 @!p0 $0x0  }
0x12: {  	s1 =	sld [smem:$0x3F95];
	s0 =	simm.s32 @p0 $0x1  }
0x13: {  	[smem:$0x3FB0] =	sst s0;
	s0 =	simm.s32 @!p1 $0x0  }
0x14: {  	s2 =	sld [smem:$0x3F94];
	s0 =	simm.s32 @p1 $0x1  }
0x15: {  	[smem:$0x3FB1] =	sst s0;
	s0 =	simm.s32 @!p2 $0x0  }
0x16: {  	s3 =	sld [smem:$0x3FDB];
	s0 =	simm.s32 @p2 $0x1  }
0x17: {  	s4 =	simm.s32 $0x1BF5;
	[smem:$0x3FB3] =	sst s0  }
0x18: {  	s0 =	sld [smem:$0x3F96];
	_ =	swait.ge [sflag:s4], $0x0  }
0x19: {  	s7 =	sld [smem:$0x3F97]  }
0x1a: {  	s8 =	sadd.s32 $0xFFFFE003, lr  }
0x1b: {  	s9 =	sadd.s32 $0xFFFFFEF7, lr;
	s5 =	simm.s32 $0xFFFFFFFF;
	p2 =	slt.u32 s8, $0xFFFFF086  }
0x1c: {  	p1 =	slt.u32 s9, $0xF7A;
	s5 =	simm.s32 @!p2 $0x0  }
0x1d: {  	s5 =	simm.s32 @p1 $0x1;
	p0 =	seq.s32 s7, s2  }
0x1e: {  	s7 =	smul.u32 @!p0 $0xF7A, s2;
	p2 =	seq.s32 @!p0 s5, $0x0  }
0x1f: {  	s9 =	smul.u32 $0xF7A, s1;
	s8 =	simm.s32 @!p0 $0x1BF5;
	p2 =	por !p2, p0  }
0x20: {  	[sflag:s8] =	ssyncset.s32 @!p0 $0xFFFFF086;
	s6 =	sadd.s32 @!p0 s3, s7;
	s7 =	simm.s32 @!p0 $0x108  }
0x21: {  	s3 =	sadd.s32 s3, s9;
	s6 =	sadd.s32 @!p0 $0x88, s6;
	s7 =	simm.s32 @p2 $0x1082  }
0x22: {  	[simem:s7], [sflag:s8] =	dma.local @!p0 [hbm:s6], $0xF7A  }
0x23: {  	s9 =	sor.u32 $0xD0000000, s2;
	s6 =	simm.s32 $0x108;
	_ =	swait.ge @!p0 [sflag:s8], $0x0  }
0x24: {  	s3 =	sadd.s32 $0x88, s3;
	s6 =	simm.s32 @!p1 $0x1082;
	[sflag:s4] =	ssyncset.s32 $0xFFFFF086  }
0x25: {  	[simem:s6], [sflag:s4] =	dma.local [hbm:s3], $0xF7A  }
0x26: {  	[smem:$0x3F97] =	sst s1;
	(tag) =	ssettag s2;
	_ =	strace s9  }
0x27: {  	s1 =	sld [smem:$0x3FA7]  }
0x28: {  	s2 =	sld [smem:$0x3FA8]  }
0x29: {  	s4 =	sld [smem:$0x3FAA]  }
0x2a: {  	p0 =	seq.s32 s5, $0x0;
	s5 =	sld [smem:$0x3FAB]  }
0x2b: {  	s6 =	sld [smem:$0x3FAC]  }
0x2c: {  	s7 =	sld [smem:$0x3FAD]  }
0x2d: {  	s3 =	simm.s32 $0x108;
	s8 =	sld [smem:$0x3FAE]  }
0x2e: {  	s3 =	simm.s32 @!p0 $0x1082;
	s9 =	sld [smem:$0x3FAF]  }
0x2f: {  	lr =	sadd.s32 s0, s3;
	s0 =	sld [smem:$0x3FA6]  }
0x30: {  	s3 =	sld [smem:$0x3FA9]  }
0x31: {  	[smem:$0x3FB2] =	sst s10  }
0x32: {  	s10 =	sld [smem:$0x3FB0];
	_ =	sdelay $0x3  }
0x33: {  	p0 =	seq.s32 s10, $0x1;
	s10 =	sld [smem:$0x3FB2];
	_ =	sdelay $0x3  }
0x34: {  	[smem:$0x3FB2] =	sst s10  }
0x35: {  	s10 =	sld [smem:$0x3FB1];
	_ =	sdelay $0x3  }
0x36: {  	p1 =	seq.s32 s10, $0x1;
	s10 =	sld [smem:$0x3FB2];
	_ =	sdelay $0x3  }
0x37: {  	[smem:$0x3FB2] =	sst s10  }
0x38: {  	s10 =	sld [smem:$0x3FB3]  }
0x39: {  	_ = 	snop;
	(pc) =	sbr.ind lr, $3  }
0x3a: {  	_ = 	snop  }
0x3b: {  	_ = 	snop  }
0x3c: {  	p2 =	seq.s32 s10, $0x1;
	s10 =	sld [smem:$0x3FB2]  }
0x3d: {  	_ =	shalt  }
0x3e: {  	_ =	shalt  }
0x3f: {  	_ =	shalt  }
0x40: {  	_ =	shalt  }
0x41: {  	_ =	shalt  }
0x42: {  	_ =	shalt  }
0x43: {  	_ =	shalt  }
0x44: {  	_ =	shalt  }
0x45: {  	_ =	shalt  }
0x46: {  	_ =	shalt  }
0x47: {  	_ =	shalt  }
0x48: {  	_ =	shalt  }
0x49: {  	_ =	shalt  }
0x4a: {  	_ =	shalt  }
0x4b: {  	_ =	shalt  }
0x4c: {  	_ =	shalt  }
0x4d: {  	_ =	shalt  }
0x4e: {  	_ =	shalt  }
0x4f: {  	_ =	shalt  }
0x50: {  	_ =	shalt  }
0x51: {  	_ =	shalt  }
0x52: {  	_ =	shalt  }
0x53: {  	_ =	shalt  }
0x54: {  	_ =	shalt  }
0x55: {  	_ =	shalt  }
0x56: {  	_ =	shalt  }
0x57: {  	_ =	shalt  }
0x58: {  	_ =	shalt  }
0x59: {  	_ =	shalt  }
0x5a: {  	_ =	shalt  }
0x5b: {  	_ =	shalt  }
0x5c: {  	_ =	shalt  }
0x5d: {  	_ =	shalt  }
0x5e: {  	_ =	shalt  }
0x5f: {  	_ =	shalt  }
0x60: {  	_ =	shalt  }
0x61: {  	_ =	shalt  }
0x62: {  	_ =	shalt  }
0x63: {  	_ =	shalt  }
0x64: {  	_ =	shalt  }
0x65: {  	_ =	shalt  }
0x66: {  	_ =	shalt  }
0x67: {  	_ =	shalt  }
0x68: {  	_ =	shalt  }
0x69: {  	_ =	shalt  }
0x6a: {  	_ =	shalt  }
0x6b: {  	_ =	shalt  }
0x6c: {  	_ =	shalt  }
0x6d: {  	_ =	shalt  }
0x6e: {  	_ =	shalt  }
0x6f: {  	_ =	shalt  }
0x70: {  	_ =	shalt  }
0x71: {  	_ =	shalt  }
0x72: {  	_ =	shalt  }
0x73: {  	_ =	shalt  }
0x74: {  	_ =	shalt  }
0x75: {  	_ =	shalt  }
0x76: {  	_ =	shalt  }
0x77: {  	_ =	shalt  }
0x78: {  	_ =	shalt  }
0x79: {  	_ =	shalt  }
0x7a: {  	_ =	shalt  }
0x7b: {  	_ =	shalt  }
0x7c: {  	_ =	shalt  }
0x7d: {  	_ =	shalt  }
0x7e: {  	_ =	shalt  }
0x7f: {  	_ =	shalt  }
0x80: {  	_ =	shalt  }
0x81: {  	_ =	shalt  }
0x82: {  	_ =	shalt  }
0x83: {  	_ =	shalt  }
0x84: {  	_ =	shalt  }
0x85: {  	_ =	shalt  }
0x86: {  	_ =	shalt  }
0x87: {  	_ =	shalt  }
.Lfunc_end0:
.L_simem_size_0:
called_computation_lowered:
.L_overlay_start_0:
0x88: {  	s2 =	sld [smem:$0x3FD9]  }
0x89: {  	s3 =	sld [smem:$0x3FFE];
	_ =	sdelay $0x1  }
0x8a: {  	s1 =	srdreg.scid  }
0x8b: {  	s0 =	sand.u32 $0x1, s1  }
0x8c: {  	s17 =	sshll.u32 s0, $0xA;
	s2 =	sadd.s32 s3, s2  }
0x8d: {  	s2 =	sadd.s32 s2, s17  }
0x8e: {  	[smem:$0x3FBE] =	sst s2  }
0x8f: {  	_ = 	snop  }
0x90: {  	s18 =	sld [smem:$0x3FD0];
	(tm) =	ssettm $0x1  }
0x91: {  	s19 =	sld [smem:$0x3FFB];
	_ =	sdelay $0x3  }
0x92: {  	_ =	strace s19  }
0x93: {  	s2 =	sld [smem:$0x3FFC];
	_ =	sdelay $0x3  }
0x94: {  	_ =	strace s2  }
0x95: {  	s2 =	sld [smem:$0x3FFD];
	_ =	sdelay $0x3  }
0x96: {  	_ =	strace s2  }
0x97: {  	_ =	strace $0x8FFFFFFF  }
0x98: {  	s20 =	sld [smem:$0x3FDB];
	_ =	sdelay $0x1  }
0x99: {  	s4 =	simm.s32 $_scs_section_size  }
0x9a: {  	s5 =	simm.s32 $_size__tile_overlayer_lowered;
	s6 =	simm.s32 $_tile_overlayer_lowered  }
0x9b: {  	s7 =	simm.s32 $0x1BFF;
	s21 =	sshll.u32 s6, $0x1;
	s4 =	sadd.s32 s4, s20  }
0x9c: {  	s22 =	simm.s32 $0x0;
	s5 =	sshll.u32 s5, $0x1;
	s6 =	sadd.s32 s21, s4  }
0x9d: {  	[timem:s22], [sflag:s7] =	dma.local [hbm:s6], s5  }
0x9e: {  	_ =	swait.ge [sflag:s7], s5  }
0x9f: {  	s5 =	ssub.s32 $0x0, s5;
	[sflag:s7] =	ssyncset.done $0x0  }
0xa0: {  	[sflag:s7] =	ssyncadd.s32 s5;
	_ =	sdelay $0x1  }
0xa1: {  	s23 =	simm.s32 $0x1B8B  }
0xa2: {  	_ =	swait.ge [sflag:s23], $0x1  }
0xa3: {  	[sflag:s23] =	ssyncset.done $0x0  }
0xa4: {  	[sflag:s23] =	ssyncadd.s32 $0xFFFFFFFF  }
0xa5: {  	s5 =	sld [smem:$0x0]  }
0xa6: {  	s6 =	sand.u32 $0xFFFFFFFE, s1  }
0xa7: {  	p0 =	sne.s32 s1, s6  }
0xa8: {  	s6 =	sshll.u32 @p0 s6, $0xE  }
0xa9: {  	s6 =	sadd.s32 @p0 $0x11B8D, s6;
	s7 =	sshll.u32 @p0 s5, $0x11  }
0xaa: {  	s6 =	sor.u32 @p0 s7, s6  }
0xab: {  	[sflag:s6] =	ssyncadd.remote.s32 @p0 $0x1;
	_ =	sdelay $0x1  }
0xac: {  	s6 =	simm.s32 @p0 $0x1B8D  }
0xad: {  	_ =	swait.eq @p0 [sflag:s6], $0x1  }
0xae: {  	[sflag:s6] =	ssyncadd.s32 @p0 $0xFFFFFFFF  }
0xaf: {  	s7 =	sshll.u32 @!p0 s1, $0xE  }
0xb0: {  	s7 =	sor.u32 @!p0 $0x4000, s7;
	s6 =	simm.s32 @!p0 $0x1B8D  }
0xb1: {  	s5 =	sshll.u32 @!p0 s5, $0x11;
	s7 =	sadd.s32 @!p0 $0x11B8D, s7;
	_ =	swait.eq @!p0 [sflag:s6], $0x1  }
0xb2: {  	s5 =	sor.u32 @!p0 s5, s7;
	[sflag:s6] =	ssyncadd.s32 @!p0 $0xFFFFFFFF  }
0xb3: {  	s25 =	simm.s32 $0x1B8E;
	s24 =	sld [smem:$0x3FFE];
	[sflag:s5] =	ssyncadd.remote.s32 @!p0 $0x1  }
0xb4: {  	s26 =	simm.s32 $execute0_lowered;
	[smem:$0x3FD2] =	sst s25  }
0xb5: {  	s6 =	sshll.u32 s26, $0x1;
	_ =	strace $0x80000049;
	[dreg:$0x1] =	wrdreg $0xFFFFFFFF  }
0xb6: {  	s28 =	simm.s32 $_size_execute0_lowered;
	s4 =	sadd.s32 s4, s6;
	[dreg:$0x0] =	wrdreg $0x0  }
0xb7: {  	s6 =	sshll.u32 s28, $0x1;
	[dreg:$0x2] =	wrdreg s4  }
0xb8: {  	[dreg:$0x3] =	wrdreg s6  }
0xb9: {  	[dreg:$0x4] =	wrdreg $0xC0  }
0xba: {  	_ =	task [dreg:s22], $0x5FFFF  }
0xbb: {  	[dreg:$0x1] =	wrdreg $0xFFFFFFFF  }
0xbc: {  	[dreg:$0x0] =	wrdreg $0x60  }
0xbd: {  	[dreg:$0x2] =	wrdreg s24  }
0xbe: {  	[dreg:$0x3] =	wrdreg s18  }
0xbf: {  	[dreg:$0x4] =	wrdreg $0xF0000  }
0xc0: {  	[dreg:$0x5] =	wrdreg $0x50000  }
0xc1: {  	[dreg:$0x6] =	wrdreg $0x9  }
0xc2: {  	_ =	task.clear_ibuf [dreg:s22], $0x7FFFF;
	_ =	strace $0x90000049  }
0xc3: {  	s29 =	simm.s32 $0x9;
	_ =	strace $0x8000004B  }
0xc4: {  	_ =	swait.ge [sflag:s29], $0x1  }
0xc5: {  	[sflag:s29] =	ssyncadd.s32 $0xFFFFFFFF  }
0xc6: {  	_ =	strace $0x9000004B  }
0xc7: {  	_ =	sfence  }
0xc8: {  	s30 =	sld [smem:$0x0];
	_ =	sdelay $0x2  }
0xc9: {  	s31 =	sshll.u32 s1, $0xD;
	s1 =	sshrl.u32 s1, $0x2  }
0xca: {  	s4 =	sand.u32 $0x4000, s31;
	s1 =	sadd.s32 s1, s30  }
0xcb: {  	s0 =	sor.u32 s4, s0;
	s1 =	sshll.u32 s1, $0x11  }
0xcc: {  	s0 =	sor.u32 s1, s0  }
0xcd: {  	s0 =	sadd.s32 $0x8F2B, s0  }
0xce: {  	[sflag:s0] =	ssyncadd.remote.s32 $0x1  }
0xcf: {  	_ =	sfence.sel $0xFFFF  }
0xd0: {  	[dreg:$0x0] =	wrdreg $0xFFFFFFFF;
	(pc) =	sbr.abs _section_cstart, $3  }
0xd1: {  	[dreg:$0x1] =	wrdreg $0xFFFFFFFF  }
0xd2: {  	_ =	task.clear_ibuf [dreg:s22], $0x2FFFF;
	_ =	strace $0x9FFFFFFF  }
0xd3: {  	(tm) =	ssettm $0x7FFFFFFF  }
tec
execute0_lowered:
.L_overlay_start_1:
0x0: {  	(tag) =	ssettag $0x1  }
0x1: {  	s0 =	rddreg [dreg:$0x0]  }
0x2: {  	s2 =	rddreg [dreg:$0x1]  }
0x3: {  	s1 =	rddreg [dreg:$0x2]  }
0x4: {  	s3 =	rddreg [dreg:$0x3]  }
0x5: {  	s4 =	simm.s32 $0x0;
	s12 =	stileid.u32;
	s6 =	srdreg.scid  }
0x6: {  	s13 =	simm.s32 $0x100;
	s14 =	simm.s32 $0x880;
	s15 =	simm.s32 $0x180  }
0x7: {  	s16 =	simm.s32 $0x900;
	s18 =	simm.s32 $0x200;
	s19 =	simm.s32 $0x980  }
0x8: {  	s28 =	simm.s32 $0xC00;
	s29 =	simm.s32 $0x500;
	s30 =	simm.s32 $0xC80  }
0x9: {  	s31 =	simm.s32 $0x580;
	[smem:$0x7FF] =	sst s4;
	s5 =	smul.u32 $0xA00, s12  }
0xa: {  	s7 =	smul.u32 $0x28000, s12;
	_ =	strace $0x8000004A;
	[dreg:$0x7] =	wrdreg s13  }
0xb: {  	s6 =	sand.u32 $0x1, s6;
	s11 =	smul.u32 $0xA000, s12;
	[dreg:$0x8] =	wrdreg s14  }
0xc: {  	s25 =	smul.u32 $0x2800, s12;
	s17 =	sshll.u32 s12, $0x6;
	[dreg:$0x9] =	wrdreg s15  }
0xd: {  	s12 =	simm.s32 $0xF00;
	s9 =	sshll.u32 s6, $0x3;
	[dreg:$0xa] =	wrdreg s16  }
0xe: {  	s6 =	ssub.s32 $0x2, s6;
	s13 =	simm.s32 $0x1000;
	[dreg:$0xb] =	wrdreg s18  }
0xf: {  	s14 =	simm.s32 $0x3;
	[dreg:$0xc] =	wrdreg s19;
	s18 =	simm.s32 $0xF80  }
0x10: {  	s15 =	simm.s32 $0x0;
	s8 =	sadd.s32 s5, s0;
	s21 =	sadd.s32 s11, s1  }
0x11: {  	s10 =	sshrl.u32 s6, $0x1;
	s2 =	sadd.s32 s5, s2;
	[dreg:$0x13] =	wrdreg s21  }
0x12: {  	s6 =	ssub.s32 s6, s10;
	s10 =	sadd.s32 $0x3200, s8;
	[dreg:$0x6] =	wrdreg s2  }
0x13: {  	s26 =	sadd.s32 s11, s3;
	s2 =	sor.u32 $0x1C03, s17;
	[dreg:$0x5] =	wrdreg s10  }
0x14: {  	s7 =	sshrl.u32 s7, $0x2;
	s20 =	sshrl.u32 s26, $0x3;
	[dreg:$0x1b] =	wrdreg s2  }
0x15: {  	s0 =	sadd.s32 s9, s0;
	s21 =	simm.s32 $0x280;
	[dreg:$0x1c] =	wrdreg s20  }
0x16: {  	s0 =	sadd.s32 s25, s0;
	s25 =	simm.s32 $0x380;
	[dreg:$0xd] =	wrdreg s21  }
0x17: {  	s7 =	sadd.s32 s7, s1;
	s26 =	simm.s32 $0xB00;
	[dreg:$0x11] =	wrdreg s25  }
0x18: {  	s9 =	simm.s32 $0x700;
	s22 =	sadd.s32 $0x2000, s7;
	[dreg:$0x12] =	wrdreg s26  }
0x19: {  	s17 =	simm.s32 $0x1;
	s23 =	sadd.s32 $0x4000, s7;
	[dreg:$0x14] =	wrdreg s22  }
0x1a: {  	s8 =	simm.s32 $0xE00;
	s24 =	sadd.s32 $0x6000, s7;
	[dreg:$0x15] =	wrdreg s23  }
0x1b: {  	s7 =	sadd.s32 $0x8000, s7;
	s6 =	smax.u32 s6, $0x1;
	[dreg:$0x16] =	wrdreg s24  }
0x1c: {  	s11 =	sadd.s32 $0x12200, s0;
	s0 =	sadd.s32 $0x3A200, s0;
	[dreg:$0x17] =	wrdreg s7  }
0x1d: {  	s20 =	simm.s32 $0x800;
	s21 =	simm.s32 $0x80;
	[dreg:$0x18] =	wrdreg s6  }
0x1e: {  	s25 =	simm.s32 $0xB80;
	s26 =	simm.s32 $0x480;
	[dreg:$0x19] =	wrdreg s11  }
0x1f: {  	s2 =	simm.s32 $0x600;
	s10 =	simm.s32 $0xE80;
	[dreg:$0x1a] =	wrdreg s0  }
0x20: {  	s22 =	simm.s32 $0xA00;
	s23 =	simm.s32 $0x300;
	s24 =	simm.s32 $0xA80  }
0x21: {  	s0 =	simm.s32 $0xD00;
	s6 =	simm.s32 $0xD80;
	[dreg:$0xe] =	wrdreg s22  }
0x22: {  	s7 =	simm.s32 $0x680;
	s11 =	simm.s32 $0x780;
	[dreg:$0xf] =	wrdreg s23  }
0x23: {  	v0 =	vimm.f32 $0.0e+00;
	[dreg:$0x10] =	wrdreg s24;
	s22 =	simm.s32 $0x3000;
	s23 =	simm.s32 $0x2  }
.LBB2_1:
0x24: {  	[dreg:$0x1d] =	wrdreg s15;
	s16 =	simm.s32 $0x100;
	s5 =	simm.s32 $0x0  }
.LBB2_2:
0x25: {  	p0 =	sne.s32 s16, $0x7F00;
	[tilespmem:s5+$0x1030] =	vst v0;
	s15 =	smov.u32 s16;
	s16 =	sadd.s32 $0x100, s16  }
.Ltmp0:
0x26: {  	[tilespmem:s5+$0x1020] =	vst v0;
	(pc) =	sbr.rel @p0 .LBB2_2-.Ltmp0, $3  }
0x27: {  	[tilespmem:s5+$0x1000] =	vst v0  }
0x28: {  	[tilespmem:s5+$0x1010] =	vst v0;
	_ =	sdelay $0x1  }
0x29: {  	s5 =	sshra.s32 s15, $0x2  }
0x2a: {  	[tilespmem:s5+$0x1030] =	vst v0  }
0x2b: {  	[tilespmem:s5+$0x1020] =	vst v0  }
0x2c: {  	[tilespmem:s5+$0x1000] =	vst v0  }
0x2d: {  	[tilespmem:s5+$0x1010] =	vst v0;
	s16 =	rddreg [dreg:$0x13]  }
0x2e: {  	[spmem:s16] =	stream.linear.scatter [tilespmem:s13], [sflag:$0x3], $0x2000, $0x38;
	[tilespmem:$0x19000] =	vst v63  }
0x2f: {  	_ =	swait.ge [sflag:s14], $0x2000  }
0x30: {  	[sflag:s14] =	ssyncset.done $0x0  }
0x31: {  	s19 =	rddreg [dreg:$0x14];
	[sflag:s14] =	ssyncadd.s32 $0xFFFFE000  }
0x32: {  	[spmem:s19] =	stream.linear.scatter [tilespmem:s13], [sflag:$0x3], $0x2000, $0x38;
	[tilespmem:$0x19000] =	vst v63  }
0x33: {  	_ =	swait.ge [sflag:s14], $0x2000  }
0x34: {  	[sflag:s14] =	ssyncset.done $0x0  }
0x35: {  	s24 =	rddreg [dreg:$0x15];
	[sflag:s14] =	ssyncadd.s32 $0xFFFFE000  }
0x36: {  	[spmem:s24] =	stream.linear.scatter [tilespmem:s13], [sflag:$0x3], $0x2000, $0x38;
	[tilespmem:$0x19000] =	vst v63  }
0x37: {  	_ =	swait.ge [sflag:s14], $0x2000  }
0x38: {  	[sflag:s14] =	ssyncset.done $0x0  }
0x39: {  	s15 =	rddreg [dreg:$0x16];
	[sflag:s14] =	ssyncadd.s32 $0xFFFFE000  }
0x3a: {  	[spmem:s15] =	stream.linear.scatter [tilespmem:s13], [sflag:$0x3], $0x2000, $0x38;
	[tilespmem:$0x19000] =	vst v63  }
0x3b: {  	_ =	swait.ge [sflag:s14], $0x2000  }
0x3c: {  	[sflag:s14] =	ssyncset.done $0x0  }
0x3d: {  	s16 =	rddreg [dreg:$0x17];
	[sflag:s14] =	ssyncadd.s32 $0xFFFFE000  }
0x3e: {  	[spmem:s16] =	stream.linear.scatter [tilespmem:s13], [sflag:$0x3], $0x2000, $0x38;
	[tilespmem:$0x19000] =	vst v63  }
0x3f: {  	_ =	swait.ge [sflag:s14], $0x2000  }
0x40: {  	s5 =	rddreg [dreg:$0x19]  }
0x41: {  	s19 =	simm.s32 $0x8;
	[sflag:s14] =	ssyncset.done $0x0;
	s15 =	rddreg [dreg:$0x1b]  }
0x42: {  	s24 =	simm.s32 $0x10;
	s16 =	rddreg [dreg:$0x1c];
	[sflag:s14] =	ssyncadd.s32 $0xFFFFE000  }
0x43: {  	[spmem:s16@s19], [sflag:s15] =	dma.strided [hbm:s5@s24], $0x1400, s17, $0x8   }
0x44: {  	_ =	swait.ge [sflag:s14], $0x1400  }
0x45: {  	[sflag:s14] =	ssyncset.done $0x0  }
0x46: {  	[sflag:s14] =	ssyncadd.s32 $0xFFFFEC00  }
0x47: {  	[bflag:$0x0] =	sbarrier.arrive $0xFFFF  }
0x48: {  	s19 =	rddreg [dreg:$0x6]  }
0x49: {  	s5 =	sadd.s32 $0x0, s19  }
0x4a: {  	[tilespmem:s4], [sflag:$0x3] =	stream.linear.gather [hbm4b:s5+s4], $0x800, $0x38;
	[tilespmem:$0x19000] =	vst v63  }
0x4b: {  	_ =	swait.ge [sflag:s14], $0x800  }
0x4c: {  	s24 =	rddreg [dreg:$0x5];
	[sflag:s14] =	ssyncset.done $0x0  }
0x4d: {  	[sflag:s14] =	ssyncadd.s32 $0xFFFFF800;
	s5 =	sadd.s32 $0x0, s24  }
0x4e: {  	[tilespmem:s20], [sflag:$0x3] =	stream.linear.gather [hbm4b:s5+s4], $0x800, $0x38;
	[tilespmem:$0x19000] =	vst v63  }
0x4f: {  	_ =	swait.ge [sflag:s14], $0x800  }
0x50: {  	[sflag:s14] =	ssyncset.done $0x0  }
0x51: {  	[sflag:s14] =	ssyncadd.s32 $0xFFFFF800  }
0x52: {  	[tilespmem:s13], [sflag:$0x1] =	stream.indirect.gather [spmem:s3], $0x40, s4, s21, $0xb8;
	[tilespmem:$0x19000] =	vst v63  }
0x53: {  	_ =	swait.ge [sflag:s17], $0x2000  }
0x54: {  	[sflag:s17] =	ssyncset.done $0x0  }
0x55: {  	[sflag:s17] =	ssyncadd.s32 $0xFFFFE000  }
0x56: {  	[tilespmem:s22], [sflag:$0x2] =	stream.indirect.gather [spmem:s3], $0x40, s21, s21, $0xb8;
	[tilespmem:$0x19000] =	vst v63  }
0x57: {  	_ = 	snop  }
0x58: {  	[spmem:s1] =	stream.indirect.scatter.add.f32 [tilespmem:s13], [sflag:$0x3], $0x40, s20, s21, $0xb8;
	[tilespmem:$0x19000] =	vst v63  }
0x59: {  	_ =	swait.ge [sflag:s14], $0x2000  }
0x5a: {  	[sflag:s14] =	ssyncset.done $0x0  }
0x5b: {  	[sflag:s14] =	ssyncadd.s32 $0xFFFFE000  }
0x5c: {  	_ =	swait.ge [sflag:s23], $0x2000  }
0x5d: {  	[sflag:s23] =	ssyncset.done $0x0  }
0x5e: {  	s15 =	rddreg [dreg:$0x7];
	[sflag:s23] =	ssyncadd.s32 $0xFFFFE000  }
0x5f: {  	[tilespmem:s13], [sflag:$0x1] =	stream.indirect.gather [spmem:s3], $0x40, s15, s21, $0xb8;
	[tilespmem:$0x19000] =	vst v63  }
0x60: {  	s16 =	rddreg [dreg:$0x8]  }
0x61: {  	[spmem:s1] =	stream.indirect.scatter.add.f32 [tilespmem:s22], [sflag:$0x3], $0x40, s16, s21, $0xb8;
	[tilespmem:$0x19000] =	vst v63  }
0x62: {  	_ =	swait.ge [sflag:s14], $0x2000  }
0x63: {  	[sflag:s14] =	ssyncset.done $0x0  }
0x64: {  	[sflag:s14] =	ssyncadd.s32 $0xFFFFE000  }
0x65: {  	_ =	swait.ge [sflag:s17], $0x2000  }
0x66: {  	[sflag:s17] =	ssyncset.done $0x0  }
0x67: {  	s19 =	rddreg [dreg:$0x9];
	[sflag:s17] =	ssyncadd.s32 $0xFFFFE000  }
0x68: {  	[tilespmem:s22], [sflag:$0x2] =	stream.indirect.gather [spmem:s3], $0x40, s19, s21, $0xb8;
	[tilespmem:$0x19000] =	vst v63  }
0x69: {  	s24 =	rddreg [dreg:$0xa]  }
0x6a: {  	[spmem:s1] =	stream.indirect.scatter.add.f32 [tilespmem:s13], [sflag:$0x3], $0x40, s24, s21, $0xb8;
	[tilespmem:$0x19000] =	vst v63  }
0x6b: {  	_ =	swait.ge [sflag:s14], $0x2000  }
0x6c: {  	[sflag:s14] =	ssyncset.done $0x0  }
0x6d: {  	[sflag:s14] =	ssyncadd.s32 $0xFFFFE000  }
0x6e: {  	_ =	swait.ge [sflag:s23], $0x2000  }
0x6f: {  	[sflag:s23] =	ssyncset.done $0x0  }
0x70: {  	s15 =	rddreg [dreg:$0xb];
	[sflag:s23] =	ssyncadd.s32 $0xFFFFE000  }
0x71: {  	[tilespmem:s13], [sflag:$0x1] =	stream.indirect.gather [spmem:s3], $0x40, s15, s21, $0xb8;
	[tilespmem:$0x19000] =	vst v63  }
0x72: {  	s16 =	rddreg [dreg:$0xc]  }
0x73: {  	[spmem:s1] =	stream.indirect.scatter.add.f32 [tilespmem:s22], [sflag:$0x3], $0x40, s16, s21, $0xb8;
	[tilespmem:$0x19000] =	vst v63  }
0x74: {  	_ =	swait.ge [sflag:s14], $0x2000  }
0x75: {  	[sflag:s14] =	ssyncset.done $0x0  }
0x76: {  	[sflag:s14] =	ssyncadd.s32 $0xFFFFE000  }
0x77: {  	_ =	swait.ge [sflag:s17], $0x2000  }
0x78: {  	[sflag:s17] =	ssyncset.done $0x0  }
0x79: {  	s19 =	rddreg [dreg:$0xd];
	[sflag:s17] =	ssyncadd.s32 $0xFFFFE000  }
0x7a: {  	[tilespmem:s22], [sflag:$0x2] =	stream.indirect.gather [spmem:s3], $0x40, s19, s21, $0xb8;
	[tilespmem:$0x19000] =	vst v63  }
0x7b: {  	s24 =	rddreg [dreg:$0xe]  }
0x7c: {  	[spmem:s1] =	stream.indirect.scatter.add.f32 [tilespmem:s13], [sflag:$0x3], $0x40, s24, s21, $0xb8;
	[tilespmem:$0x19000] =	vst v63  }
0x7d: {  	_ =	swait.ge [sflag:s14], $0x2000  }
0x7e: {  	[sflag:s14] =	ssyncset.done $0x0  }
0x7f: {  	[sflag:s14] =	ssyncadd.s32 $0xFFFFE000  }
0x80: {  	_ =	swait.ge [sflag:s23], $0x2000  }
0x81: {  	[sflag:s23] =	ssyncset.done $0x0  }
0x82: {  	s15 =	rddreg [dreg:$0xf];
	[sflag:s23] =	ssyncadd.s32 $0xFFFFE000  }
0x83: {  	[tilespmem:s13], [sflag:$0x1] =	stream.indirect.gather [spmem:s3], $0x40, s15, s21, $0xb8;
	[tilespmem:$0x19000] =	vst v63  }
0x84: {  	s16 =	rddreg [dreg:$0x10]  }
0x85: {  	[spmem:s1] =	stream.indirect.scatter.add.f32 [tilespmem:s22], [sflag:$0x3], $0x40, s16, s21, $0xb8;
	[tilespmem:$0x19000] =	vst v63  }
0x86: {  	_ =	swait.ge [sflag:s14], $0x2000  }
0x87: {  	[sflag:s14] =	ssyncset.done $0x0  }
0x88: {  	[sflag:s14] =	ssyncadd.s32 $0xFFFFE000  }
0x89: {  	_ =	swait.ge [sflag:s17], $0x2000  }
0x8a: {  	[sflag:s17] =	ssyncset.done $0x0  }
0x8b: {  	s19 =	rddreg [dreg:$0x11];
	[sflag:s17] =	ssyncadd.s32 $0xFFFFE000  }
0x8c: {  	[tilespmem:s22], [sflag:$0x2] =	stream.indirect.gather [spmem:s3], $0x40, s19, s21, $0xb8;
	[tilespmem:$0x19000] =	vst v63  }
0x8d: {  	s24 =	rddreg [dreg:$0x12]  }
0x8e: {  	[spmem:s1] =	stream.indirect.scatter.add.f32 [tilespmem:s13], [sflag:$0x3], $0x40, s24, s21, $0xb8;
	[tilespmem:$0x19000] =	vst v63  }
0x8f: {  	_ =	swait.ge [sflag:s14], $0x2000  }
0x90: {  	[sflag:s14] =	ssyncset.done $0x0  }
0x91: {  	[sflag:s14] =	ssyncadd.s32 $0xFFFFE000  }
0x92: {  	_ =	swait.ge [sflag:s23], $0x2000  }
0x93: {  	[sflag:s23] =	ssyncset.done $0x0  }
0x94: {  	s24 =	simm.s32 $0x400;
	[sflag:s23] =	ssyncadd.s32 $0xFFFFE000  }
0x95: {  	[tilespmem:s13], [sflag:$0x1] =	stream.indirect.gather [spmem:s3], $0x40, s24, s21, $0xb8;
	[tilespmem:$0x19000] =	vst v63  }
0x96: {  	_ = 	snop  }
0x97: {  	[spmem:s1] =	stream.indirect.scatter.add.f32 [tilespmem:s22], [sflag:$0x3], $0x40, s25, s21, $0xb8;
	[tilespmem:$0x19000] =	vst v63  }
0x98: {  	_ =	swait.ge [sflag:s14], $0x2000  }
0x99: {  	[sflag:s14] =	ssyncset.done $0x0  }
0x9a: {  	[sflag:s14] =	ssyncadd.s32 $0xFFFFE000  }
0x9b: {  	_ =	swait.ge [sflag:s17], $0x2000  }
0x9c: {  	[sflag:s17] =	ssyncset.done $0x0  }
0x9d: {  	[sflag:s17] =	ssyncadd.s32 $0xFFFFE000  }
0x9e: {  	[tilespmem:s22], [sflag:$0x2] =	stream.indirect.gather [spmem:s3], $0x40, s26, s21, $0xb8;
	[tilespmem:$0x19000] =	vst v63  }
0x9f: {  	_ = 	snop  }
0xa0: {  	[spmem:s1] =	stream.indirect.scatter.add.f32 [tilespmem:s13], [sflag:$0x3], $0x40, s28, s21, $0xb8;
	[tilespmem:$0x19000] =	vst v63  }
0xa1: {  	_ =	swait.ge [sflag:s14], $0x2000  }
0xa2: {  	[sflag:s14] =	ssyncset.done $0x0  }
0xa3: {  	[sflag:s14] =	ssyncadd.s32 $0xFFFFE000  }
0xa4: {  	_ =	swait.ge [sflag:s23], $0x2000  }
0xa5: {  	[sflag:s23] =	ssyncset.done $0x0  }
0xa6: {  	[sflag:s23] =	ssyncadd.s32 $0xFFFFE000  }
0xa7: {  	[tilespmem:s13], [sflag:$0x1] =	stream.indirect.gather [spmem:s3], $0x40, s29, s21, $0xb8;
	[tilespmem:$0x19000] =	vst v63  }
0xa8: {  	_ = 	snop  }
0xa9: {  	[spmem:s1] =	stream.indirect.scatter.add.f32 [tilespmem:s22], [sflag:$0x3], $0x40, s30, s21, $0xb8;
	[tilespmem:$0x19000] =	vst v63  }
0xaa: {  	_ =	swait.ge [sflag:s14], $0x2000  }
0xab: {  	[sflag:s14] =	ssyncset.done $0x0  }
0xac: {  	[sflag:s14] =	ssyncadd.s32 $0xFFFFE000  }
0xad: {  	_ =	swait.ge [sflag:s17], $0x2000  }
0xae: {  	[sflag:s17] =	ssyncset.done $0x0  }
0xaf: {  	[sflag:s17] =	ssyncadd.s32 $0xFFFFE000  }
0xb0: {  	[tilespmem:s22], [sflag:$0x2] =	stream.indirect.gather [spmem:s3], $0x40, s31, s21, $0xb8;
	[tilespmem:$0x19000] =	vst v63  }
0xb1: {  	_ = 	snop  }
0xb2: {  	[spmem:s1] =	stream.indirect.scatter.add.f32 [tilespmem:s13], [sflag:$0x3], $0x40, s0, s21, $0xb8;
	[tilespmem:$0x19000] =	vst v63  }
0xb3: {  	_ =	swait.ge [sflag:s14], $0x2000  }
0xb4: {  	[sflag:s14] =	ssyncset.done $0x0  }
0xb5: {  	[sflag:s14] =	ssyncadd.s32 $0xFFFFE000  }
0xb6: {  	_ =	swait.ge [sflag:s23], $0x2000  }
0xb7: {  	[sflag:s23] =	ssyncset.done $0x0  }
0xb8: {  	[sflag:s23] =	ssyncadd.s32 $0xFFFFE000  }
0xb9: {  	[tilespmem:s13], [sflag:$0x1] =	stream.indirect.gather [spmem:s3], $0x40, s2, s21, $0xb8;
	[tilespmem:$0x19000] =	vst v63  }
0xba: {  	_ = 	snop  }
0xbb: {  	[spmem:s1] =	stream.indirect.scatter.add.f32 [tilespmem:s22], [sflag:$0x3], $0x40, s6, s21, $0xb8;
	[tilespmem:$0x19000] =	vst v63  }
0xbc: {  	_ =	swait.ge [sflag:s14], $0x2000  }
0xbd: {  	[sflag:s14] =	ssyncset.done $0x0  }
0xbe: {  	[sflag:s14] =	ssyncadd.s32 $0xFFFFE000  }
0xbf: {  	_ =	swait.ge [sflag:s17], $0x2000  }
0xc0: {  	[sflag:s17] =	ssyncset.done $0x0  }
0xc1: {  	[sflag:s17] =	ssyncadd.s32 $0xFFFFE000  }
0xc2: {  	[tilespmem:s22], [sflag:$0x2] =	stream.indirect.gather [spmem:s3], $0x40, s7, s21, $0xb8;
	[tilespmem:$0x19000] =	vst v63  }
0xc3: {  	_ = 	snop  }
0xc4: {  	[spmem:s1] =	stream.indirect.scatter.add.f32 [tilespmem:s13], [sflag:$0x3], $0x40, s8, s21, $0xb8;
	[tilespmem:$0x19000] =	vst v63  }
0xc5: {  	_ =	swait.ge [sflag:s14], $0x2000  }
0xc6: {  	[sflag:s14] =	ssyncset.done $0x0  }
0xc7: {  	[sflag:s14] =	ssyncadd.s32 $0xFFFFE000  }
0xc8: {  	_ =	swait.ge [sflag:s23], $0x2000  }
0xc9: {  	[sflag:s23] =	ssyncset.done $0x0  }
0xca: {  	[sflag:s23] =	ssyncadd.s32 $0xFFFFE000  }
0xcb: {  	[tilespmem:s13], [sflag:$0x1] =	stream.indirect.gather [spmem:s3], $0x40, s9, s21, $0xb8;
	[tilespmem:$0x19000] =	vst v63  }
0xcc: {  	_ = 	snop  }
0xcd: {  	[spmem:s1] =	stream.indirect.scatter.add.f32 [tilespmem:s22], [sflag:$0x3], $0x40, s10, s21, $0xb8;
	[tilespmem:$0x19000] =	vst v63  }
0xce: {  	_ =	swait.ge [sflag:s14], $0x2000  }
0xcf: {  	[sflag:s14] =	ssyncset.done $0x0  }
0xd0: {  	[sflag:s14] =	ssyncadd.s32 $0xFFFFE000  }
0xd1: {  	_ =	swait.ge [sflag:s17], $0x2000  }
0xd2: {  	[sflag:s17] =	ssyncset.done $0x0  }
0xd3: {  	[sflag:s17] =	ssyncadd.s32 $0xFFFFE000  }
0xd4: {  	[tilespmem:s22], [sflag:$0x2] =	stream.indirect.gather [spmem:s3], $0x40, s11, s21, $0xb8;
	[tilespmem:$0x19000] =	vst v63  }
0xd5: {  	_ = 	snop  }
0xd6: {  	[spmem:s1] =	stream.indirect.scatter.add.f32 [tilespmem:s13], [sflag:$0x3], $0x40, s12, s21, $0xb8;
	[tilespmem:$0x19000] =	vst v63  }
0xd7: {  	_ =	swait.ge [sflag:s14], $0x2000  }
0xd8: {  	[sflag:s14] =	ssyncset.done $0x0  }
0xd9: {  	[sflag:s14] =	ssyncadd.s32 $0xFFFFE000  }
0xda: {  	_ =	swait.ge [sflag:s23], $0x2000  }
0xdb: {  	[sflag:s23] =	ssyncset.done $0x0  }
0xdc: {  	[sflag:s23] =	ssyncadd.s32 $0xFFFFE000  }
0xdd: {  	[spmem:s1] =	stream.indirect.scatter.add.f32 [tilespmem:s22], [sflag:$0x3], $0x40, s18, s21, $0xb8;
	[tilespmem:$0x19000] =	vst v63  }
0xde: {  	s5 =	simm.s32 $0x200;
	_ =	swait.ge [sflag:s14], $0x2000  }
0xdf: {  	s16 =	simm.s32 $0x100;
	s15 =	rddreg [dreg:$0x6];
	[sflag:s14] =	ssyncset.done $0x0  }
.LBB2_4:
0xe0: {  	[sflag:s14] =	ssyncadd.s32 $0xFFFFE000;
	s15 =	sadd.s32 s16, s15  }
0xe1: {  	[tilespmem:s4], [sflag:$0x3] =	stream.linear.gather [hbm4b:s15+s4], $0x800, $0x38;
	[tilespmem:$0x19000] =	vst v63  }
0xe2: {  	_ =	swait.ge [sflag:s14], $0x800  }
0xe3: {  	s15 =	rddreg [dreg:$0x5];
	[sflag:s14] =	ssyncset.done $0x0  }
0xe4: {  	[sflag:s14] =	ssyncadd.s32 $0xFFFFF800;
	s15 =	sadd.s32 s16, s15  }
0xe5: {  	[tilespmem:s20], [sflag:$0x3] =	stream.linear.gather [hbm4b:s15+s4], $0x800, $0x38;
	[tilespmem:$0x19000] =	vst v63  }
0xe6: {  	_ =	swait.ge [sflag:s14], $0x800  }
0xe7: {  	[sflag:s14] =	ssyncset.done $0x0  }
0xe8: {  	[sflag:s14] =	ssyncadd.s32 $0xFFFFF800  }
0xe9: {  	[tilespmem:s13], [sflag:$0x1] =	stream.indirect.gather [spmem:s3], $0x40, s4, s21, $0xb8;
	[tilespmem:$0x19000] =	vst v63  }
0xea: {  	_ =	swait.ge [sflag:s17], $0x2000  }
0xeb: {  	[sflag:s17] =	ssyncset.done $0x0  }
0xec: {  	[sflag:s17] =	ssyncadd.s32 $0xFFFFE000  }
0xed: {  	[tilespmem:s22], [sflag:$0x2] =	stream.indirect.gather [spmem:s3], $0x40, s21, s21, $0xb8;
	[tilespmem:$0x19000] =	vst v63  }
0xee: {  	_ = 	snop  }
0xef: {  	[spmem:s1] =	stream.indirect.scatter.add.f32 [tilespmem:s13], [sflag:$0x3], $0x40, s20, s21, $0xb8;
	[tilespmem:$0x19000] =	vst v63  }
0xf0: {  	_ =	swait.ge [sflag:s14], $0x2000  }
0xf1: {  	[sflag:s14] =	ssyncset.done $0x0  }
0xf2: {  	[sflag:s14] =	ssyncadd.s32 $0xFFFFE000  }
0xf3: {  	_ =	swait.ge [sflag:s23], $0x2000  }
0xf4: {  	[sflag:s23] =	ssyncset.done $0x0  }
0xf5: {  	s19 =	smov.u32 s5;
	s15 =	rddreg [dreg:$0x7];
	[sflag:s23] =	ssyncadd.s32 $0xFFFFE000  }
0xf6: {  	[tilespmem:s13], [sflag:$0x1] =	stream.indirect.gather [spmem:s3], $0x40, s15, s21, $0xb8;
	[tilespmem:$0x19000] =	vst v63  }
0xf7: {  	s16 =	smov.u32 s19;
	s19 =	rddreg [dreg:$0x8]  }
0xf8: {  	[spmem:s1] =	stream.indirect.scatter.add.f32 [tilespmem:s22], [sflag:$0x3], $0x40, s19, s21, $0xb8;
	[tilespmem:$0x19000] =	vst v63  }
0xf9: {  	_ =	swait.ge [sflag:s14], $0x2000  }
0xfa: {  	[sflag:s14] =	ssyncset.done $0x0  }
0xfb: {  	[sflag:s14] =	ssyncadd.s32 $0xFFFFE000  }
0xfc: {  	_ =	swait.ge [sflag:s17], $0x2000  }
0xfd: {  	[sflag:s17] =	ssyncset.done $0x0  }
0xfe: {  	s15 =	rddreg [dreg:$0x9];
	[sflag:s17] =	ssyncadd.s32 $0xFFFFE000  }
0xff: {  	[tilespmem:s22], [sflag:$0x2] =	stream.indirect.gather [spmem:s3], $0x40, s15, s21, $0xb8;
	[tilespmem:$0x19000] =	vst v63  }
0x100: {  	s19 =	rddreg [dreg:$0xa]  }
0x101: {  	[spmem:s1] =	stream.indirect.scatter.add.f32 [tilespmem:s13], [sflag:$0x3], $0x40, s19, s21, $0xb8;
	[tilespmem:$0x19000] =	vst v63  }
0x102: {  	_ =	swait.ge [sflag:s14], $0x2000  }
0x103: {  	[sflag:s14] =	ssyncset.done $0x0  }
0x104: {  	[sflag:s14] =	ssyncadd.s32 $0xFFFFE000  }
0x105: {  	_ =	swait.ge [sflag:s23], $0x2000  }
0x106: {  	[sflag:s23] =	ssyncset.done $0x0  }
0x107: {  	s15 =	rddreg [dreg:$0xb];
	[sflag:s23] =	ssyncadd.s32 $0xFFFFE000  }
0x108: {  	[tilespmem:s13], [sflag:$0x1] =	stream.indirect.gather [spmem:s3], $0x40, s15, s21, $0xb8;
	[tilespmem:$0x19000] =	vst v63  }
0x109: {  	s19 =	rddreg [dreg:$0xc]  }
0x10a: {  	[spmem:s1] =	stream.indirect.scatter.add.f32 [tilespmem:s22], [sflag:$0x3], $0x40, s19, s21, $0xb8;
	[tilespmem:$0x19000] =	vst v63  }
0x10b: {  	_ =	swait.ge [sflag:s14], $0x2000  }
0x10c: {  	[sflag:s14] =	ssyncset.done $0x0  }
0x10d: {  	[sflag:s14] =	ssyncadd.s32 $0xFFFFE000  }
0x10e: {  	_ =	swait.ge [sflag:s17], $0x2000  }
0x10f: {  	[sflag:s17] =	ssyncset.done $0x0  }
0x110: {  	s15 =	rddreg [dreg:$0xd];
	[sflag:s17] =	ssyncadd.s32 $0xFFFFE000  }
0x111: {  	[tilespmem:s22], [sflag:$0x2] =	stream.indirect.gather [spmem:s3], $0x40, s15, s21, $0xb8;
	[tilespmem:$0x19000] =	vst v63  }
0x112: {  	s19 =	rddreg [dreg:$0xe]  }
0x113: {  	[spmem:s1] =	stream.indirect.scatter.add.f32 [tilespmem:s13], [sflag:$0x3], $0x40, s19, s21, $0xb8;
	[tilespmem:$0x19000] =	vst v63  }
0x114: {  	_ =	swait.ge [sflag:s14], $0x2000  }
0x115: {  	[sflag:s14] =	ssyncset.done $0x0  }
0x116: {  	[sflag:s14] =	ssyncadd.s32 $0xFFFFE000  }
0x117: {  	_ =	swait.ge [sflag:s23], $0x2000  }
0x118: {  	[sflag:s23] =	ssyncset.done $0x0  }
0x119: {  	s15 =	rddreg [dreg:$0xf];
	[sflag:s23] =	ssyncadd.s32 $0xFFFFE000  }
0x11a: {  	[tilespmem:s13], [sflag:$0x1] =	stream.indirect.gather [spmem:s3], $0x40, s15, s21, $0xb8;
	[tilespmem:$0x19000] =	vst v63  }
0x11b: {  	s19 =	rddreg [dreg:$0x10]  }
0x11c: {  	[spmem:s1] =	stream.indirect.scatter.add.f32 [tilespmem:s22], [sflag:$0x3], $0x40, s19, s21, $0xb8;
	[tilespmem:$0x19000] =	vst v63  }
0x11d: {  	_ =	swait.ge [sflag:s14], $0x2000  }
0x11e: {  	[sflag:s14] =	ssyncset.done $0x0  }
0x11f: {  	[sflag:s14] =	ssyncadd.s32 $0xFFFFE000  }
0x120: {  	_ =	swait.ge [sflag:s17], $0x2000  }
0x121: {  	[sflag:s17] =	ssyncset.done $0x0  }
0x122: {  	s15 =	rddreg [dreg:$0x11];
	[sflag:s17] =	ssyncadd.s32 $0xFFFFE000  }
0x123: {  	[tilespmem:s22], [sflag:$0x2] =	stream.indirect.gather [spmem:s3], $0x40, s15, s21, $0xb8;
	[tilespmem:$0x19000] =	vst v63  }
0x124: {  	s19 =	rddreg [dreg:$0x12]  }
0x125: {  	[spmem:s1] =	stream.indirect.scatter.add.f32 [tilespmem:s13], [sflag:$0x3], $0x40, s19, s21, $0xb8;
	[tilespmem:$0x19000] =	vst v63  }
0x126: {  	_ =	swait.ge [sflag:s14], $0x2000  }
0x127: {  	[sflag:s14] =	ssyncset.done $0x0  }
0x128: {  	[sflag:s14] =	ssyncadd.s32 $0xFFFFE000  }
0x129: {  	_ =	swait.ge [sflag:s23], $0x2000  }
0x12a: {  	[sflag:s23] =	ssyncset.done $0x0  }
0x12b: {  	[sflag:s23] =	ssyncadd.s32 $0xFFFFE000  }
0x12c: {  	[tilespmem:s13], [sflag:$0x1] =	stream.indirect.gather [spmem:s3], $0x40, s24, s21, $0xb8;
	[tilespmem:$0x19000] =	vst v63  }
0x12d: {  	_ = 	snop  }
0x12e: {  	[spmem:s1] =	stream.indirect.scatter.add.f32 [tilespmem:s22], [sflag:$0x3], $0x40, s25, s21, $0xb8;
	[tilespmem:$0x19000] =	vst v63  }
0x12f: {  	_ =	swait.ge [sflag:s14], $0x2000  }
0x130: {  	[sflag:s14] =	ssyncset.done $0x0  }
0x131: {  	[sflag:s14] =	ssyncadd.s32 $0xFFFFE000  }
0x132: {  	_ =	swait.ge [sflag:s17], $0x2000  }
0x133: {  	[sflag:s17] =	ssyncset.done $0x0  }
0x134: {  	[sflag:s17] =	ssyncadd.s32 $0xFFFFE000  }
0x135: {  	[tilespmem:s22], [sflag:$0x2] =	stream.indirect.gather [spmem:s3], $0x40, s26, s21, $0xb8;
	[tilespmem:$0x19000] =	vst v63  }
0x136: {  	_ = 	snop  }
0x137: {  	[spmem:s1] =	stream.indirect.scatter.add.f32 [tilespmem:s13], [sflag:$0x3], $0x40, s28, s21, $0xb8;
	[tilespmem:$0x19000] =	vst v63  }
0x138: {  	_ =	swait.ge [sflag:s14], $0x2000  }
0x139: {  	[sflag:s14] =	ssyncset.done $0x0  }
0x13a: {  	[sflag:s14] =	ssyncadd.s32 $0xFFFFE000  }
0x13b: {  	_ =	swait.ge [sflag:s23], $0x2000  }
0x13c: {  	[sflag:s23] =	ssyncset.done $0x0  }
0x13d: {  	[sflag:s23] =	ssyncadd.s32 $0xFFFFE000  }
0x13e: {  	[tilespmem:s13], [sflag:$0x1] =	stream.indirect.gather [spmem:s3], $0x40, s29, s21, $0xb8;
	[tilespmem:$0x19000] =	vst v63  }
0x13f: {  	_ = 	snop  }
0x140: {  	[spmem:s1] =	stream.indirect.scatter.add.f32 [tilespmem:s22], [sflag:$0x3], $0x40, s30, s21, $0xb8;
	[tilespmem:$0x19000] =	vst v63  }
0x141: {  	_ =	swait.ge [sflag:s14], $0x2000  }
0x142: {  	[sflag:s14] =	ssyncset.done $0x0  }
0x143: {  	[sflag:s14] =	ssyncadd.s32 $0xFFFFE000  }
0x144: {  	_ =	swait.ge [sflag:s17], $0x2000  }
0x145: {  	[sflag:s17] =	ssyncset.done $0x0  }
0x146: {  	[sflag:s17] =	ssyncadd.s32 $0xFFFFE000  }
0x147: {  	[tilespmem:s22], [sflag:$0x2] =	stream.indirect.gather [spmem:s3], $0x40, s31, s21, $0xb8;
	[tilespmem:$0x19000] =	vst v63  }
0x148: {  	_ = 	snop  }
0x149: {  	[spmem:s1] =	stream.indirect.scatter.add.f32 [tilespmem:s13], [sflag:$0x3], $0x40, s0, s21, $0xb8;
	[tilespmem:$0x19000] =	vst v63  }
0x14a: {  	_ =	swait.ge [sflag:s14], $0x2000  }
0x14b: {  	[sflag:s14] =	ssyncset.done $0x0  }
0x14c: {  	[sflag:s14] =	ssyncadd.s32 $0xFFFFE000  }
0x14d: {  	_ =	swait.ge [sflag:s23], $0x2000  }
0x14e: {  	[sflag:s23] =	ssyncset.done $0x0  }
0x14f: {  	[sflag:s23] =	ssyncadd.s32 $0xFFFFE000  }
0x150: {  	[tilespmem:s13], [sflag:$0x1] =	stream.indirect.gather [spmem:s3], $0x40, s2, s21, $0xb8;
	[tilespmem:$0x19000] =	vst v63  }
0x151: {  	_ = 	snop  }
0x152: {  	[spmem:s1] =	stream.indirect.scatter.add.f32 [tilespmem:s22], [sflag:$0x3], $0x40, s6, s21, $0xb8;
	[tilespmem:$0x19000] =	vst v63  }
0x153: {  	_ =	swait.ge [sflag:s14], $0x2000  }
0x154: {  	[sflag:s14] =	ssyncset.done $0x0  }
0x155: {  	[sflag:s14] =	ssyncadd.s32 $0xFFFFE000  }
0x156: {  	_ =	swait.ge [sflag:s17], $0x2000  }
0x157: {  	[sflag:s17] =	ssyncset.done $0x0  }
0x158: {  	[sflag:s17] =	ssyncadd.s32 $0xFFFFE000  }
0x159: {  	[tilespmem:s22], [sflag:$0x2] =	stream.indirect.gather [spmem:s3], $0x40, s7, s21, $0xb8;
	[tilespmem:$0x19000] =	vst v63  }
0x15a: {  	_ = 	snop  }
0x15b: {  	[spmem:s1] =	stream.indirect.scatter.add.f32 [tilespmem:s13], [sflag:$0x3], $0x40, s8, s21, $0xb8;
	[tilespmem:$0x19000] =	vst v63  }
0x15c: {  	_ =	swait.ge [sflag:s14], $0x2000  }
0x15d: {  	[sflag:s14] =	ssyncset.done $0x0  }
0x15e: {  	[sflag:s14] =	ssyncadd.s32 $0xFFFFE000  }
0x15f: {  	_ =	swait.ge [sflag:s23], $0x2000  }
0x160: {  	[sflag:s23] =	ssyncset.done $0x0  }
0x161: {  	[sflag:s23] =	ssyncadd.s32 $0xFFFFE000  }
0x162: {  	[tilespmem:s13], [sflag:$0x1] =	stream.indirect.gather [spmem:s3], $0x40, s9, s21, $0xb8;
	[tilespmem:$0x19000] =	vst v63  }
0x163: {  	_ = 	snop  }
0x164: {  	[spmem:s1] =	stream.indirect.scatter.add.f32 [tilespmem:s22], [sflag:$0x3], $0x40, s10, s21, $0xb8;
	[tilespmem:$0x19000] =	vst v63  }
0x165: {  	_ =	swait.ge [sflag:s14], $0x2000  }
0x166: {  	[sflag:s14] =	ssyncset.done $0x0  }
0x167: {  	[sflag:s14] =	ssyncadd.s32 $0xFFFFE000  }
0x168: {  	_ =	swait.ge [sflag:s17], $0x2000  }
0x169: {  	[sflag:s17] =	ssyncset.done $0x0  }
0x16a: {  	[sflag:s17] =	ssyncadd.s32 $0xFFFFE000  }
0x16b: {  	[tilespmem:s22], [sflag:$0x2] =	stream.indirect.gather [spmem:s3], $0x40, s11, s21, $0xb8;
	[tilespmem:$0x19000] =	vst v63  }
0x16c: {  	_ = 	snop  }
0x16d: {  	[spmem:s1] =	stream.indirect.scatter.add.f32 [tilespmem:s13], [sflag:$0x3], $0x40, s12, s21, $0xb8;
	[tilespmem:$0x19000] =	vst v63  }
0x16e: {  	_ =	swait.ge [sflag:s14], $0x2000  }
0x16f: {  	[sflag:s14] =	ssyncset.done $0x0  }
0x170: {  	[sflag:s14] =	ssyncadd.s32 $0xFFFFE000  }
0x171: {  	p0 =	sne.s32 s5, $0x900;
	_ =	swait.ge [sflag:s23], $0x2000  }
.Ltmp1:
0x172: {  	[sflag:s23] =	ssyncset.done $0x0;
	(pc) =	sbr.rel @p0 .LBB2_4-.Ltmp1, $4  }
0x173: {  	[sflag:s23] =	ssyncadd.s32 $0xFFFFE000  }
0x174: {  	[spmem:s1] =	stream.indirect.scatter.add.f32 [tilespmem:s22], [sflag:$0x3], $0x40, s18, s21, $0xb8;
	[tilespmem:$0x19000] =	vst v63  }
0x175: {  	_ =	swait.ge [sflag:s14], $0x2000  }
0x176: {  	s5 =	sadd.s32 $0x100, s5;
	s15 =	rddreg [dreg:$0x6];
	[sflag:s14] =	ssyncset.done $0x0  }
0x177: {  	[sflag:s14] =	ssyncadd.s32 $0xFFFFE000;
	s5 =	sadd.s32 s16, s15  }
0x178: {  	[tilespmem:s4], [sflag:$0x3] =	stream.linear.gather [hbm4b:s5+s4], $0x800, $0x38;
	[tilespmem:$0x19000] =	vst v63  }
0x179: {  	_ =	swait.ge [sflag:s14], $0x800  }
0x17a: {  	s15 =	rddreg [dreg:$0x5];
	[sflag:s14] =	ssyncset.done $0x0  }
0x17b: {  	[sflag:s14] =	ssyncadd.s32 $0xFFFFF800;
	s5 =	sadd.s32 s16, s15  }
0x17c: {  	[tilespmem:s20], [sflag:$0x3] =	stream.linear.gather [hbm4b:s5+s4], $0x800, $0x38;
	[tilespmem:$0x19000] =	vst v63  }
0x17d: {  	_ =	swait.ge [sflag:s14], $0x800  }
0x17e: {  	[sflag:s14] =	ssyncset.done $0x0  }
0x17f: {  	[sflag:s14] =	ssyncadd.s32 $0xFFFFF800  }
0x180: {  	[tilespmem:s13], [sflag:$0x1] =	stream.indirect.gather [spmem:s3], $0x40, s4, s21, $0xb8;
	[tilespmem:$0x19000] =	vst v63  }
0x181: {  	_ =	swait.ge [sflag:s17], $0x2000  }
0x182: {  	[sflag:s17] =	ssyncset.done $0x0  }
0x183: {  	[sflag:s17] =	ssyncadd.s32 $0xFFFFE000  }
0x184: {  	[tilespmem:s22], [sflag:$0x2] =	stream.indirect.gather [spmem:s3], $0x40, s21, s21, $0xb8;
	[tilespmem:$0x19000] =	vst v63  }
0x185: {  	_ = 	snop  }
0x186: {  	[spmem:s1] =	stream.indirect.scatter.add.f32 [tilespmem:s13], [sflag:$0x3], $0x40, s20, s21, $0xb8;
	[tilespmem:$0x19000] =	vst v63  }
0x187: {  	_ =	swait.ge [sflag:s14], $0x2000  }
0x188: {  	[sflag:s14] =	ssyncset.done $0x0  }
0x189: {  	[sflag:s14] =	ssyncadd.s32 $0xFFFFE000  }
0x18a: {  	_ =	swait.ge [sflag:s23], $0x2000  }
0x18b: {  	[sflag:s23] =	ssyncset.done $0x0  }
0x18c: {  	s16 =	rddreg [dreg:$0x7];
	[sflag:s23] =	ssyncadd.s32 $0xFFFFE000  }
0x18d: {  	[tilespmem:s13], [sflag:$0x1] =	stream.indirect.gather [spmem:s3], $0x40, s16, s21, $0xb8;
	[tilespmem:$0x19000] =	vst v63  }
0x18e: {  	s19 =	rddreg [dreg:$0x8]  }
0x18f: {  	[spmem:s1] =	stream.indirect.scatter.add.f32 [tilespmem:s22], [sflag:$0x3], $0x40, s19, s21, $0xb8;
	[tilespmem:$0x19000] =	vst v63  }
0x190: {  	_ =	swait.ge [sflag:s14], $0x2000  }
0x191: {  	[sflag:s14] =	ssyncset.done $0x0  }
0x192: {  	[sflag:s14] =	ssyncadd.s32 $0xFFFFE000  }
0x193: {  	_ =	swait.ge [sflag:s17], $0x2000  }
0x194: {  	[sflag:s17] =	ssyncset.done $0x0  }
0x195: {  	s16 =	rddreg [dreg:$0x9];
	[sflag:s17] =	ssyncadd.s32 $0xFFFFE000  }
0x196: {  	[tilespmem:s22], [sflag:$0x2] =	stream.indirect.gather [spmem:s3], $0x40, s16, s21, $0xb8;
	[tilespmem:$0x19000] =	vst v63  }
0x197: {  	s19 =	rddreg [dreg:$0xa]  }
0x198: {  	[spmem:s1] =	stream.indirect.scatter.add.f32 [tilespmem:s13], [sflag:$0x3], $0x40, s19, s21, $0xb8;
	[tilespmem:$0x19000] =	vst v63  }
0x199: {  	_ =	swait.ge [sflag:s14], $0x2000  }
0x19a: {  	[sflag:s14] =	ssyncset.done $0x0  }
0x19b: {  	[sflag:s14] =	ssyncadd.s32 $0xFFFFE000  }
0x19c: {  	_ =	swait.ge [sflag:s23], $0x2000  }
0x19d: {  	[sflag:s23] =	ssyncset.done $0x0  }
0x19e: {  	s16 =	rddreg [dreg:$0xb];
	[sflag:s23] =	ssyncadd.s32 $0xFFFFE000  }
0x19f: {  	[tilespmem:s13], [sflag:$0x1] =	stream.indirect.gather [spmem:s3], $0x40, s16, s21, $0xb8;
	[tilespmem:$0x19000] =	vst v63  }
0x1a0: {  	s19 =	rddreg [dreg:$0xc]  }
0x1a1: {  	[spmem:s1] =	stream.indirect.scatter.add.f32 [tilespmem:s22], [sflag:$0x3], $0x40, s19, s21, $0xb8;
	[tilespmem:$0x19000] =	vst v63  }
0x1a2: {  	_ =	swait.ge [sflag:s14], $0x2000  }
0x1a3: {  	[sflag:s14] =	ssyncset.done $0x0  }
0x1a4: {  	[sflag:s14] =	ssyncadd.s32 $0xFFFFE000  }
0x1a5: {  	_ =	swait.ge [sflag:s17], $0x2000  }
0x1a6: {  	[sflag:s17] =	ssyncset.done $0x0  }
0x1a7: {  	s16 =	rddreg [dreg:$0xd];
	[sflag:s17] =	ssyncadd.s32 $0xFFFFE000  }
0x1a8: {  	[tilespmem:s22], [sflag:$0x2] =	stream.indirect.gather [spmem:s3], $0x40, s16, s21, $0xb8;
	[tilespmem:$0x19000] =	vst v63  }
0x1a9: {  	s19 =	rddreg [dreg:$0xe]  }
0x1aa: {  	[spmem:s1] =	stream.indirect.scatter.add.f32 [tilespmem:s13], [sflag:$0x3], $0x40, s19, s21, $0xb8;
	[tilespmem:$0x19000] =	vst v63  }
0x1ab: {  	_ =	swait.ge [sflag:s14], $0x2000  }
0x1ac: {  	[sflag:s14] =	ssyncset.done $0x0  }
0x1ad: {  	[sflag:s14] =	ssyncadd.s32 $0xFFFFE000  }
0x1ae: {  	_ =	swait.ge [sflag:s23], $0x2000  }
0x1af: {  	[sflag:s23] =	ssyncset.done $0x0  }
0x1b0: {  	s16 =	rddreg [dreg:$0xf];
	[sflag:s23] =	ssyncadd.s32 $0xFFFFE000  }
0x1b1: {  	[tilespmem:s13], [sflag:$0x1] =	stream.indirect.gather [spmem:s3], $0x40, s16, s21, $0xb8;
	[tilespmem:$0x19000] =	vst v63  }
0x1b2: {  	s19 =	rddreg [dreg:$0x10]  }
0x1b3: {  	[spmem:s1] =	stream.indirect.scatter.add.f32 [tilespmem:s22], [sflag:$0x3], $0x40, s19, s21, $0xb8;
	[tilespmem:$0x19000] =	vst v63  }
0x1b4: {  	_ =	swait.ge [sflag:s14], $0x2000  }
0x1b5: {  	[sflag:s14] =	ssyncset.done $0x0  }
0x1b6: {  	[sflag:s14] =	ssyncadd.s32 $0xFFFFE000  }
0x1b7: {  	_ =	swait.ge [sflag:s17], $0x2000  }
0x1b8: {  	[sflag:s17] =	ssyncset.done $0x0  }
0x1b9: {  	s16 =	rddreg [dreg:$0x11];
	[sflag:s17] =	ssyncadd.s32 $0xFFFFE000  }
0x1ba: {  	[tilespmem:s22], [sflag:$0x2] =	stream.indirect.gather [spmem:s3], $0x40, s16, s21, $0xb8;
	[tilespmem:$0x19000] =	vst v63  }
0x1bb: {  	s19 =	rddreg [dreg:$0x12]  }
0x1bc: {  	[spmem:s1] =	stream.indirect.scatter.add.f32 [tilespmem:s13], [sflag:$0x3], $0x40, s19, s21, $0xb8;
	[tilespmem:$0x19000] =	vst v63  }
0x1bd: {  	_ =	swait.ge [sflag:s14], $0x2000  }
0x1be: {  	[sflag:s14] =	ssyncset.done $0x0  }
0x1bf: {  	[sflag:s14] =	ssyncadd.s32 $0xFFFFE000  }
0x1c0: {  	_ =	swait.ge [sflag:s23], $0x2000  }
0x1c1: {  	[sflag:s23] =	ssyncset.done $0x0  }
0x1c2: {  	[sflag:s23] =	ssyncadd.s32 $0xFFFFE000  }
0x1c3: {  	[tilespmem:s13], [sflag:$0x1] =	stream.indirect.gather [spmem:s3], $0x40, s24, s21, $0xb8;
	[tilespmem:$0x19000] =	vst v63  }
0x1c4: {  	_ = 	snop  }
0x1c5: {  	[spmem:s1] =	stream.indirect.scatter.add.f32 [tilespmem:s22], [sflag:$0x3], $0x40, s25, s21, $0xb8;
	[tilespmem:$0x19000] =	vst v63  }
0x1c6: {  	_ =	swait.ge [sflag:s14], $0x2000  }
0x1c7: {  	[sflag:s14] =	ssyncset.done $0x0  }
0x1c8: {  	[sflag:s14] =	ssyncadd.s32 $0xFFFFE000  }
0x1c9: {  	_ =	swait.ge [sflag:s17], $0x2000  }
0x1ca: {  	[sflag:s17] =	ssyncset.done $0x0  }
0x1cb: {  	[sflag:s17] =	ssyncadd.s32 $0xFFFFE000  }
0x1cc: {  	[tilespmem:s22], [sflag:$0x2] =	stream.indirect.gather [spmem:s3], $0x40, s26, s21, $0xb8;
	[tilespmem:$0x19000] =	vst v63  }
0x1cd: {  	_ = 	snop  }
0x1ce: {  	[spmem:s1] =	stream.indirect.scatter.add.f32 [tilespmem:s13], [sflag:$0x3], $0x40, s28, s21, $0xb8;
	[tilespmem:$0x19000] =	vst v63  }
0x1cf: {  	_ =	swait.ge [sflag:s14], $0x2000  }
0x1d0: {  	[sflag:s14] =	ssyncset.done $0x0  }
0x1d1: {  	[sflag:s14] =	ssyncadd.s32 $0xFFFFE000  }
0x1d2: {  	_ =	swait.ge [sflag:s23], $0x2000  }
0x1d3: {  	[sflag:s23] =	ssyncset.done $0x0  }
0x1d4: {  	[sflag:s23] =	ssyncadd.s32 $0xFFFFE000  }
0x1d5: {  	[tilespmem:s13], [sflag:$0x1] =	stream.indirect.gather [spmem:s3], $0x40, s29, s21, $0xb8;
	[tilespmem:$0x19000] =	vst v63  }
0x1d6: {  	_ = 	snop  }
0x1d7: {  	[spmem:s1] =	stream.indirect.scatter.add.f32 [tilespmem:s22], [sflag:$0x3], $0x40, s30, s21, $0xb8;
	[tilespmem:$0x19000] =	vst v63  }
0x1d8: {  	_ =	swait.ge [sflag:s14], $0x2000  }
0x1d9: {  	[sflag:s14] =	ssyncset.done $0x0  }
0x1da: {  	[sflag:s14] =	ssyncadd.s32 $0xFFFFE000  }
0x1db: {  	_ =	swait.ge [sflag:s17], $0x2000  }
0x1dc: {  	[sflag:s17] =	ssyncset.done $0x0  }
0x1dd: {  	[sflag:s17] =	ssyncadd.s32 $0xFFFFE000  }
0x1de: {  	[tilespmem:s22], [sflag:$0x2] =	stream.indirect.gather [spmem:s3], $0x40, s31, s21, $0xb8;
	[tilespmem:$0x19000] =	vst v63  }
0x1df: {  	_ = 	snop  }
0x1e0: {  	[spmem:s1] =	stream.indirect.scatter.add.f32 [tilespmem:s13], [sflag:$0x3], $0x40, s0, s21, $0xb8;
	[tilespmem:$0x19000] =	vst v63  }
0x1e1: {  	_ =	swait.ge [sflag:s14], $0x2000  }
0x1e2: {  	[sflag:s14] =	ssyncset.done $0x0  }
0x1e3: {  	[sflag:s14] =	ssyncadd.s32 $0xFFFFE000  }
0x1e4: {  	_ =	swait.ge [sflag:s23], $0x2000  }
0x1e5: {  	[sflag:s23] =	ssyncset.done $0x0  }
0x1e6: {  	[sflag:s23] =	ssyncadd.s32 $0xFFFFE000  }
0x1e7: {  	[tilespmem:s13], [sflag:$0x1] =	stream.indirect.gather [spmem:s3], $0x40, s2, s21, $0xb8;
	[tilespmem:$0x19000] =	vst v63  }
0x1e8: {  	_ = 	snop  }
0x1e9: {  	[spmem:s1] =	stream.indirect.scatter.add.f32 [tilespmem:s22], [sflag:$0x3], $0x40, s6, s21, $0xb8;
	[tilespmem:$0x19000] =	vst v63  }
0x1ea: {  	_ =	swait.ge [sflag:s14], $0x2000  }
0x1eb: {  	[sflag:s14] =	ssyncset.done $0x0  }
0x1ec: {  	[sflag:s14] =	ssyncadd.s32 $0xFFFFE000  }
0x1ed: {  	_ =	swait.ge [sflag:s17], $0x2000  }
0x1ee: {  	[sflag:s17] =	ssyncset.done $0x0  }
0x1ef: {  	[sflag:s17] =	ssyncadd.s32 $0xFFFFE000  }
0x1f0: {  	[tilespmem:s22], [sflag:$0x2] =	stream.indirect.gather [spmem:s3], $0x40, s7, s21, $0xb8;
	[tilespmem:$0x19000] =	vst v63  }
0x1f1: {  	_ = 	snop  }
0x1f2: {  	[spmem:s1] =	stream.indirect.scatter.add.f32 [tilespmem:s13], [sflag:$0x3], $0x40, s8, s21, $0xb8;
	[tilespmem:$0x19000] =	vst v63  }
0x1f3: {  	_ =	swait.ge [sflag:s14], $0x2000  }
0x1f4: {  	[sflag:s14] =	ssyncset.done $0x0  }
0x1f5: {  	[sflag:s14] =	ssyncadd.s32 $0xFFFFE000  }
0x1f6: {  	_ =	swait.ge [sflag:s23], $0x2000  }
0x1f7: {  	[sflag:s23] =	ssyncset.done $0x0  }
0x1f8: {  	[sflag:s23] =	ssyncadd.s32 $0xFFFFE000  }
0x1f9: {  	[tilespmem:s13], [sflag:$0x1] =	stream.indirect.gather [spmem:s3], $0x40, s9, s21, $0xb8;
	[tilespmem:$0x19000] =	vst v63  }
0x1fa: {  	_ = 	snop  }
0x1fb: {  	[spmem:s1] =	stream.indirect.scatter.add.f32 [tilespmem:s22], [sflag:$0x3], $0x40, s10, s21, $0xb8;
	[tilespmem:$0x19000] =	vst v63  }
0x1fc: {  	_ =	swait.ge [sflag:s14], $0x2000  }
0x1fd: {  	[sflag:s14] =	ssyncset.done $0x0  }
0x1fe: {  	[sflag:s14] =	ssyncadd.s32 $0xFFFFE000  }
0x1ff: {  	_ =	swait.ge [sflag:s17], $0x2000  }
0x200: {  	[sflag:s17] =	ssyncset.done $0x0  }
0x201: {  	[sflag:s17] =	ssyncadd.s32 $0xFFFFE000  }
0x202: {  	[tilespmem:s22], [sflag:$0x2] =	stream.indirect.gather [spmem:s3], $0x40, s11, s21, $0xb8;
	[tilespmem:$0x19000] =	vst v63  }
0x203: {  	_ = 	snop  }
0x204: {  	[spmem:s1] =	stream.indirect.scatter.add.f32 [tilespmem:s13], [sflag:$0x3], $0x40, s12, s21, $0xb8;
	[tilespmem:$0x19000] =	vst v63  }
0x205: {  	_ =	swait.ge [sflag:s14], $0x2000  }
0x206: {  	[sflag:s14] =	ssyncset.done $0x0  }
0x207: {  	[sflag:s14] =	ssyncadd.s32 $0xFFFFE000  }
0x208: {  	_ =	swait.ge [sflag:s23], $0x2000  }
0x209: {  	[sflag:s23] =	ssyncset.done $0x0  }
0x20a: {  	[sflag:s23] =	ssyncadd.s32 $0xFFFFE000  }
0x20b: {  	[spmem:s1] =	stream.indirect.scatter.add.f32 [tilespmem:s22], [sflag:$0x3], $0x40, s18, s21, $0xb8;
	[tilespmem:$0x19000] =	vst v63  }
0x20c: {  	_ =	swait.ge [sflag:s14], $0x2000  }
0x20d: {  	[sflag:s14] =	ssyncset.done $0x0  }
0x20e: {  	[sflag:s14] =	ssyncadd.s32 $0xFFFFE000  }
0x20f: {  	[bflag:$0x0] =	sbarrier.arrive $0xFFFF  }
0x210: {  	s16 =	rddreg [dreg:$0x13]  }
0x211: {  	s19 =	simm.s32 $0x8;
	s15 =	rddreg [dreg:$0x1a]  }
0x212: {  	s24 =	simm.s32 $0x10;
	s5 =	sshrl.u32 s16, $0x3;
	s16 =	rddreg [dreg:$0x1b]  }
0x213: {  	[hbm:s15@s24], [sflag:s16] =	dma.strided [spmem:s5@s19], $0x1400, s17, $0x8   }
0x214: {  	_ =	swait.ge [sflag:s14], $0x1400  }
0x215: {  	s19 =	rddreg [dreg:$0x1d]  }
0x216: {  	s24 =	rddreg [dreg:$0x18];
	s15 =	sadd.s32 $0x1, s19  }
0x217: {  	p0 =	sne.s32 s15, s24  }
.Ltmp2:
0x218: {  	_ = 	snop;
	(pc) =	sbr.rel @p0 .LBB2_1-.Ltmp2, $3  }
0x219: {  	_ =	sdelay $0x1  }
0x21a: {  	[sflag:s14] =	ssyncset.done $0x0  }
0x21b: {  	[sflag:s14] =	ssyncadd.s32 $0xFFFFEC00  }
0x21c: {  	_ =	sfence.sel $0x180000  }
0x21d: {  	[bflag:$0x0] =	sbarrier.arrive $0xFFFF  }
0x21e: {  	_ =	strace $0x9000004A  }
0x21f: {  	s0 =	stileid.u32;
	[bflag:$0x2] =	sbarrier.arrive $0xFFFF  }
0x220: {  	p0 =	sne.s32 s0, $0x0;
	s0 =	rddreg [dreg:$0x4]  }
0x221: {  	s0 =	sadd.s32 @!p0 $0x100000, s0  }
0x222: {  	[sflag:s0] =	ssyncadd.tile.s32 @!p0 $0x1;
	_ =	shalt  }
.Lfunc_end2:
_tile_overlayer_lowered:
.L_overlay_start_2:
0x223: {  	(tag) =	ssettag $0x2  }
0x224: {  	s0 =	rddreg [dreg:$0x0];
	s2 =	stileid.u32  }
0x225: {  	s1 =	rddreg [dreg:$0x1];
	p0 =	sne.s32 s2, $0x0  }
0x226: {  	s3 =	rddreg [dreg:$0x2];
	[bflag:$0x3] =	sbarrier.arrive $0xFFFF;
	s2 =	simm.s32 @!p0 $0x1C03  }
0x227: {  	[timem:s3], [sflag:s2] =	dma.local @!p0 [hbm:s0], s1  }
0x228: {  	s0 =	simm.s32 @!p0 $0x3  }
0x229: {  	_ =	swait.ge @!p0 [sflag:s0], s1  }
0x22a: {  	s1 =	ssub.s32 @!p0 $0x0, s1;
	[sflag:s0] =	ssyncset.done @!p0 $0x0  }
0x22b: {  	[sflag:s0] =	ssyncadd.s32 @!p0 s1  }
0x22c: {  	[bflag:$0x3] =	sbarrier.arrive $0xFFFF  }
0x22d: {  	_ =	shalt  }

</sc_bundles>
